<compile_context>
chip_gen: v7x
topology: tpu7x:2x2x1
jax: 0.10.2.dev20260603
libtpu: 0.0.44.dev20260713+nightly
codegen_flags: <defaults>
</compile_context>

<pallas_src>
import functools

import jax
import jax.numpy as jnp
from jax import lax
from jax.experimental import pallas as pl
from jax.experimental.pallas import tpu as pltpu
from jax.experimental.pallas import tpu_sc as plsc


@functools.cache
def _build(N: int, M: int, V: int, D: int):
    info = plsc.get_sparse_core_info()
    NC, NS = info.num_cores, info.num_subcores
    NW = NC * NS
    B = N * M
    assert D % NW == 0
    d_per_w = D // NW
    assert B % 16 == 0
    mesh = plsc.VectorSubcoreMesh(core_axis_name="c", subcore_axis_name="s")

    @functools.partial(
        pl.kernel,
        mesh=mesh,
        out_type=jax.ShapeDtypeStruct((N, D, M), jnp.float32),
        scratch_types=[
            pltpu.VMEM((B,), jnp.int32),
            pltpu.VMEM((d_per_w * V,), jnp.float32),
            pltpu.VMEM((d_per_w * B,), jnp.float32),
            pltpu.SemaphoreType.DMA,
            pltpu.SemaphoreType.DMA,
        ],
        compiler_params=pltpu.CompilerParams(use_tc_tiling_on_sc=True,
                                             needs_layout_passes=False),
    )
    def gather_kernel(idx_hbm, wt_hbm, out_hbm, idx_v, wrow_v, orow_v,
                      ssem, osem):
        wid = lax.axis_index("s") * NC + lax.axis_index("c")
        d0 = wid * d_per_w
        wcopies = [
            pltpu.async_copy(wt_hbm.at[d0 + dd], wrow_v.at[pl.ds(dd * V, V)],
                             ssem)
            for dd in range(d_per_w)
        ]
        icopies = [
            pltpu.async_copy(idx_hbm.at[i], idx_v.at[pl.ds(i * M, M)], ssem)
            for i in range(N)
        ]
        for c in wcopies:
            c.wait()
        outs = []
        half = N // 2
        for h in range(2):
            for i in range(h * half, (h + 1) * half):
                icopies[i].wait()

            @plsc.parallel_loop(h * half * M, (h + 1) * half * M,
                                step=16, unroll=16)
            def _gather(b):
                iv = idx_v[pl.ds(b, 16)]
                for dd in range(d_per_w):
                    orow_v[pl.ds(dd * B + b, 16)] = plsc.load_gather(
                        wrow_v, [iv + dd * V])

            outs += [
                pltpu.async_copy(orow_v.at[pl.ds(dd * B + i * M, M)],
                                 out_hbm.at[i, d0 + dd], osem)
                for dd in range(d_per_w)
                for i in range(h * half, (h + 1) * half)
            ]
        for o in outs:
            o.wait()

    return gather_kernel


@jax.jit
def kernel(embed_id, weight):
    n, m = embed_id.shape
    v, d = weight.shape
    out_t = _build(n, m, v, d)(embed_id.astype(jnp.int32), weight.T)
    return jnp.transpose(out_t, (0, 2, 1))

# --- scband reference (transcript-rebuilt; emitter-appended) ---
"""Pipeline reference for scband-embedding-ema-73856257622450 (READ-ONLY COPY).

The authoritative reference and input builder live on the scoring server;
editing this copy changes nothing except your own understanding.
"""

import jax, jax.numpy as jnp
import numpy as np

NUM_TOKENS = 8192
CODEBOOK_DIM = 64

def l2norm(t):
    return t / jnp.linalg.norm(t, axis=-1, keepdims=True)

def setup_inputs(seed: int = 0) -> dict:
    key = jax.random.key(seed)
    k1, k2 = jax.random.split(key)
    embed_id = jax.random.randint(k1, (16, 1024), 0, NUM_TOKENS)
    # kmeans_init=False path: weight = l2norm(randn(num_tokens, codebook_dim))
    weight = jax.random.normal(k2, (NUM_TOKENS, CODEBOOK_DIM), dtype=jnp.float32)
    weight = l2norm(weight)
    return {"embed_id": embed_id, "weight": weight}

def reference(embed_id, weight):
    # F.embedding(embed_id, weight) -> gather rows of codebook
    return jnp.take(weight, embed_id, axis=0)

if __name__ == "__main__":
    import jax
    _d = setup_inputs()
    print(jax.jit(kernel)(*tuple(_d.values())))

</pallas_src>

<mosaic_0001>
#map = affine_map<(d0, d1) -> (0, 0)>
#map1 = affine_map<(d0, d1) -> (0, 0, 0)>
module attributes {stable_mosaic.version = 14 : i64} {
  func.func @gather_kernel(%arg0: i32, %arg1: i32, %arg2: memref<16x1024xi32, #tpu.memory_space<hbm>>, %arg3: memref<64x8192xf32, #tpu.memory_space<hbm>>, %arg4: memref<16x64x1024xf32, #tpu.memory_space<hbm>>, %arg5: memref<16384xi32, #tpu.memory_space<vmem>>, %arg6: memref<16384xf32, #tpu.memory_space<vmem>>, %arg7: memref<32768xf32, #tpu.memory_space<vmem>>, %arg8: memref<!tpu.dma_semaphore, #tpu.memory_space<semaphore_mem>>, %arg9: memref<!tpu.dma_semaphore, #tpu.memory_space<semaphore_mem>>) attributes {dimension_semantics = [#tpu.dimension_semantics<core_parallel>, #tpu.dimension_semantics<subcore_parallel>], iteration_bounds = array<i64: 2, 16>, scalar_prefetch = 0 : i64, scratch_operands = 5 : i64, tpu.core_type = #tpu.core_type<sc_vector_subcore>, window_params = [{transform_indices = #map}, {transform_indices = #map}, {transform_indices = #map1}]} {
    %mul3A = arith.constant 2 : i32
    %mul3A_0 = arith.muli %arg1, %mul3A : i32
    %add3A = arith.addi %mul3A_0, %arg0 : i32
    %mul3A_1 = arith.constant 2 : i32
    %mul3A_2 = arith.muli %add3A, %mul3A_1 : i32
    %add3A_3 = arith.constant 0 : i32
    %add3A_4 = arith.addi %mul3A_2, %add3A_3 : i32
    %dma_start3A = arith.constant 0 : i32
    %dma_start3A_5 = tpu.memref_slice %arg6[%dma_start3A] : memref<16384xf32, #tpu.memory_space<vmem>> -> memref<8192xf32, #tpu.memory_space<vmem>>
    %dma_start3A_6 = arith.constant 0 : i32
    %dma_start3A_7 = tpu.memref_slice %arg3[%add3A_4, %dma_start3A_6] : memref<64x8192xf32, #tpu.memory_space<hbm>> -> memref<1x8192xf32, #tpu.memory_space<hbm>>
    %dma_start3A_8 = tpu.memref_squeeze %dma_start3A_7 : memref<1x8192xf32, #tpu.memory_space<hbm>> -> memref<8192xf32, #tpu.memory_space<hbm>>
    %dma_start3A_9 = arith.constant 0 : i32
    %dma_start3A_10 = tpu.memref_slice %arg6[%dma_start3A_9] : memref<16384xf32, #tpu.memory_space<vmem>> -> memref<8192xf32, #tpu.memory_space<vmem>>
    %dma_start3A_11 = arith.constant 0 : i32
    %dma_start3A_12 = tpu.memref_slice %arg3[%add3A_4, %dma_start3A_11] : memref<64x8192xf32, #tpu.memory_space<hbm>> -> memref<1x8192xf32, #tpu.memory_space<hbm>>
    %dma_start3A_13 = tpu.memref_squeeze %dma_start3A_12 : memref<1x8192xf32, #tpu.memory_space<hbm>> -> memref<8192xf32, #tpu.memory_space<hbm>>
    tpu.enqueue_dma source(%dma_start3A_13 : memref<8192xf32, #tpu.memory_space<hbm>>) target(%dma_start3A_10 : memref<8192xf32, #tpu.memory_space<vmem>>) target_semaphore(%arg8 : memref<!tpu.dma_semaphore, #tpu.memory_space<semaphore_mem>>)
    %add3A_14 = arith.constant 1 : i32
    %add3A_15 = arith.addi %mul3A_2, %add3A_14 : i32
    %dma_start3A_16 = arith.constant 8192 : i32
    %dma_start3A_17 = tpu.memref_slice %arg6[%dma_start3A_16] : memref<16384xf32, #tpu.memory_space<vmem>> -> memref<8192xf32, #tpu.memory_space<vmem>>
    %dma_start3A_18 = arith.constant 0 : i32
    %dma_start3A_19 = tpu.memref_slice %arg3[%add3A_15, %dma_start3A_18] : memref<64x8192xf32, #tpu.memory_space<hbm>> -> memref<1x8192xf32, #tpu.memory_space<hbm>>
    %dma_start3A_20 = tpu.memref_squeeze %dma_start3A_19 : memref<1x8192xf32, #tpu.memory_space<hbm>> -> memref<8192xf32, #tpu.memory_space<hbm>>
    %dma_start3A_21 = arith.constant 8192 : i32
    %dma_start3A_22 = tpu.memref_slice %arg6[%dma_start3A_21] : memref<16384xf32, #tpu.memory_space<vmem>> -> memref<8192xf32, #tpu.memory_space<vmem>>
    %dma_start3A_23 = arith.constant 0 : i32
    %dma_start3A_24 = tpu.memref_slice %arg3[%add3A_15, %dma_start3A_23] : memref<64x8192xf32, #tpu.memory_space<hbm>> -> memref<1x8192xf32, #tpu.memory_space<hbm>>
    %dma_start3A_25 = tpu.memref_squeeze %dma_start3A_24 : memref<1x8192xf32, #tpu.memory_space<hbm>> -> memref<8192xf32, #tpu.memory_space<hbm>>
    tpu.enqueue_dma source(%dma_start3A_25 : memref<8192xf32, #tpu.memory_space<hbm>>) target(%dma_start3A_22 : memref<8192xf32, #tpu.memory_space<vmem>>) target_semaphore(%arg8 : memref<!tpu.dma_semaphore, #tpu.memory_space<semaphore_mem>>)
    %dma_start3A_26 = arith.constant 0 : i32
    %dma_start3A_27 = arith.constant 0 : i32
    %dma_start3A_28 = tpu.memref_slice %arg5[%dma_start3A_27] : memref<16384xi32, #tpu.memory_space<vmem>> -> memref<1024xi32, #tpu.memory_space<vmem>>
    %dma_start3A_29 = arith.constant 0 : i32
    %dma_start3A_30 = tpu.memref_slice %arg2[%dma_start3A_26, %dma_start3A_29] : memref<16x1024xi32, #tpu.memory_space<hbm>> -> memref<1x1024xi32, #tpu.memory_space<hbm>>
    %dma_start3A_31 = tpu.memref_squeeze %dma_start3A_30 : memref<1x1024xi32, #tpu.memory_space<hbm>> -> memref<1024xi32, #tpu.memory_space<hbm>>
    %dma_start3A_32 = arith.constant 0 : i32
    %dma_start3A_33 = tpu.memref_slice %arg5[%dma_start3A_32] : memref<16384xi32, #tpu.memory_space<vmem>> -> memref<1024xi32, #tpu.memory_space<vmem>>
    %dma_start3A_34 = arith.constant 0 : i32
    %dma_start3A_35 = tpu.memref_slice %arg2[%dma_start3A_26, %dma_start3A_34] : memref<16x1024xi32, #tpu.memory_space<hbm>> -> memref<1x1024xi32, #tpu.memory_space<hbm>>
    %dma_start3A_36 = tpu.memref_squeeze %dma_start3A_35 : memref<1x1024xi32, #tpu.memory_space<hbm>> -> memref<1024xi32, #tpu.memory_space<hbm>>
    tpu.enqueue_dma source(%dma_start3A_36 : memref<1024xi32, #tpu.memory_space<hbm>>) target(%dma_start3A_33 : memref<1024xi32, #tpu.memory_space<vmem>>) target_semaphore(%arg8 : memref<!tpu.dma_semaphore, #tpu.memory_space<semaphore_mem>>)
    %dma_start3A_37 = arith.constant 1 : i32
    %dma_start3A_38 = arith.constant 1024 : i32
    %dma_start3A_39 = tpu.memref_slice %arg5[%dma_start3A_38] : memref<16384xi32, #tpu.memory_space<vmem>> -> memref<1024xi32, #tpu.memory_space<vmem>>
    %dma_start3A_40 = arith.constant 0 : i32
    %dma_start3A_41 = tpu.memref_slice %arg2[%dma_start3A_37, %dma_start3A_40] : memref<16x1024xi32, #tpu.memory_space<hbm>> -> memref<1x1024xi32, #tpu.memory_space<hbm>>
    %dma_start3A_42 = tpu.memref_squeeze %dma_start3A_41 : memref<1x1024xi32, #tpu.memory_space<hbm>> -> memref<1024xi32, #tpu.memory_space<hbm>>
    %dma_start3A_43 = arith.constant 1024 : i32
    %dma_start3A_44 = tpu.memref_slice %arg5[%dma_start3A_43] : memref<16384xi32, #tpu.memory_space<vmem>> -> memref<1024xi32, #tpu.memory_space<vmem>>
    %dma_start3A_45 = arith.constant 0 : i32
    %dma_start3A_46 = tpu.memref_slice %arg2[%dma_start3A_37, %dma_start3A_45] : memref<16x1024xi32, #tpu.memory_space<hbm>> -> memref<1x1024xi32, #tpu.memory_space<hbm>>
    %dma_start3A_47 = tpu.memref_squeeze %dma_start3A_46 : memref<1x1024xi32, #tpu.memory_space<hbm>> -> memref<1024xi32, #tpu.memory_space<hbm>>
    tpu.enqueue_dma source(%dma_start3A_47 : memref<1024xi32, #tpu.memory_space<hbm>>) target(%dma_start3A_44 : memref<1024xi32, #tpu.memory_space<vmem>>) target_semaphore(%arg8 : memref<!tpu.dma_semaphore, #tpu.memory_space<semaphore_mem>>)
    %dma_start3A_48 = arith.constant 2 : i32
    %dma_start3A_49 = arith.constant 2048 : i32
    %dma_start3A_50 = tpu.memref_slice %arg5[%dma_start3A_49] : memref<16384xi32, #tpu.memory_space<vmem>> -> memref<1024xi32, #tpu.memory_space<vmem>>
    %dma_start3A_51 = arith.constant 0 : i32
    %dma_start3A_52 = tpu.memref_slice %arg2[%dma_start3A_48, %dma_start3A_51] : memref<16x1024xi32, #tpu.memory_space<hbm>> -> memref<1x1024xi32, #tpu.memory_space<hbm>>
    %dma_start3A_53 = tpu.memref_squeeze %dma_start3A_52 : memref<1x1024xi32, #tpu.memory_space<hbm>> -> memref<1024xi32, #tpu.memory_space<hbm>>
    %dma_start3A_54 = arith.constant 2048 : i32
    %dma_start3A_55 = tpu.memref_slice %arg5[%dma_start3A_54] : memref<16384xi32, #tpu.memory_space<vmem>> -> memref<1024xi32, #tpu.memory_space<vmem>>
    %dma_start3A_56 = arith.constant 0 : i32
    %dma_start3A_57 = tpu.memref_slice %arg2[%dma_start3A_48, %dma_start3A_56] : memref<16x1024xi32, #tpu.memory_space<hbm>> -> memref<1x1024xi32, #tpu.memory_space<hbm>>
    %dma_start3A_58 = tpu.memref_squeeze %dma_start3A_57 : memref<1x1024xi32, #tpu.memory_space<hbm>> -> memref<1024xi32, #tpu.memory_space<hbm>>
    tpu.enqueue_dma source(%dma_start3A_58 : memref<1024xi32, #tpu.memory_space<hbm>>) target(%dma_start3A_55 : memref<1024xi32, #tpu.memory_space<vmem>>) target_semaphore(%arg8 : memref<!tpu.dma_semaphore, #tpu.memory_space<semaphore_mem>>)
    %dma_start3A_59 = arith.constant 3 : i32
    %dma_start3A_60 = arith.constant 3072 : i32
    %dma_start3A_61 = tpu.memref_slice %arg5[%dma_start3A_60] : memref<16384xi32, #tpu.memory_space<vmem>> -> memref<1024xi32, #tpu.memory_space<vmem>>
    %dma_start3A_62 = arith.constant 0 : i32
    %dma_start3A_63 = tpu.memref_slice %arg2[%dma_start3A_59, %dma_start3A_62] : memref<16x1024xi32, #tpu.memory_space<hbm>> -> memref<1x1024xi32, #tpu.memory_space<hbm>>
    %dma_start3A_64 = tpu.memref_squeeze %dma_start3A_63 : memref<1x1024xi32, #tpu.memory_space<hbm>> -> memref<1024xi32, #tpu.memory_space<hbm>>
    %dma_start3A_65 = arith.constant 3072 : i32
    %dma_start3A_66 = tpu.memref_slice %arg5[%dma_start3A_65] : memref<16384xi32, #tpu.memory_space<vmem>> -> memref<1024xi32, #tpu.memory_space<vmem>>
    %dma_start3A_67 = arith.constant 0 : i32
    %dma_start3A_68 = tpu.memref_slice %arg2[%dma_start3A_59, %dma_start3A_67] : memref<16x1024xi32, #tpu.memory_space<hbm>> -> memref<1x1024xi32, #tpu.memory_space<hbm>>
    %dma_start3A_69 = tpu.memref_squeeze %dma_start3A_68 : memref<1x1024xi32, #tpu.memory_space<hbm>> -> memref<1024xi32, #tpu.memory_space<hbm>>
    tpu.enqueue_dma source(%dma_start3A_69 : memref<1024xi32, #tpu.memory_space<hbm>>) target(%dma_start3A_66 : memref<1024xi32, #tpu.memory_space<vmem>>) target_semaphore(%arg8 : memref<!tpu.dma_semaphore, #tpu.memory_space<semaphore_mem>>)
    %dma_start3A_70 = arith.constant 4 : i32
    %dma_start3A_71 = arith.constant 4096 : i32
    %dma_start3A_72 = tpu.memref_slice %arg5[%dma_start3A_71] : memref<16384xi32, #tpu.memory_space<vmem>> -> memref<1024xi32, #tpu.memory_space<vmem>>
    %dma_start3A_73 = arith.constant 0 : i32
    %dma_start3A_74 = tpu.memref_slice %arg2[%dma_start3A_70, %dma_start3A_73] : memref<16x1024xi32, #tpu.memory_space<hbm>> -> memref<1x1024xi32, #tpu.memory_space<hbm>>
    %dma_start3A_75 = tpu.memref_squeeze %dma_start3A_74 : memref<1x1024xi32, #tpu.memory_space<hbm>> -> memref<1024xi32, #tpu.memory_space<hbm>>
    %dma_start3A_76 = arith.constant 4096 : i32
    %dma_start3A_77 = tpu.memref_slice %arg5[%dma_start3A_76] : memref<16384xi32, #tpu.memory_space<vmem>> -> memref<1024xi32, #tpu.memory_space<vmem>>
    %dma_start3A_78 = arith.constant 0 : i32
    %dma_start3A_79 = tpu.memref_slice %arg2[%dma_start3A_70, %dma_start3A_78] : memref<16x1024xi32, #tpu.memory_space<hbm>> -> memref<1x1024xi32, #tpu.memory_space<hbm>>
    %dma_start3A_80 = tpu.memref_squeeze %dma_start3A_79 : memref<1x1024xi32, #tpu.memory_space<hbm>> -> memref<1024xi32, #tpu.memory_space<hbm>>
    tpu.enqueue_dma source(%dma_start3A_80 : memref<1024xi32, #tpu.memory_space<hbm>>) target(%dma_start3A_77 : memref<1024xi32, #tpu.memory_space<vmem>>) target_semaphore(%arg8 : memref<!tpu.dma_semaphore, #tpu.memory_space<semaphore_mem>>)
    %dma_start3A_81 = arith.constant 5 : i32
    %dma_start3A_82 = arith.constant 5120 : i32
    %dma_start3A_83 = tpu.memref_slice %arg5[%dma_start3A_82] : memref<16384xi32, #tpu.memory_space<vmem>> -> memref<1024xi32, #tpu.memory_space<vmem>>
    %dma_start3A_84 = arith.constant 0 : i32
    %dma_start3A_85 = tpu.memref_slice %arg2[%dma_start3A_81, %dma_start3A_84] : memref<16x1024xi32, #tpu.memory_space<hbm>> -> memref<1x1024xi32, #tpu.memory_space<hbm>>
    %dma_start3A_86 = tpu.memref_squeeze %dma_start3A_85 : memref<1x1024xi32, #tpu.memory_space<hbm>> -> memref<1024xi32, #tpu.memory_space<hbm>>
    %dma_start3A_87 = arith.constant 5120 : i32
    %dma_start3A_88 = tpu.memref_slice %arg5[%dma_start3A_87] : memref<16384xi32, #tpu.memory_space<vmem>> -> memref<1024xi32, #tpu.memory_space<vmem>>
    %dma_start3A_89 = arith.constant 0 : i32
    %dma_start3A_90 = tpu.memref_slice %arg2[%dma_start3A_81, %dma_start3A_89] : memref<16x1024xi32, #tpu.memory_space<hbm>> -> memref<1x1024xi32, #tpu.memory_space<hbm>>
    %dma_start3A_91 = tpu.memref_squeeze %dma_start3A_90 : memref<1x1024xi32, #tpu.memory_space<hbm>> -> memref<1024xi32, #tpu.memory_space<hbm>>
    tpu.enqueue_dma source(%dma_start3A_91 : memref<1024xi32, #tpu.memory_space<hbm>>) target(%dma_start3A_88 : memref<1024xi32, #tpu.memory_space<vmem>>) target_semaphore(%arg8 : memref<!tpu.dma_semaphore, #tpu.memory_space<semaphore_mem>>)
    %dma_start3A_92 = arith.constant 6 : i32
    %dma_start3A_93 = arith.constant 6144 : i32
    %dma_start3A_94 = tpu.memref_slice %arg5[%dma_start3A_93] : memref<16384xi32, #tpu.memory_space<vmem>> -> memref<1024xi32, #tpu.memory_space<vmem>>
    %dma_start3A_95 = arith.constant 0 : i32
    %dma_start3A_96 = tpu.memref_slice %arg2[%dma_start3A_92, %dma_start3A_95] : memref<16x1024xi32, #tpu.memory_space<hbm>> -> memref<1x1024xi32, #tpu.memory_space<hbm>>
    %dma_start3A_97 = tpu.memref_squeeze %dma_start3A_96 : memref<1x1024xi32, #tpu.memory_space<hbm>> -> memref<1024xi32, #tpu.memory_space<hbm>>
    %dma_start3A_98 = arith.constant 6144 : i32
    %dma_start3A_99 = tpu.memref_slice %arg5[%dma_start3A_98] : memref<16384xi32, #tpu.memory_space<vmem>> -> memref<1024xi32, #tpu.memory_space<vmem>>
    %dma_start3A_100 = arith.constant 0 : i32
    %dma_start3A_101 = tpu.memref_slice %arg2[%dma_start3A_92, %dma_start3A_100] : memref<16x1024xi32, #tpu.memory_space<hbm>> -> memref<1x1024xi32, #tpu.memory_space<hbm>>
    %dma_start3A_102 = tpu.memref_squeeze %dma_start3A_101 : memref<1x1024xi32, #tpu.memory_space<hbm>> -> memref<1024xi32, #tpu.memory_space<hbm>>
    tpu.enqueue_dma source(%dma_start3A_102 : memref<1024xi32, #tpu.memory_space<hbm>>) target(%dma_start3A_99 : memref<1024xi32, #tpu.memory_space<vmem>>) target_semaphore(%arg8 : memref<!tpu.dma_semaphore, #tpu.memory_space<semaphore_mem>>)
    %dma_start3A_103 = arith.constant 7 : i32
    %dma_start3A_104 = arith.constant 7168 : i32
    %dma_start3A_105 = tpu.memref_slice %arg5[%dma_start3A_104] : memref<16384xi32, #tpu.memory_space<vmem>> -> memref<1024xi32, #tpu.memory_space<vmem>>
    %dma_start3A_106 = arith.constant 0 : i32
    %dma_start3A_107 = tpu.memref_slice %arg2[%dma_start3A_103, %dma_start3A_106] : memref<16x1024xi32, #tpu.memory_space<hbm>> -> memref<1x1024xi32, #tpu.memory_space<hbm>>
    %dma_start3A_108 = tpu.memref_squeeze %dma_start3A_107 : memref<1x1024xi32, #tpu.memory_space<hbm>> -> memref<1024xi32, #tpu.memory_space<hbm>>
    %dma_start3A_109 = arith.constant 7168 : i32
    %dma_start3A_110 = tpu.memref_slice %arg5[%dma_start3A_109] : memref<16384xi32, #tpu.memory_space<vmem>> -> memref<1024xi32, #tpu.memory_space<vmem>>
    %dma_start3A_111 = arith.constant 0 : i32
    %dma_start3A_112 = tpu.memref_slice %arg2[%dma_start3A_103, %dma_start3A_111] : memref<16x1024xi32, #tpu.memory_space<hbm>> -> memref<1x1024xi32, #tpu.memory_space<hbm>>
    %dma_start3A_113 = tpu.memref_squeeze %dma_start3A_112 : memref<1x1024xi32, #tpu.memory_space<hbm>> -> memref<1024xi32, #tpu.memory_space<hbm>>
    tpu.enqueue_dma source(%dma_start3A_113 : memref<1024xi32, #tpu.memory_space<hbm>>) target(%dma_start3A_110 : memref<1024xi32, #tpu.memory_space<vmem>>) target_semaphore(%arg8 : memref<!tpu.dma_semaphore, #tpu.memory_space<semaphore_mem>>)
    %dma_start3A_114 = arith.constant 8 : i32
    %dma_start3A_115 = arith.constant 8192 : i32
    %dma_start3A_116 = tpu.memref_slice %arg5[%dma_start3A_115] : memref<16384xi32, #tpu.memory_space<vmem>> -> memref<1024xi32, #tpu.memory_space<vmem>>
    %dma_start3A_117 = arith.constant 0 : i32
    %dma_start3A_118 = tpu.memref_slice %arg2[%dma_start3A_114, %dma_start3A_117] : memref<16x1024xi32, #tpu.memory_space<hbm>> -> memref<1x1024xi32, #tpu.memory_space<hbm>>
    %dma_start3A_119 = tpu.memref_squeeze %dma_start3A_118 : memref<1x1024xi32, #tpu.memory_space<hbm>> -> memref<1024xi32, #tpu.memory_space<hbm>>
    %dma_start3A_120 = arith.constant 8192 : i32
    %dma_start3A_121 = tpu.memref_slice %arg5[%dma_start3A_120] : memref<16384xi32, #tpu.memory_space<vmem>> -> memref<1024xi32, #tpu.memory_space<vmem>>
    %dma_start3A_122 = arith.constant 0 : i32
    %dma_start3A_123 = tpu.memref_slice %arg2[%dma_start3A_114, %dma_start3A_122] : memref<16x1024xi32, #tpu.memory_space<hbm>> -> memref<1x1024xi32, #tpu.memory_space<hbm>>
    %dma_start3A_124 = tpu.memref_squeeze %dma_start3A_123 : memref<1x1024xi32, #tpu.memory_space<hbm>> -> memref<1024xi32, #tpu.memory_space<hbm>>
    tpu.enqueue_dma source(%dma_start3A_124 : memref<1024xi32, #tpu.memory_space<hbm>>) target(%dma_start3A_121 : memref<1024xi32, #tpu.memory_space<vmem>>) target_semaphore(%arg8 : memref<!tpu.dma_semaphore, #tpu.memory_space<semaphore_mem>>)
    %dma_start3A_125 = arith.constant 9 : i32
    %dma_start3A_126 = arith.constant 9216 : i32
    %dma_start3A_127 = tpu.memref_slice %arg5[%dma_start3A_126] : memref<16384xi32, #tpu.memory_space<vmem>> -> memref<1024xi32, #tpu.memory_space<vmem>>
    %dma_start3A_128 = arith.constant 0 : i32
    %dma_start3A_129 = tpu.memref_slice %arg2[%dma_start3A_125, %dma_start3A_128] : memref<16x1024xi32, #tpu.memory_space<hbm>> -> memref<1x1024xi32, #tpu.memory_space<hbm>>
    %dma_start3A_130 = tpu.memref_squeeze %dma_start3A_129 : memref<1x1024xi32, #tpu.memory_space<hbm>> -> memref<1024xi32, #tpu.memory_space<hbm>>
    %dma_start3A_131 = arith.constant 9216 : i32
    %dma_start3A_132 = tpu.memref_slice %arg5[%dma_start3A_131] : memref<16384xi32, #tpu.memory_space<vmem>> -> memref<1024xi32, #tpu.memory_space<vmem>>
    %dma_start3A_133 = arith.constant 0 : i32
    %dma_start3A_134 = tpu.memref_slice %arg2[%dma_start3A_125, %dma_start3A_133] : memref<16x1024xi32, #tpu.memory_space<hbm>> -> memref<1x1024xi32, #tpu.memory_space<hbm>>
    %dma_start3A_135 = tpu.memref_squeeze %dma_start3A_134 : memref<1x1024xi32, #tpu.memory_space<hbm>> -> memref<1024xi32, #tpu.memory_space<hbm>>
    tpu.enqueue_dma source(%dma_start3A_135 : memref<1024xi32, #tpu.memory_space<hbm>>) target(%dma_start3A_132 : memref<1024xi32, #tpu.memory_space<vmem>>) target_semaphore(%arg8 : memref<!tpu.dma_semaphore, #tpu.memory_space<semaphore_mem>>)
    %dma_start3A_136 = arith.constant 10 : i32
    %dma_start3A_137 = arith.constant 10240 : i32
    %dma_start3A_138 = tpu.memref_slice %arg5[%dma_start3A_137] : memref<16384xi32, #tpu.memory_space<vmem>> -> memref<1024xi32, #tpu.memory_space<vmem>>
    %dma_start3A_139 = arith.constant 0 : i32
    %dma_start3A_140 = tpu.memref_slice %arg2[%dma_start3A_136, %dma_start3A_139] : memref<16x1024xi32, #tpu.memory_space<hbm>> -> memref<1x1024xi32, #tpu.memory_space<hbm>>
    %dma_start3A_141 = tpu.memref_squeeze %dma_start3A_140 : memref<1x1024xi32, #tpu.memory_space<hbm>> -> memref<1024xi32, #tpu.memory_space<hbm>>
    %dma_start3A_142 = arith.constant 10240 : i32
    %dma_start3A_143 = tpu.memref_slice %arg5[%dma_start3A_142] : memref<16384xi32, #tpu.memory_space<vmem>> -> memref<1024xi32, #tpu.memory_space<vmem>>
    %dma_start3A_144 = arith.constant 0 : i32
    %dma_start3A_145 = tpu.memref_slice %arg2[%dma_start3A_136, %dma_start3A_144] : memref<16x1024xi32, #tpu.memory_space<hbm>> -> memref<1x1024xi32, #tpu.memory_space<hbm>>
    %dma_start3A_146 = tpu.memref_squeeze %dma_start3A_145 : memref<1x1024xi32, #tpu.memory_space<hbm>> -> memref<1024xi32, #tpu.memory_space<hbm>>
    tpu.enqueue_dma source(%dma_start3A_146 : memref<1024xi32, #tpu.memory_space<hbm>>) target(%dma_start3A_143 : memref<1024xi32, #tpu.memory_space<vmem>>) target_semaphore(%arg8 : memref<!tpu.dma_semaphore, #tpu.memory_space<semaphore_mem>>)
    %dma_start3A_147 = arith.constant 11 : i32
    %dma_start3A_148 = arith.constant 11264 : i32
    %dma_start3A_149 = tpu.memref_slice %arg5[%dma_start3A_148] : memref<16384xi32, #tpu.memory_space<vmem>> -> memref<1024xi32, #tpu.memory_space<vmem>>
    %dma_start3A_150 = arith.constant 0 : i32
    %dma_start3A_151 = tpu.memref_slice %arg2[%dma_start3A_147, %dma_start3A_150] : memref<16x1024xi32, #tpu.memory_space<hbm>> -> memref<1x1024xi32, #tpu.memory_space<hbm>>
    %dma_start3A_152 = tpu.memref_squeeze %dma_start3A_151 : memref<1x1024xi32, #tpu.memory_space<hbm>> -> memref<1024xi32, #tpu.memory_space<hbm>>
    %dma_start3A_153 = arith.constant 11264 : i32
    %dma_start3A_154 = tpu.memref_slice %arg5[%dma_start3A_153] : memref<16384xi32, #tpu.memory_space<vmem>> -> memref<1024xi32, #tpu.memory_space<vmem>>
    %dma_start3A_155 = arith.constant 0 : i32
    %dma_start3A_156 = tpu.memref_slice %arg2[%dma_start3A_147, %dma_start3A_155] : memref<16x1024xi32, #tpu.memory_space<hbm>> -> memref<1x1024xi32, #tpu.memory_space<hbm>>
    %dma_start3A_157 = tpu.memref_squeeze %dma_start3A_156 : memref<1x1024xi32, #tpu.memory_space<hbm>> -> memref<1024xi32, #tpu.memory_space<hbm>>
    tpu.enqueue_dma source(%dma_start3A_157 : memref<1024xi32, #tpu.memory_space<hbm>>) target(%dma_start3A_154 : memref<1024xi32, #tpu.memory_space<vmem>>) target_semaphore(%arg8 : memref<!tpu.dma_semaphore, #tpu.memory_space<semaphore_mem>>)
    %dma_start3A_158 = arith.constant 12 : i32
    %dma_start3A_159 = arith.constant 12288 : i32
    %dma_start3A_160 = tpu.memref_slice %arg5[%dma_start3A_159] : memref<16384xi32, #tpu.memory_space<vmem>> -> memref<1024xi32, #tpu.memory_space<vmem>>
    %dma_start3A_161 = arith.constant 0 : i32
    %dma_start3A_162 = tpu.memref_slice %arg2[%dma_start3A_158, %dma_start3A_161] : memref<16x1024xi32, #tpu.memory_space<hbm>> -> memref<1x1024xi32, #tpu.memory_space<hbm>>
    %dma_start3A_163 = tpu.memref_squeeze %dma_start3A_162 : memref<1x1024xi32, #tpu.memory_space<hbm>> -> memref<1024xi32, #tpu.memory_space<hbm>>
    %dma_start3A_164 = arith.constant 12288 : i32
    %dma_start3A_165 = tpu.memref_slice %arg5[%dma_start3A_164] : memref<16384xi32, #tpu.memory_space<vmem>> -> memref<1024xi32, #tpu.memory_space<vmem>>
    %dma_start3A_166 = arith.constant 0 : i32
    %dma_start3A_167 = tpu.memref_slice %arg2[%dma_start3A_158, %dma_start3A_166] : memref<16x1024xi32, #tpu.memory_space<hbm>> -> memref<1x1024xi32, #tpu.memory_space<hbm>>
    %dma_start3A_168 = tpu.memref_squeeze %dma_start3A_167 : memref<1x1024xi32, #tpu.memory_space<hbm>> -> memref<1024xi32, #tpu.memory_space<hbm>>
    tpu.enqueue_dma source(%dma_start3A_168 : memref<1024xi32, #tpu.memory_space<hbm>>) target(%dma_start3A_165 : memref<1024xi32, #tpu.memory_space<vmem>>) target_semaphore(%arg8 : memref<!tpu.dma_semaphore, #tpu.memory_space<semaphore_mem>>)
    %dma_start3A_169 = arith.constant 13 : i32
    %dma_start3A_170 = arith.constant 13312 : i32
    %dma_start3A_171 = tpu.memref_slice %arg5[%dma_start3A_170] : memref<16384xi32, #tpu.memory_space<vmem>> -> memref<1024xi32, #tpu.memory_space<vmem>>
    %dma_start3A_172 = arith.constant 0 : i32
    %dma_start3A_173 = tpu.memref_slice %arg2[%dma_start3A_169, %dma_start3A_172] : memref<16x1024xi32, #tpu.memory_space<hbm>> -> memref<1x1024xi32, #tpu.memory_space<hbm>>
    %dma_start3A_174 = tpu.memref_squeeze %dma_start3A_173 : memref<1x1024xi32, #tpu.memory_space<hbm>> -> memref<1024xi32, #tpu.memory_space<hbm>>
    %dma_start3A_175 = arith.constant 13312 : i32
    %dma_start3A_176 = tpu.memref_slice %arg5[%dma_start3A_175] : memref<16384xi32, #tpu.memory_space<vmem>> -> memref<1024xi32, #tpu.memory_space<vmem>>
    %dma_start3A_177 = arith.constant 0 : i32
    %dma_start3A_178 = tpu.memref_slice %arg2[%dma_start3A_169, %dma_start3A_177] : memref<16x1024xi32, #tpu.memory_space<hbm>> -> memref<1x1024xi32, #tpu.memory_space<hbm>>
    %dma_start3A_179 = tpu.memref_squeeze %dma_start3A_178 : memref<1x1024xi32, #tpu.memory_space<hbm>> -> memref<1024xi32, #tpu.memory_space<hbm>>
    tpu.enqueue_dma source(%dma_start3A_179 : memref<1024xi32, #tpu.memory_space<hbm>>) target(%dma_start3A_176 : memref<1024xi32, #tpu.memory_space<vmem>>) target_semaphore(%arg8 : memref<!tpu.dma_semaphore, #tpu.memory_space<semaphore_mem>>)
    %dma_start3A_180 = arith.constant 14 : i32
    %dma_start3A_181 = arith.constant 14336 : i32
    %dma_start3A_182 = tpu.memref_slice %arg5[%dma_start3A_181] : memref<16384xi32, #tpu.memory_space<vmem>> -> memref<1024xi32, #tpu.memory_space<vmem>>
    %dma_start3A_183 = arith.constant 0 : i32
    %dma_start3A_184 = tpu.memref_slice %arg2[%dma_start3A_180, %dma_start3A_183] : memref<16x1024xi32, #tpu.memory_space<hbm>> -> memref<1x1024xi32, #tpu.memory_space<hbm>>
    %dma_start3A_185 = tpu.memref_squeeze %dma_start3A_184 : memref<1x1024xi32, #tpu.memory_space<hbm>> -> memref<1024xi32, #tpu.memory_space<hbm>>
    %dma_start3A_186 = arith.constant 14336 : i32
    %dma_start3A_187 = tpu.memref_slice %arg5[%dma_start3A_186] : memref<16384xi32, #tpu.memory_space<vmem>> -> memref<1024xi32, #tpu.memory_space<vmem>>
    %dma_start3A_188 = arith.constant 0 : i32
    %dma_start3A_189 = tpu.memref_slice %arg2[%dma_start3A_180, %dma_start3A_188] : memref<16x1024xi32, #tpu.memory_space<hbm>> -> memref<1x1024xi32, #tpu.memory_space<hbm>>
    %dma_start3A_190 = tpu.memref_squeeze %dma_start3A_189 : memref<1x1024xi32, #tpu.memory_space<hbm>> -> memref<1024xi32, #tpu.memory_space<hbm>>
    tpu.enqueue_dma source(%dma_start3A_190 : memref<1024xi32, #tpu.memory_space<hbm>>) target(%dma_start3A_187 : memref<1024xi32, #tpu.memory_space<vmem>>) target_semaphore(%arg8 : memref<!tpu.dma_semaphore, #tpu.memory_space<semaphore_mem>>)
    %dma_start3A_191 = arith.constant 15 : i32
    %dma_start3A_192 = arith.constant 15360 : i32
    %dma_start3A_193 = tpu.memref_slice %arg5[%dma_start3A_192] : memref<16384xi32, #tpu.memory_space<vmem>> -> memref<1024xi32, #tpu.memory_space<vmem>>
    %dma_start3A_194 = arith.constant 0 : i32
    %dma_start3A_195 = tpu.memref_slice %arg2[%dma_start3A_191, %dma_start3A_194] : memref<16x1024xi32, #tpu.memory_space<hbm>> -> memref<1x1024xi32, #tpu.memory_space<hbm>>
    %dma_start3A_196 = tpu.memref_squeeze %dma_start3A_195 : memref<1x1024xi32, #tpu.memory_space<hbm>> -> memref<1024xi32, #tpu.memory_space<hbm>>
    %dma_start3A_197 = arith.constant 15360 : i32
    %dma_start3A_198 = tpu.memref_slice %arg5[%dma_start3A_197] : memref<16384xi32, #tpu.memory_space<vmem>> -> memref<1024xi32, #tpu.memory_space<vmem>>
    %dma_start3A_199 = arith.constant 0 : i32
    %dma_start3A_200 = tpu.memref_slice %arg2[%dma_start3A_191, %dma_start3A_199] : memref<16x1024xi32, #tpu.memory_space<hbm>> -> memref<1x1024xi32, #tpu.memory_space<hbm>>
    %dma_start3A_201 = tpu.memref_squeeze %dma_start3A_200 : memref<1x1024xi32, #tpu.memory_space<hbm>> -> memref<1024xi32, #tpu.memory_space<hbm>>
    tpu.enqueue_dma source(%dma_start3A_201 : memref<1024xi32, #tpu.memory_space<hbm>>) target(%dma_start3A_198 : memref<1024xi32, #tpu.memory_space<vmem>>) target_semaphore(%arg8 : memref<!tpu.dma_semaphore, #tpu.memory_space<semaphore_mem>>)
    %dma_wait3A = arith.constant 0 : i32
    %dma_wait3A_202 = tpu.memref_slice %arg6[%dma_wait3A] : memref<16384xf32, #tpu.memory_space<vmem>> -> memref<8192xf32, #tpu.memory_space<vmem>>
    %dma_wait3A_203 = arith.constant 0 : i32
    %dma_wait3A_204 = tpu.memref_slice %arg3[%add3A_4, %dma_wait3A_203] : memref<64x8192xf32, #tpu.memory_space<hbm>> -> memref<1x8192xf32, #tpu.memory_space<hbm>>
    %dma_wait3A_205 = tpu.memref_squeeze %dma_wait3A_204 : memref<1x8192xf32, #tpu.memory_space<hbm>> -> memref<8192xf32, #tpu.memory_space<hbm>>
    %dma_wait3A_206 = arith.constant 0 : i32
    %dma_wait3A_207 = tpu.memref_slice %arg6[%dma_wait3A_206] : memref<16384xf32, #tpu.memory_space<vmem>> -> memref<8192xf32, #tpu.memory_space<vmem>>
    %dma_wait3A_208 = arith.constant 0 : i32
    %dma_wait3A_209 = tpu.memref_slice %arg3[%add3A_4, %dma_wait3A_208] : memref<64x8192xf32, #tpu.memory_space<hbm>> -> memref<1x8192xf32, #tpu.memory_space<hbm>>
    %dma_wait3A_210 = tpu.memref_squeeze %dma_wait3A_209 : memref<1x8192xf32, #tpu.memory_space<hbm>> -> memref<8192xf32, #tpu.memory_space<hbm>>
    tpu.wait_dma2 semaphore(%arg8 : memref<!tpu.dma_semaphore, #tpu.memory_space<semaphore_mem>>) src(%dma_wait3A_210 : memref<8192xf32, #tpu.memory_space<hbm>>) dst(%dma_wait3A_207 : memref<8192xf32, #tpu.memory_space<vmem>>)
    %dma_wait3A_211 = arith.constant 8192 : i32
    %dma_wait3A_212 = tpu.memref_slice %arg6[%dma_wait3A_211] : memref<16384xf32, #tpu.memory_space<vmem>> -> memref<8192xf32, #tpu.memory_space<vmem>>
    %dma_wait3A_213 = arith.constant 0 : i32
    %dma_wait3A_214 = tpu.memref_slice %arg3[%add3A_15, %dma_wait3A_213] : memref<64x8192xf32, #tpu.memory_space<hbm>> -> memref<1x8192xf32, #tpu.memory_space<hbm>>
    %dma_wait3A_215 = tpu.memref_squeeze %dma_wait3A_214 : memref<1x8192xf32, #tpu.memory_space<hbm>> -> memref<8192xf32, #tpu.memory_space<hbm>>
    %dma_wait3A_216 = arith.constant 8192 : i32
    %dma_wait3A_217 = tpu.memref_slice %arg6[%dma_wait3A_216] : memref<16384xf32, #tpu.memory_space<vmem>> -> memref<8192xf32, #tpu.memory_space<vmem>>
    %dma_wait3A_218 = arith.constant 0 : i32
    %dma_wait3A_219 = tpu.memref_slice %arg3[%add3A_15, %dma_wait3A_218] : memref<64x8192xf32, #tpu.memory_space<hbm>> -> memref<1x8192xf32, #tpu.memory_space<hbm>>
    %dma_wait3A_220 = tpu.memref_squeeze %dma_wait3A_219 : memref<1x8192xf32, #tpu.memory_space<hbm>> -> memref<8192xf32, #tpu.memory_space<hbm>>
    tpu.wait_dma2 semaphore(%arg8 : memref<!tpu.dma_semaphore, #tpu.memory_space<semaphore_mem>>) src(%dma_wait3A_220 : memref<8192xf32, #tpu.memory_space<hbm>>) dst(%dma_wait3A_217 : memref<8192xf32, #tpu.memory_space<vmem>>)
    %dma_wait3A_221 = arith.constant 0 : i32
    %dma_wait3A_222 = arith.constant 0 : i32
    %dma_wait3A_223 = tpu.memref_slice %arg5[%dma_wait3A_222] : memref<16384xi32, #tpu.memory_space<vmem>> -> memref<1024xi32, #tpu.memory_space<vmem>>
    %dma_wait3A_224 = arith.constant 0 : i32
    %dma_wait3A_225 = tpu.memref_slice %arg2[%dma_wait3A_221, %dma_wait3A_224] : memref<16x1024xi32, #tpu.memory_space<hbm>> -> memref<1x1024xi32, #tpu.memory_space<hbm>>
    %dma_wait3A_226 = tpu.memref_squeeze %dma_wait3A_225 : memref<1x1024xi32, #tpu.memory_space<hbm>> -> memref<1024xi32, #tpu.memory_space<hbm>>
    %dma_wait3A_227 = arith.constant 0 : i32
    %dma_wait3A_228 = tpu.memref_slice %arg5[%dma_wait3A_227] : memref<16384xi32, #tpu.memory_space<vmem>> -> memref<1024xi32, #tpu.memory_space<vmem>>
    %dma_wait3A_229 = arith.constant 0 : i32
    %dma_wait3A_230 = tpu.memref_slice %arg2[%dma_wait3A_221, %dma_wait3A_229] : memref<16x1024xi32, #tpu.memory_space<hbm>> -> memref<1x1024xi32, #tpu.memory_space<hbm>>
    %dma_wait3A_231 = tpu.memref_squeeze %dma_wait3A_230 : memref<1x1024xi32, #tpu.memory_space<hbm>> -> memref<1024xi32, #tpu.memory_space<hbm>>
    tpu.wait_dma2 semaphore(%arg8 : memref<!tpu.dma_semaphore, #tpu.memory_space<semaphore_mem>>) src(%dma_wait3A_231 : memref<1024xi32, #tpu.memory_space<hbm>>) dst(%dma_wait3A_228 : memref<1024xi32, #tpu.memory_space<vmem>>)
    %dma_wait3A_232 = arith.constant 1 : i32
    %dma_wait3A_233 = arith.constant 1024 : i32
    %dma_wait3A_234 = tpu.memref_slice %arg5[%dma_wait3A_233] : memref<16384xi32, #tpu.memory_space<vmem>> -> memref<1024xi32, #tpu.memory_space<vmem>>
    %dma_wait3A_235 = arith.constant 0 : i32
    %dma_wait3A_236 = tpu.memref_slice %arg2[%dma_wait3A_232, %dma_wait3A_235] : memref<16x1024xi32, #tpu.memory_space<hbm>> -> memref<1x1024xi32, #tpu.memory_space<hbm>>
    %dma_wait3A_237 = tpu.memref_squeeze %dma_wait3A_236 : memref<1x1024xi32, #tpu.memory_space<hbm>> -> memref<1024xi32, #tpu.memory_space<hbm>>
    %dma_wait3A_238 = arith.constant 1024 : i32
    %dma_wait3A_239 = tpu.memref_slice %arg5[%dma_wait3A_238] : memref<16384xi32, #tpu.memory_space<vmem>> -> memref<1024xi32, #tpu.memory_space<vmem>>
    %dma_wait3A_240 = arith.constant 0 : i32
    %dma_wait3A_241 = tpu.memref_slice %arg2[%dma_wait3A_232, %dma_wait3A_240] : memref<16x1024xi32, #tpu.memory_space<hbm>> -> memref<1x1024xi32, #tpu.memory_space<hbm>>
    %dma_wait3A_242 = tpu.memref_squeeze %dma_wait3A_241 : memref<1x1024xi32, #tpu.memory_space<hbm>> -> memref<1024xi32, #tpu.memory_space<hbm>>
    tpu.wait_dma2 semaphore(%arg8 : memref<!tpu.dma_semaphore, #tpu.memory_space<semaphore_mem>>) src(%dma_wait3A_242 : memref<1024xi32, #tpu.memory_space<hbm>>) dst(%dma_wait3A_239 : memref<1024xi32, #tpu.memory_space<vmem>>)
    %dma_wait3A_243 = arith.constant 2 : i32
    %dma_wait3A_244 = arith.constant 2048 : i32
    %dma_wait3A_245 = tpu.memref_slice %arg5[%dma_wait3A_244] : memref<16384xi32, #tpu.memory_space<vmem>> -> memref<1024xi32, #tpu.memory_space<vmem>>
    %dma_wait3A_246 = arith.constant 0 : i32
    %dma_wait3A_247 = tpu.memref_slice %arg2[%dma_wait3A_243, %dma_wait3A_246] : memref<16x1024xi32, #tpu.memory_space<hbm>> -> memref<1x1024xi32, #tpu.memory_space<hbm>>
    %dma_wait3A_248 = tpu.memref_squeeze %dma_wait3A_247 : memref<1x1024xi32, #tpu.memory_space<hbm>> -> memref<1024xi32, #tpu.memory_space<hbm>>
    %dma_wait3A_249 = arith.constant 2048 : i32
    %dma_wait3A_250 = tpu.memref_slice %arg5[%dma_wait3A_249] : memref<16384xi32, #tpu.memory_space<vmem>> -> memref<1024xi32, #tpu.memory_space<vmem>>
    %dma_wait3A_251 = arith.constant 0 : i32
    %dma_wait3A_252 = tpu.memref_slice %arg2[%dma_wait3A_243, %dma_wait3A_251] : memref<16x1024xi32, #tpu.memory_space<hbm>> -> memref<1x1024xi32, #tpu.memory_space<hbm>>
    %dma_wait3A_253 = tpu.memref_squeeze %dma_wait3A_252 : memref<1x1024xi32, #tpu.memory_space<hbm>> -> memref<1024xi32, #tpu.memory_space<hbm>>
    tpu.wait_dma2 semaphore(%arg8 : memref<!tpu.dma_semaphore, #tpu.memory_space<semaphore_mem>>) src(%dma_wait3A_253 : memref<1024xi32, #tpu.memory_space<hbm>>) dst(%dma_wait3A_250 : memref<1024xi32, #tpu.memory_space<vmem>>)
    %dma_wait3A_254 = arith.constant 3 : i32
    %dma_wait3A_255 = arith.constant 3072 : i32
    %dma_wait3A_256 = tpu.memref_slice %arg5[%dma_wait3A_255] : memref<16384xi32, #tpu.memory_space<vmem>> -> memref<1024xi32, #tpu.memory_space<vmem>>
    %dma_wait3A_257 = arith.constant 0 : i32
    %dma_wait3A_258 = tpu.memref_slice %arg2[%dma_wait3A_254, %dma_wait3A_257] : memref<16x1024xi32, #tpu.memory_space<hbm>> -> memref<1x1024xi32, #tpu.memory_space<hbm>>
    %dma_wait3A_259 = tpu.memref_squeeze %dma_wait3A_258 : memref<1x1024xi32, #tpu.memory_space<hbm>> -> memref<1024xi32, #tpu.memory_space<hbm>>
    %dma_wait3A_260 = arith.constant 3072 : i32
    %dma_wait3A_261 = tpu.memref_slice %arg5[%dma_wait3A_260] : memref<16384xi32, #tpu.memory_space<vmem>> -> memref<1024xi32, #tpu.memory_space<vmem>>
    %dma_wait3A_262 = arith.constant 0 : i32
    %dma_wait3A_263 = tpu.memref_slice %arg2[%dma_wait3A_254, %dma_wait3A_262] : memref<16x1024xi32, #tpu.memory_space<hbm>> -> memref<1x1024xi32, #tpu.memory_space<hbm>>
    %dma_wait3A_264 = tpu.memref_squeeze %dma_wait3A_263 : memref<1x1024xi32, #tpu.memory_space<hbm>> -> memref<1024xi32, #tpu.memory_space<hbm>>
    tpu.wait_dma2 semaphore(%arg8 : memref<!tpu.dma_semaphore, #tpu.memory_space<semaphore_mem>>) src(%dma_wait3A_264 : memref<1024xi32, #tpu.memory_space<hbm>>) dst(%dma_wait3A_261 : memref<1024xi32, #tpu.memory_space<vmem>>)
    %dma_wait3A_265 = arith.constant 4 : i32
    %dma_wait3A_266 = arith.constant 4096 : i32
    %dma_wait3A_267 = tpu.memref_slice %arg5[%dma_wait3A_266] : memref<16384xi32, #tpu.memory_space<vmem>> -> memref<1024xi32, #tpu.memory_space<vmem>>
    %dma_wait3A_268 = arith.constant 0 : i32
    %dma_wait3A_269 = tpu.memref_slice %arg2[%dma_wait3A_265, %dma_wait3A_268] : memref<16x1024xi32, #tpu.memory_space<hbm>> -> memref<1x1024xi32, #tpu.memory_space<hbm>>
    %dma_wait3A_270 = tpu.memref_squeeze %dma_wait3A_269 : memref<1x1024xi32, #tpu.memory_space<hbm>> -> memref<1024xi32, #tpu.memory_space<hbm>>
    %dma_wait3A_271 = arith.constant 4096 : i32
    %dma_wait3A_272 = tpu.memref_slice %arg5[%dma_wait3A_271] : memref<16384xi32, #tpu.memory_space<vmem>> -> memref<1024xi32, #tpu.memory_space<vmem>>
    %dma_wait3A_273 = arith.constant 0 : i32
    %dma_wait3A_274 = tpu.memref_slice %arg2[%dma_wait3A_265, %dma_wait3A_273] : memref<16x1024xi32, #tpu.memory_space<hbm>> -> memref<1x1024xi32, #tpu.memory_space<hbm>>
    %dma_wait3A_275 = tpu.memref_squeeze %dma_wait3A_274 : memref<1x1024xi32, #tpu.memory_space<hbm>> -> memref<1024xi32, #tpu.memory_space<hbm>>
    tpu.wait_dma2 semaphore(%arg8 : memref<!tpu.dma_semaphore, #tpu.memory_space<semaphore_mem>>) src(%dma_wait3A_275 : memref<1024xi32, #tpu.memory_space<hbm>>) dst(%dma_wait3A_272 : memref<1024xi32, #tpu.memory_space<vmem>>)
    %dma_wait3A_276 = arith.constant 5 : i32
    %dma_wait3A_277 = arith.constant 5120 : i32
    %dma_wait3A_278 = tpu.memref_slice %arg5[%dma_wait3A_277] : memref<16384xi32, #tpu.memory_space<vmem>> -> memref<1024xi32, #tpu.memory_space<vmem>>
    %dma_wait3A_279 = arith.constant 0 : i32
    %dma_wait3A_280 = tpu.memref_slice %arg2[%dma_wait3A_276, %dma_wait3A_279] : memref<16x1024xi32, #tpu.memory_space<hbm>> -> memref<1x1024xi32, #tpu.memory_space<hbm>>
    %dma_wait3A_281 = tpu.memref_squeeze %dma_wait3A_280 : memref<1x1024xi32, #tpu.memory_space<hbm>> -> memref<1024xi32, #tpu.memory_space<hbm>>
    %dma_wait3A_282 = arith.constant 5120 : i32
    %dma_wait3A_283 = tpu.memref_slice %arg5[%dma_wait3A_282] : memref<16384xi32, #tpu.memory_space<vmem>> -> memref<1024xi32, #tpu.memory_space<vmem>>
    %dma_wait3A_284 = arith.constant 0 : i32
    %dma_wait3A_285 = tpu.memref_slice %arg2[%dma_wait3A_276, %dma_wait3A_284] : memref<16x1024xi32, #tpu.memory_space<hbm>> -> memref<1x1024xi32, #tpu.memory_space<hbm>>
    %dma_wait3A_286 = tpu.memref_squeeze %dma_wait3A_285 : memref<1x1024xi32, #tpu.memory_space<hbm>> -> memref<1024xi32, #tpu.memory_space<hbm>>
    tpu.wait_dma2 semaphore(%arg8 : memref<!tpu.dma_semaphore, #tpu.memory_space<semaphore_mem>>) src(%dma_wait3A_286 : memref<1024xi32, #tpu.memory_space<hbm>>) dst(%dma_wait3A_283 : memref<1024xi32, #tpu.memory_space<vmem>>)
    %dma_wait3A_287 = arith.constant 6 : i32
    %dma_wait3A_288 = arith.constant 6144 : i32
    %dma_wait3A_289 = tpu.memref_slice %arg5[%dma_wait3A_288] : memref<16384xi32, #tpu.memory_space<vmem>> -> memref<1024xi32, #tpu.memory_space<vmem>>
    %dma_wait3A_290 = arith.constant 0 : i32
    %dma_wait3A_291 = tpu.memref_slice %arg2[%dma_wait3A_287, %dma_wait3A_290] : memref<16x1024xi32, #tpu.memory_space<hbm>> -> memref<1x1024xi32, #tpu.memory_space<hbm>>
    %dma_wait3A_292 = tpu.memref_squeeze %dma_wait3A_291 : memref<1x1024xi32, #tpu.memory_space<hbm>> -> memref<1024xi32, #tpu.memory_space<hbm>>
    %dma_wait3A_293 = arith.constant 6144 : i32
    %dma_wait3A_294 = tpu.memref_slice %arg5[%dma_wait3A_293] : memref<16384xi32, #tpu.memory_space<vmem>> -> memref<1024xi32, #tpu.memory_space<vmem>>
    %dma_wait3A_295 = arith.constant 0 : i32
    %dma_wait3A_296 = tpu.memref_slice %arg2[%dma_wait3A_287, %dma_wait3A_295] : memref<16x1024xi32, #tpu.memory_space<hbm>> -> memref<1x1024xi32, #tpu.memory_space<hbm>>
    %dma_wait3A_297 = tpu.memref_squeeze %dma_wait3A_296 : memref<1x1024xi32, #tpu.memory_space<hbm>> -> memref<1024xi32, #tpu.memory_space<hbm>>
    tpu.wait_dma2 semaphore(%arg8 : memref<!tpu.dma_semaphore, #tpu.memory_space<semaphore_mem>>) src(%dma_wait3A_297 : memref<1024xi32, #tpu.memory_space<hbm>>) dst(%dma_wait3A_294 : memref<1024xi32, #tpu.memory_space<vmem>>)
    %dma_wait3A_298 = arith.constant 7 : i32
    %dma_wait3A_299 = arith.constant 7168 : i32
    %dma_wait3A_300 = tpu.memref_slice %arg5[%dma_wait3A_299] : memref<16384xi32, #tpu.memory_space<vmem>> -> memref<1024xi32, #tpu.memory_space<vmem>>
    %dma_wait3A_301 = arith.constant 0 : i32
    %dma_wait3A_302 = tpu.memref_slice %arg2[%dma_wait3A_298, %dma_wait3A_301] : memref<16x1024xi32, #tpu.memory_space<hbm>> -> memref<1x1024xi32, #tpu.memory_space<hbm>>
    %dma_wait3A_303 = tpu.memref_squeeze %dma_wait3A_302 : memref<1x1024xi32, #tpu.memory_space<hbm>> -> memref<1024xi32, #tpu.memory_space<hbm>>
    %dma_wait3A_304 = arith.constant 7168 : i32
    %dma_wait3A_305 = tpu.memref_slice %arg5[%dma_wait3A_304] : memref<16384xi32, #tpu.memory_space<vmem>> -> memref<1024xi32, #tpu.memory_space<vmem>>
    %dma_wait3A_306 = arith.constant 0 : i32
    %dma_wait3A_307 = tpu.memref_slice %arg2[%dma_wait3A_298, %dma_wait3A_306] : memref<16x1024xi32, #tpu.memory_space<hbm>> -> memref<1x1024xi32, #tpu.memory_space<hbm>>
    %dma_wait3A_308 = tpu.memref_squeeze %dma_wait3A_307 : memref<1x1024xi32, #tpu.memory_space<hbm>> -> memref<1024xi32, #tpu.memory_space<hbm>>
    tpu.wait_dma2 semaphore(%arg8 : memref<!tpu.dma_semaphore, #tpu.memory_space<semaphore_mem>>) src(%dma_wait3A_308 : memref<1024xi32, #tpu.memory_space<hbm>>) dst(%dma_wait3A_305 : memref<1024xi32, #tpu.memory_space<vmem>>)
    %parallel_loop3A = arith.constant 0 : i32
    %parallel_loop3A_309 = arith.constant 8192 : i32
    %parallel_loop3A_310 = arith.constant 16 : i32
    scf.for %parallel_loop3A_1170 = %parallel_loop3A to %parallel_loop3A_309 step %parallel_loop3A_310  : i32 {
      %parallel_loop3A_1171 = arith.index_cast %parallel_loop3A_1170 : i32 to index
      %parallel_loop3A_1172 = tpu.vector_load %arg5[%parallel_loop3A_1171] {strides = array<i32>} : memref<16384xi32, #tpu.memory_space<vmem>>, vector<16xi32>,
      %parallel_loop3A_1173 = arith.constant 0 : i32
      %parallel_loop3A_1174 = vector.broadcast %parallel_loop3A_1173 : i32 to vector<16xi32>
      %parallel_loop3A_1175 = arith.addi %parallel_loop3A_1172, %parallel_loop3A_1174 : vector<16xi32>
      %parallel_loop3A_1176 = tpu.vector_load_idx %arg6[%parallel_loop3A_1175] : memref<16384xf32, #tpu.memory_space<vmem>>[vector<16xi32>], vector<16xf32>,
      %parallel_loop3A_1177 = arith.constant 0 : i32
      %parallel_loop3A_1178 = arith.addi %parallel_loop3A_1177, %parallel_loop3A_1170 : i32
      %parallel_loop3A_1179 = arith.index_cast %parallel_loop3A_1178 : i32 to index
      %parallel_loop3A_1180 = tpu.vector_load %arg7[%parallel_loop3A_1179] {strides = array<i32>} : memref<32768xf32, #tpu.memory_space<vmem>>, vector<16xf32>,
      tpu.vector_store %arg7[%parallel_loop3A_1179], %parallel_loop3A_1176 {strides = array<i32>} : memref<32768xf32, #tpu.memory_space<vmem>>, vector<16xf32>,
      %parallel_loop3A_1181 = arith.constant 8192 : i32
      %parallel_loop3A_1182 = vector.broadcast %parallel_loop3A_1181 : i32 to vector<16xi32>
      %parallel_loop3A_1183 = arith.addi %parallel_loop3A_1172, %parallel_loop3A_1182 : vector<16xi32>
      %parallel_loop3A_1184 = tpu.vector_load_idx %arg6[%parallel_loop3A_1183] : memref<16384xf32, #tpu.memory_space<vmem>>[vector<16xi32>], vector<16xf32>,
      %parallel_loop3A_1185 = arith.constant 16384 : i32
      %parallel_loop3A_1186 = arith.addi %parallel_loop3A_1185, %parallel_loop3A_1170 : i32
      %parallel_loop3A_1187 = arith.index_cast %parallel_loop3A_1186 : i32 to index
      %parallel_loop3A_1188 = tpu.vector_load %arg7[%parallel_loop3A_1187] {strides = array<i32>} : memref<32768xf32, #tpu.memory_space<vmem>>, vector<16xf32>,
      tpu.vector_store %arg7[%parallel_loop3A_1187], %parallel_loop3A_1184 {strides = array<i32>} : memref<32768xf32, #tpu.memory_space<vmem>>, vector<16xf32>,
    } {sc.loop_unroll_factor = 16 : i64, sc.parallel_access}
    %add3A_311 = arith.constant 0 : i32
    %add3A_312 = arith.addi %mul3A_2, %add3A_311 : i32
    %dma_start3A_313 = arith.constant 0 : i32
    %dma_start3A_314 = arith.constant 0 : i32
    %dma_start3A_315 = tpu.memref_slice %arg7[%dma_start3A_314] : memref<32768xf32, #tpu.memory_space<vmem>> -> memref<1024xf32, #tpu.memory_space<vmem>>
    %dma_start3A_316 = arith.constant 0 : i32
    %dma_start3A_317 = tpu.memref_slice %arg4[%dma_start3A_313, %add3A_312, %dma_start3A_316] : memref<16x64x1024xf32, #tpu.memory_space<hbm>> -> memref<1x1x1024xf32, #tpu.memory_space<hbm>>
    %dma_start3A_318 = tpu.memref_squeeze %dma_start3A_317 : memref<1x1x1024xf32, #tpu.memory_space<hbm>> -> memref<1024xf32, #tpu.memory_space<hbm>>
    %dma_start3A_319 = arith.constant 0 : i32
    %dma_start3A_320 = tpu.memref_slice %arg4[%dma_start3A_313, %add3A_312, %dma_start3A_319] : memref<16x64x1024xf32, #tpu.memory_space<hbm>> -> memref<1x1x1024xf32, #tpu.memory_space<hbm>>
    %dma_start3A_321 = tpu.memref_squeeze %dma_start3A_320 : memref<1x1x1024xf32, #tpu.memory_space<hbm>> -> memref<1024xf32, #tpu.memory_space<hbm>>
    %dma_start3A_322 = arith.constant 0 : i32
    %dma_start3A_323 = tpu.memref_slice %arg7[%dma_start3A_322] : memref<32768xf32, #tpu.memory_space<vmem>> -> memref<1024xf32, #tpu.memory_space<vmem>>
    tpu.enqueue_dma source(%dma_start3A_323 : memref<1024xf32, #tpu.memory_space<vmem>>) target(%dma_start3A_321 : memref<1024xf32, #tpu.memory_space<hbm>>) target_semaphore(%arg9 : memref<!tpu.dma_semaphore, #tpu.memory_space<semaphore_mem>>)
    %add3A_324 = arith.constant 0 : i32
    %add3A_325 = arith.addi %mul3A_2, %add3A_324 : i32
    %dma_start3A_326 = arith.constant 1 : i32
    %dma_start3A_327 = arith.constant 1024 : i32
    %dma_start3A_328 = tpu.memref_slice %arg7[%dma_start3A_327] : memref<32768xf32, #tpu.memory_space<vmem>> -> memref<1024xf32, #tpu.memory_space<vmem>>
    %dma_start3A_329 = arith.constant 0 : i32
    %dma_start3A_330 = tpu.memref_slice %arg4[%dma_start3A_326, %add3A_325, %dma_start3A_329] : memref<16x64x1024xf32, #tpu.memory_space<hbm>> -> memref<1x1x1024xf32, #tpu.memory_space<hbm>>
    %dma_start3A_331 = tpu.memref_squeeze %dma_start3A_330 : memref<1x1x1024xf32, #tpu.memory_space<hbm>> -> memref<1024xf32, #tpu.memory_space<hbm>>
    %dma_start3A_332 = arith.constant 0 : i32
    %dma_start3A_333 = tpu.memref_slice %arg4[%dma_start3A_326, %add3A_325, %dma_start3A_332] : memref<16x64x1024xf32, #tpu.memory_space<hbm>> -> memref<1x1x1024xf32, #tpu.memory_space<hbm>>
    %dma_start3A_334 = tpu.memref_squeeze %dma_start3A_333 : memref<1x1x1024xf32, #tpu.memory_space<hbm>> -> memref<1024xf32, #tpu.memory_space<hbm>>
    %dma_start3A_335 = arith.constant 1024 : i32
    %dma_start3A_336 = tpu.memref_slice %arg7[%dma_start3A_335] : memref<32768xf32, #tpu.memory_space<vmem>> -> memref<1024xf32, #tpu.memory_space<vmem>>
    tpu.enqueue_dma source(%dma_start3A_336 : memref<1024xf32, #tpu.memory_space<vmem>>) target(%dma_start3A_334 : memref<1024xf32, #tpu.memory_space<hbm>>) target_semaphore(%arg9 : memref<!tpu.dma_semaphore, #tpu.memory_space<semaphore_mem>>)
    %add3A_337 = arith.constant 0 : i32
    %add3A_338 = arith.addi %mul3A_2, %add3A_337 : i32
    %dma_start3A_339 = arith.constant 2 : i32
    %dma_start3A_340 = arith.constant 2048 : i32
    %dma_start3A_341 = tpu.memref_slice %arg7[%dma_start3A_340] : memref<32768xf32, #tpu.memory_space<vmem>> -> memref<1024xf32, #tpu.memory_space<vmem>>
    %dma_start3A_342 = arith.constant 0 : i32
    %dma_start3A_343 = tpu.memref_slice %arg4[%dma_start3A_339, %add3A_338, %dma_start3A_342] : memref<16x64x1024xf32, #tpu.memory_space<hbm>> -> memref<1x1x1024xf32, #tpu.memory_space<hbm>>
    %dma_start3A_344 = tpu.memref_squeeze %dma_start3A_343 : memref<1x1x1024xf32, #tpu.memory_space<hbm>> -> memref<1024xf32, #tpu.memory_space<hbm>>
    %dma_start3A_345 = arith.constant 0 : i32
    %dma_start3A_346 = tpu.memref_slice %arg4[%dma_start3A_339, %add3A_338, %dma_start3A_345] : memref<16x64x1024xf32, #tpu.memory_space<hbm>> -> memref<1x1x1024xf32, #tpu.memory_space<hbm>>
    %dma_start3A_347 = tpu.memref_squeeze %dma_start3A_346 : memref<1x1x1024xf32, #tpu.memory_space<hbm>> -> memref<1024xf32, #tpu.memory_space<hbm>>
    %dma_start3A_348 = arith.constant 2048 : i32
    %dma_start3A_349 = tpu.memref_slice %arg7[%dma_start3A_348] : memref<32768xf32, #tpu.memory_space<vmem>> -> memref<1024xf32, #tpu.memory_space<vmem>>
    tpu.enqueue_dma source(%dma_start3A_349 : memref<1024xf32, #tpu.memory_space<vmem>>) target(%dma_start3A_347 : memref<1024xf32, #tpu.memory_space<hbm>>) target_semaphore(%arg9 : memref<!tpu.dma_semaphore, #tpu.memory_space<semaphore_mem>>)
    %add3A_350 = arith.constant 0 : i32
    %add3A_351 = arith.addi %mul3A_2, %add3A_350 : i32
    %dma_start3A_352 = arith.constant 3 : i32
    %dma_start3A_353 = arith.constant 3072 : i32
    %dma_start3A_354 = tpu.memref_slice %arg7[%dma_start3A_353] : memref<32768xf32, #tpu.memory_space<vmem>> -> memref<1024xf32, #tpu.memory_space<vmem>>
    %dma_start3A_355 = arith.constant 0 : i32
    %dma_start3A_356 = tpu.memref_slice %arg4[%dma_start3A_352, %add3A_351, %dma_start3A_355] : memref<16x64x1024xf32, #tpu.memory_space<hbm>> -> memref<1x1x1024xf32, #tpu.memory_space<hbm>>
    %dma_start3A_357 = tpu.memref_squeeze %dma_start3A_356 : memref<1x1x1024xf32, #tpu.memory_space<hbm>> -> memref<1024xf32, #tpu.memory_space<hbm>>
    %dma_start3A_358 = arith.constant 0 : i32
    %dma_start3A_359 = tpu.memref_slice %arg4[%dma_start3A_352, %add3A_351, %dma_start3A_358] : memref<16x64x1024xf32, #tpu.memory_space<hbm>> -> memref<1x1x1024xf32, #tpu.memory_space<hbm>>
    %dma_start3A_360 = tpu.memref_squeeze %dma_start3A_359 : memref<1x1x1024xf32, #tpu.memory_space<hbm>> -> memref<1024xf32, #tpu.memory_space<hbm>>
    %dma_start3A_361 = arith.constant 3072 : i32
    %dma_start3A_362 = tpu.memref_slice %arg7[%dma_start3A_361] : memref<32768xf32, #tpu.memory_space<vmem>> -> memref<1024xf32, #tpu.memory_space<vmem>>
    tpu.enqueue_dma source(%dma_start3A_362 : memref<1024xf32, #tpu.memory_space<vmem>>) target(%dma_start3A_360 : memref<1024xf32, #tpu.memory_space<hbm>>) target_semaphore(%arg9 : memref<!tpu.dma_semaphore, #tpu.memory_space<semaphore_mem>>)
    %add3A_363 = arith.constant 0 : i32
    %add3A_364 = arith.addi %mul3A_2, %add3A_363 : i32
    %dma_start3A_365 = arith.constant 4 : i32
    %dma_start3A_366 = arith.constant 4096 : i32
    %dma_start3A_367 = tpu.memref_slice %arg7[%dma_start3A_366] : memref<32768xf32, #tpu.memory_space<vmem>> -> memref<1024xf32, #tpu.memory_space<vmem>>
    %dma_start3A_368 = arith.constant 0 : i32
    %dma_start3A_369 = tpu.memref_slice %arg4[%dma_start3A_365, %add3A_364, %dma_start3A_368] : memref<16x64x1024xf32, #tpu.memory_space<hbm>> -> memref<1x1x1024xf32, #tpu.memory_space<hbm>>
    %dma_start3A_370 = tpu.memref_squeeze %dma_start3A_369 : memref<1x1x1024xf32, #tpu.memory_space<hbm>> -> memref<1024xf32, #tpu.memory_space<hbm>>
    %dma_start3A_371 = arith.constant 0 : i32
    %dma_start3A_372 = tpu.memref_slice %arg4[%dma_start3A_365, %add3A_364, %dma_start3A_371] : memref<16x64x1024xf32, #tpu.memory_space<hbm>> -> memref<1x1x1024xf32, #tpu.memory_space<hbm>>
    %dma_start3A_373 = tpu.memref_squeeze %dma_start3A_372 : memref<1x1x1024xf32, #tpu.memory_space<hbm>> -> memref<1024xf32, #tpu.memory_space<hbm>>
    %dma_start3A_374 = arith.constant 4096 : i32
    %dma_start3A_375 = tpu.memref_slice %arg7[%dma_start3A_374] : memref<32768xf32, #tpu.memory_space<vmem>> -> memref<1024xf32, #tpu.memory_space<vmem>>
    tpu.enqueue_dma source(%dma_start3A_375 : memref<1024xf32, #tpu.memory_space<vmem>>) target(%dma_start3A_373 : memref<1024xf32, #tpu.memory_space<hbm>>) target_semaphore(%arg9 : memref<!tpu.dma_semaphore, #tpu.memory_space<semaphore_mem>>)
    %add3A_376 = arith.constant 0 : i32
    %add3A_377 = arith.addi %mul3A_2, %add3A_376 : i32
    %dma_start3A_378 = arith.constant 5 : i32
    %dma_start3A_379 = arith.constant 5120 : i32
    %dma_start3A_380 = tpu.memref_slice %arg7[%dma_start3A_379] : memref<32768xf32, #tpu.memory_space<vmem>> -> memref<1024xf32, #tpu.memory_space<vmem>>
    %dma_start3A_381 = arith.constant 0 : i32
    %dma_start3A_382 = tpu.memref_slice %arg4[%dma_start3A_378, %add3A_377, %dma_start3A_381] : memref<16x64x1024xf32, #tpu.memory_space<hbm>> -> memref<1x1x1024xf32, #tpu.memory_space<hbm>>
    %dma_start3A_383 = tpu.memref_squeeze %dma_start3A_382 : memref<1x1x1024xf32, #tpu.memory_space<hbm>> -> memref<1024xf32, #tpu.memory_space<hbm>>
    %dma_start3A_384 = arith.constant 0 : i32
    %dma_start3A_385 = tpu.memref_slice %arg4[%dma_start3A_378, %add3A_377, %dma_start3A_384] : memref<16x64x1024xf32, #tpu.memory_space<hbm>> -> memref<1x1x1024xf32, #tpu.memory_space<hbm>>
    %dma_start3A_386 = tpu.memref_squeeze %dma_start3A_385 : memref<1x1x1024xf32, #tpu.memory_space<hbm>> -> memref<1024xf32, #tpu.memory_space<hbm>>
    %dma_start3A_387 = arith.constant 5120 : i32
    %dma_start3A_388 = tpu.memref_slice %arg7[%dma_start3A_387] : memref<32768xf32, #tpu.memory_space<vmem>> -> memref<1024xf32, #tpu.memory_space<vmem>>
    tpu.enqueue_dma source(%dma_start3A_388 : memref<1024xf32, #tpu.memory_space<vmem>>) target(%dma_start3A_386 : memref<1024xf32, #tpu.memory_space<hbm>>) target_semaphore(%arg9 : memref<!tpu.dma_semaphore, #tpu.memory_space<semaphore_mem>>)
    %add3A_389 = arith.constant 0 : i32
    %add3A_390 = arith.addi %mul3A_2, %add3A_389 : i32
    %dma_start3A_391 = arith.constant 6 : i32
    %dma_start3A_392 = arith.constant 6144 : i32
    %dma_start3A_393 = tpu.memref_slice %arg7[%dma_start3A_392] : memref<32768xf32, #tpu.memory_space<vmem>> -> memref<1024xf32, #tpu.memory_space<vmem>>
    %dma_start3A_394 = arith.constant 0 : i32
    %dma_start3A_395 = tpu.memref_slice %arg4[%dma_start3A_391, %add3A_390, %dma_start3A_394] : memref<16x64x1024xf32, #tpu.memory_space<hbm>> -> memref<1x1x1024xf32, #tpu.memory_space<hbm>>
    %dma_start3A_396 = tpu.memref_squeeze %dma_start3A_395 : memref<1x1x1024xf32, #tpu.memory_space<hbm>> -> memref<1024xf32, #tpu.memory_space<hbm>>
    %dma_start3A_397 = arith.constant 0 : i32
    %dma_start3A_398 = tpu.memref_slice %arg4[%dma_start3A_391, %add3A_390, %dma_start3A_397] : memref<16x64x1024xf32, #tpu.memory_space<hbm>> -> memref<1x1x1024xf32, #tpu.memory_space<hbm>>
    %dma_start3A_399 = tpu.memref_squeeze %dma_start3A_398 : memref<1x1x1024xf32, #tpu.memory_space<hbm>> -> memref<1024xf32, #tpu.memory_space<hbm>>
    %dma_start3A_400 = arith.constant 6144 : i32
    %dma_start3A_401 = tpu.memref_slice %arg7[%dma_start3A_400] : memref<32768xf32, #tpu.memory_space<vmem>> -> memref<1024xf32, #tpu.memory_space<vmem>>
    tpu.enqueue_dma source(%dma_start3A_401 : memref<1024xf32, #tpu.memory_space<vmem>>) target(%dma_start3A_399 : memref<1024xf32, #tpu.memory_space<hbm>>) target_semaphore(%arg9 : memref<!tpu.dma_semaphore, #tpu.memory_space<semaphore_mem>>)
    %add3A_402 = arith.constant 0 : i32
    %add3A_403 = arith.addi %mul3A_2, %add3A_402 : i32
    %dma_start3A_404 = arith.constant 7 : i32
    %dma_start3A_405 = arith.constant 7168 : i32
    %dma_start3A_406 = tpu.memref_slice %arg7[%dma_start3A_405] : memref<32768xf32, #tpu.memory_space<vmem>> -> memref<1024xf32, #tpu.memory_space<vmem>>
    %dma_start3A_407 = arith.constant 0 : i32
    %dma_start3A_408 = tpu.memref_slice %arg4[%dma_start3A_404, %add3A_403, %dma_start3A_407] : memref<16x64x1024xf32, #tpu.memory_space<hbm>> -> memref<1x1x1024xf32, #tpu.memory_space<hbm>>
    %dma_start3A_409 = tpu.memref_squeeze %dma_start3A_408 : memref<1x1x1024xf32, #tpu.memory_space<hbm>> -> memref<1024xf32, #tpu.memory_space<hbm>>
    %dma_start3A_410 = arith.constant 0 : i32
    %dma_start3A_411 = tpu.memref_slice %arg4[%dma_start3A_404, %add3A_403, %dma_start3A_410] : memref<16x64x1024xf32, #tpu.memory_space<hbm>> -> memref<1x1x1024xf32, #tpu.memory_space<hbm>>
    %dma_start3A_412 = tpu.memref_squeeze %dma_start3A_411 : memref<1x1x1024xf32, #tpu.memory_space<hbm>> -> memref<1024xf32, #tpu.memory_space<hbm>>
    %dma_start3A_413 = arith.constant 7168 : i32
    %dma_start3A_414 = tpu.memref_slice %arg7[%dma_start3A_413] : memref<32768xf32, #tpu.memory_space<vmem>> -> memref<1024xf32, #tpu.memory_space<vmem>>
    tpu.enqueue_dma source(%dma_start3A_414 : memref<1024xf32, #tpu.memory_space<vmem>>) target(%dma_start3A_412 : memref<1024xf32, #tpu.memory_space<hbm>>) target_semaphore(%arg9 : memref<!tpu.dma_semaphore, #tpu.memory_space<semaphore_mem>>)
    %add3A_415 = arith.constant 1 : i32
    %add3A_416 = arith.addi %mul3A_2, %add3A_415 : i32
    %dma_start3A_417 = arith.constant 0 : i32
    %dma_start3A_418 = arith.constant 16384 : i32
    %dma_start3A_419 = tpu.memref_slice %arg7[%dma_start3A_418] : memref<32768xf32, #tpu.memory_space<vmem>> -> memref<1024xf32, #tpu.memory_space<vmem>>
    %dma_start3A_420 = arith.constant 0 : i32
    %dma_start3A_421 = tpu.memref_slice %arg4[%dma_start3A_417, %add3A_416, %dma_start3A_420] : memref<16x64x1024xf32, #tpu.memory_space<hbm>> -> memref<1x1x1024xf32, #tpu.memory_space<hbm>>
    %dma_start3A_422 = tpu.memref_squeeze %dma_start3A_421 : memref<1x1x1024xf32, #tpu.memory_space<hbm>> -> memref<1024xf32, #tpu.memory_space<hbm>>
    %dma_start3A_423 = arith.constant 0 : i32
    %dma_start3A_424 = tpu.memref_slice %arg4[%dma_start3A_417, %add3A_416, %dma_start3A_423] : memref<16x64x1024xf32, #tpu.memory_space<hbm>> -> memref<1x1x1024xf32, #tpu.memory_space<hbm>>
    %dma_start3A_425 = tpu.memref_squeeze %dma_start3A_424 : memref<1x1x1024xf32, #tpu.memory_space<hbm>> -> memref<1024xf32, #tpu.memory_space<hbm>>
    %dma_start3A_426 = arith.constant 16384 : i32
    %dma_start3A_427 = tpu.memref_slice %arg7[%dma_start3A_426] : memref<32768xf32, #tpu.memory_space<vmem>> -> memref<1024xf32, #tpu.memory_space<vmem>>
    tpu.enqueue_dma source(%dma_start3A_427 : memref<1024xf32, #tpu.memory_space<vmem>>) target(%dma_start3A_425 : memref<1024xf32, #tpu.memory_space<hbm>>) target_semaphore(%arg9 : memref<!tpu.dma_semaphore, #tpu.memory_space<semaphore_mem>>)
    %add3A_428 = arith.constant 1 : i32
    %add3A_429 = arith.addi %mul3A_2, %add3A_428 : i32
    %dma_start3A_430 = arith.constant 1 : i32
    %dma_start3A_431 = arith.constant 17408 : i32
    %dma_start3A_432 = tpu.memref_slice %arg7[%dma_start3A_431] : memref<32768xf32, #tpu.memory_space<vmem>> -> memref<1024xf32, #tpu.memory_space<vmem>>
    %dma_start3A_433 = arith.constant 0 : i32
    %dma_start3A_434 = tpu.memref_slice %arg4[%dma_start3A_430, %add3A_429, %dma_start3A_433] : memref<16x64x1024xf32, #tpu.memory_space<hbm>> -> memref<1x1x1024xf32, #tpu.memory_space<hbm>>
    %dma_start3A_435 = tpu.memref_squeeze %dma_start3A_434 : memref<1x1x1024xf32, #tpu.memory_space<hbm>> -> memref<1024xf32, #tpu.memory_space<hbm>>
    %dma_start3A_436 = arith.constant 0 : i32
    %dma_start3A_437 = tpu.memref_slice %arg4[%dma_start3A_430, %add3A_429, %dma_start3A_436] : memref<16x64x1024xf32, #tpu.memory_space<hbm>> -> memref<1x1x1024xf32, #tpu.memory_space<hbm>>
    %dma_start3A_438 = tpu.memref_squeeze %dma_start3A_437 : memref<1x1x1024xf32, #tpu.memory_space<hbm>> -> memref<1024xf32, #tpu.memory_space<hbm>>
    %dma_start3A_439 = arith.constant 17408 : i32
    %dma_start3A_440 = tpu.memref_slice %arg7[%dma_start3A_439] : memref<32768xf32, #tpu.memory_space<vmem>> -> memref<1024xf32, #tpu.memory_space<vmem>>
    tpu.enqueue_dma source(%dma_start3A_440 : memref<1024xf32, #tpu.memory_space<vmem>>) target(%dma_start3A_438 : memref<1024xf32, #tpu.memory_space<hbm>>) target_semaphore(%arg9 : memref<!tpu.dma_semaphore, #tpu.memory_space<semaphore_mem>>)
    %add3A_441 = arith.constant 1 : i32
    %add3A_442 = arith.addi %mul3A_2, %add3A_441 : i32
    %dma_start3A_443 = arith.constant 2 : i32
    %dma_start3A_444 = arith.constant 18432 : i32
    %dma_start3A_445 = tpu.memref_slice %arg7[%dma_start3A_444] : memref<32768xf32, #tpu.memory_space<vmem>> -> memref<1024xf32, #tpu.memory_space<vmem>>
    %dma_start3A_446 = arith.constant 0 : i32
    %dma_start3A_447 = tpu.memref_slice %arg4[%dma_start3A_443, %add3A_442, %dma_start3A_446] : memref<16x64x1024xf32, #tpu.memory_space<hbm>> -> memref<1x1x1024xf32, #tpu.memory_space<hbm>>
    %dma_start3A_448 = tpu.memref_squeeze %dma_start3A_447 : memref<1x1x1024xf32, #tpu.memory_space<hbm>> -> memref<1024xf32, #tpu.memory_space<hbm>>
    %dma_start3A_449 = arith.constant 0 : i32
    %dma_start3A_450 = tpu.memref_slice %arg4[%dma_start3A_443, %add3A_442, %dma_start3A_449] : memref<16x64x1024xf32, #tpu.memory_space<hbm>> -> memref<1x1x1024xf32, #tpu.memory_space<hbm>>
    %dma_start3A_451 = tpu.memref_squeeze %dma_start3A_450 : memref<1x1x1024xf32, #tpu.memory_space<hbm>> -> memref<1024xf32, #tpu.memory_space<hbm>>
    %dma_start3A_452 = arith.constant 18432 : i32
    %dma_start3A_453 = tpu.memref_slice %arg7[%dma_start3A_452] : memref<32768xf32, #tpu.memory_space<vmem>> -> memref<1024xf32, #tpu.memory_space<vmem>>
    tpu.enqueue_dma source(%dma_start3A_453 : memref<1024xf32, #tpu.memory_space<vmem>>) target(%dma_start3A_451 : memref<1024xf32, #tpu.memory_space<hbm>>) target_semaphore(%arg9 : memref<!tpu.dma_semaphore, #tpu.memory_space<semaphore_mem>>)
    %add3A_454 = arith.constant 1 : i32
    %add3A_455 = arith.addi %mul3A_2, %add3A_454 : i32
    %dma_start3A_456 = arith.constant 3 : i32
    %dma_start3A_457 = arith.constant 19456 : i32
    %dma_start3A_458 = tpu.memref_slice %arg7[%dma_start3A_457] : memref<32768xf32, #tpu.memory_space<vmem>> -> memref<1024xf32, #tpu.memory_space<vmem>>
    %dma_start3A_459 = arith.constant 0 : i32
    %dma_start3A_460 = tpu.memref_slice %arg4[%dma_start3A_456, %add3A_455, %dma_start3A_459] : memref<16x64x1024xf32, #tpu.memory_space<hbm>> -> memref<1x1x1024xf32, #tpu.memory_space<hbm>>
    %dma_start3A_461 = tpu.memref_squeeze %dma_start3A_460 : memref<1x1x1024xf32, #tpu.memory_space<hbm>> -> memref<1024xf32, #tpu.memory_space<hbm>>
    %dma_start3A_462 = arith.constant 0 : i32
    %dma_start3A_463 = tpu.memref_slice %arg4[%dma_start3A_456, %add3A_455, %dma_start3A_462] : memref<16x64x1024xf32, #tpu.memory_space<hbm>> -> memref<1x1x1024xf32, #tpu.memory_space<hbm>>
    %dma_start3A_464 = tpu.memref_squeeze %dma_start3A_463 : memref<1x1x1024xf32, #tpu.memory_space<hbm>> -> memref<1024xf32, #tpu.memory_space<hbm>>
    %dma_start3A_465 = arith.constant 19456 : i32
    %dma_start3A_466 = tpu.memref_slice %arg7[%dma_start3A_465] : memref<32768xf32, #tpu.memory_space<vmem>> -> memref<1024xf32, #tpu.memory_space<vmem>>
    tpu.enqueue_dma source(%dma_start3A_466 : memref<1024xf32, #tpu.memory_space<vmem>>) target(%dma_start3A_464 : memref<1024xf32, #tpu.memory_space<hbm>>) target_semaphore(%arg9 : memref<!tpu.dma_semaphore, #tpu.memory_space<semaphore_mem>>)
    %add3A_467 = arith.constant 1 : i32
    %add3A_468 = arith.addi %mul3A_2, %add3A_467 : i32
    %dma_start3A_469 = arith.constant 4 : i32
    %dma_start3A_470 = arith.constant 20480 : i32
    %dma_start3A_471 = tpu.memref_slice %arg7[%dma_start3A_470] : memref<32768xf32, #tpu.memory_space<vmem>> -> memref<1024xf32, #tpu.memory_space<vmem>>
    %dma_start3A_472 = arith.constant 0 : i32
    %dma_start3A_473 = tpu.memref_slice %arg4[%dma_start3A_469, %add3A_468, %dma_start3A_472] : memref<16x64x1024xf32, #tpu.memory_space<hbm>> -> memref<1x1x1024xf32, #tpu.memory_space<hbm>>
    %dma_start3A_474 = tpu.memref_squeeze %dma_start3A_473 : memref<1x1x1024xf32, #tpu.memory_space<hbm>> -> memref<1024xf32, #tpu.memory_space<hbm>>
    %dma_start3A_475 = arith.constant 0 : i32
    %dma_start3A_476 = tpu.memref_slice %arg4[%dma_start3A_469, %add3A_468, %dma_start3A_475] : memref<16x64x1024xf32, #tpu.memory_space<hbm>> -> memref<1x1x1024xf32, #tpu.memory_space<hbm>>
    %dma_start3A_477 = tpu.memref_squeeze %dma_start3A_476 : memref<1x1x1024xf32, #tpu.memory_space<hbm>> -> memref<1024xf32, #tpu.memory_space<hbm>>
    %dma_start3A_478 = arith.constant 20480 : i32
    %dma_start3A_479 = tpu.memref_slice %arg7[%dma_start3A_478] : memref<32768xf32, #tpu.memory_space<vmem>> -> memref<1024xf32, #tpu.memory_space<vmem>>
    tpu.enqueue_dma source(%dma_start3A_479 : memref<1024xf32, #tpu.memory_space<vmem>>) target(%dma_start3A_477 : memref<1024xf32, #tpu.memory_space<hbm>>) target_semaphore(%arg9 : memref<!tpu.dma_semaphore, #tpu.memory_space<semaphore_mem>>)
    %add3A_480 = arith.constant 1 : i32
    %add3A_481 = arith.addi %mul3A_2, %add3A_480 : i32
    %dma_start3A_482 = arith.constant 5 : i32
    %dma_start3A_483 = arith.constant 21504 : i32
    %dma_start3A_484 = tpu.memref_slice %arg7[%dma_start3A_483] : memref<32768xf32, #tpu.memory_space<vmem>> -> memref<1024xf32, #tpu.memory_space<vmem>>
    %dma_start3A_485 = arith.constant 0 : i32
    %dma_start3A_486 = tpu.memref_slice %arg4[%dma_start3A_482, %add3A_481, %dma_start3A_485] : memref<16x64x1024xf32, #tpu.memory_space<hbm>> -> memref<1x1x1024xf32, #tpu.memory_space<hbm>>
    %dma_start3A_487 = tpu.memref_squeeze %dma_start3A_486 : memref<1x1x1024xf32, #tpu.memory_space<hbm>> -> memref<1024xf32, #tpu.memory_space<hbm>>
    %dma_start3A_488 = arith.constant 0 : i32
    %dma_start3A_489 = tpu.memref_slice %arg4[%dma_start3A_482, %add3A_481, %dma_start3A_488] : memref<16x64x1024xf32, #tpu.memory_space<hbm>> -> memref<1x1x1024xf32, #tpu.memory_space<hbm>>
    %dma_start3A_490 = tpu.memref_squeeze %dma_start3A_489 : memref<1x1x1024xf32, #tpu.memory_space<hbm>> -> memref<1024xf32, #tpu.memory_space<hbm>>
    %dma_start3A_491 = arith.constant 21504 : i32
    %dma_start3A_492 = tpu.memref_slice %arg7[%dma_start3A_491] : memref<32768xf32, #tpu.memory_space<vmem>> -> memref<1024xf32, #tpu.memory_space<vmem>>
    tpu.enqueue_dma source(%dma_start3A_492 : memref<1024xf32, #tpu.memory_space<vmem>>) target(%dma_start3A_490 : memref<1024xf32, #tpu.memory_space<hbm>>) target_semaphore(%arg9 : memref<!tpu.dma_semaphore, #tpu.memory_space<semaphore_mem>>)
    %add3A_493 = arith.constant 1 : i32
    %add3A_494 = arith.addi %mul3A_2, %add3A_493 : i32
    %dma_start3A_495 = arith.constant 6 : i32
    %dma_start3A_496 = arith.constant 22528 : i32
    %dma_start3A_497 = tpu.memref_slice %arg7[%dma_start3A_496] : memref<32768xf32, #tpu.memory_space<vmem>> -> memref<1024xf32, #tpu.memory_space<vmem>>
    %dma_start3A_498 = arith.constant 0 : i32
    %dma_start3A_499 = tpu.memref_slice %arg4[%dma_start3A_495, %add3A_494, %dma_start3A_498] : memref<16x64x1024xf32, #tpu.memory_space<hbm>> -> memref<1x1x1024xf32, #tpu.memory_space<hbm>>
    %dma_start3A_500 = tpu.memref_squeeze %dma_start3A_499 : memref<1x1x1024xf32, #tpu.memory_space<hbm>> -> memref<1024xf32, #tpu.memory_space<hbm>>
    %dma_start3A_501 = arith.constant 0 : i32
    %dma_start3A_502 = tpu.memref_slice %arg4[%dma_start3A_495, %add3A_494, %dma_start3A_501] : memref<16x64x1024xf32, #tpu.memory_space<hbm>> -> memref<1x1x1024xf32, #tpu.memory_space<hbm>>
    %dma_start3A_503 = tpu.memref_squeeze %dma_start3A_502 : memref<1x1x1024xf32, #tpu.memory_space<hbm>> -> memref<1024xf32, #tpu.memory_space<hbm>>
    %dma_start3A_504 = arith.constant 22528 : i32
    %dma_start3A_505 = tpu.memref_slice %arg7[%dma_start3A_504] : memref<32768xf32, #tpu.memory_space<vmem>> -> memref<1024xf32, #tpu.memory_space<vmem>>
    tpu.enqueue_dma source(%dma_start3A_505 : memref<1024xf32, #tpu.memory_space<vmem>>) target(%dma_start3A_503 : memref<1024xf32, #tpu.memory_space<hbm>>) target_semaphore(%arg9 : memref<!tpu.dma_semaphore, #tpu.memory_space<semaphore_mem>>)
    %add3A_506 = arith.constant 1 : i32
    %add3A_507 = arith.addi %mul3A_2, %add3A_506 : i32
    %dma_start3A_508 = arith.constant 7 : i32
    %dma_start3A_509 = arith.constant 23552 : i32
    %dma_start3A_510 = tpu.memref_slice %arg7[%dma_start3A_509] : memref<32768xf32, #tpu.memory_space<vmem>> -> memref<1024xf32, #tpu.memory_space<vmem>>
    %dma_start3A_511 = arith.constant 0 : i32
    %dma_start3A_512 = tpu.memref_slice %arg4[%dma_start3A_508, %add3A_507, %dma_start3A_511] : memref<16x64x1024xf32, #tpu.memory_space<hbm>> -> memref<1x1x1024xf32, #tpu.memory_space<hbm>>
    %dma_start3A_513 = tpu.memref_squeeze %dma_start3A_512 : memref<1x1x1024xf32, #tpu.memory_space<hbm>> -> memref<1024xf32, #tpu.memory_space<hbm>>
    %dma_start3A_514 = arith.constant 0 : i32
    %dma_start3A_515 = tpu.memref_slice %arg4[%dma_start3A_508, %add3A_507, %dma_start3A_514] : memref<16x64x1024xf32, #tpu.memory_space<hbm>> -> memref<1x1x1024xf32, #tpu.memory_space<hbm>>
    %dma_start3A_516 = tpu.memref_squeeze %dma_start3A_515 : memref<1x1x1024xf32, #tpu.memory_space<hbm>> -> memref<1024xf32, #tpu.memory_space<hbm>>
    %dma_start3A_517 = arith.constant 23552 : i32
    %dma_start3A_518 = tpu.memref_slice %arg7[%dma_start3A_517] : memref<32768xf32, #tpu.memory_space<vmem>> -> memref<1024xf32, #tpu.memory_space<vmem>>
    tpu.enqueue_dma source(%dma_start3A_518 : memref<1024xf32, #tpu.memory_space<vmem>>) target(%dma_start3A_516 : memref<1024xf32, #tpu.memory_space<hbm>>) target_semaphore(%arg9 : memref<!tpu.dma_semaphore, #tpu.memory_space<semaphore_mem>>)
    %dma_wait3A_519 = arith.constant 8 : i32
    %dma_wait3A_520 = arith.constant 8192 : i32
    %dma_wait3A_521 = tpu.memref_slice %arg5[%dma_wait3A_520] : memref<16384xi32, #tpu.memory_space<vmem>> -> memref<1024xi32, #tpu.memory_space<vmem>>
    %dma_wait3A_522 = arith.constant 0 : i32
    %dma_wait3A_523 = tpu.memref_slice %arg2[%dma_wait3A_519, %dma_wait3A_522] : memref<16x1024xi32, #tpu.memory_space<hbm>> -> memref<1x1024xi32, #tpu.memory_space<hbm>>
    %dma_wait3A_524 = tpu.memref_squeeze %dma_wait3A_523 : memref<1x1024xi32, #tpu.memory_space<hbm>> -> memref<1024xi32, #tpu.memory_space<hbm>>
    %dma_wait3A_525 = arith.constant 8192 : i32
    %dma_wait3A_526 = tpu.memref_slice %arg5[%dma_wait3A_525] : memref<16384xi32, #tpu.memory_space<vmem>> -> memref<1024xi32, #tpu.memory_space<vmem>>
    %dma_wait3A_527 = arith.constant 0 : i32
    %dma_wait3A_528 = tpu.memref_slice %arg2[%dma_wait3A_519, %dma_wait3A_527] : memref<16x1024xi32, #tpu.memory_space<hbm>> -> memref<1x1024xi32, #tpu.memory_space<hbm>>
    %dma_wait3A_529 = tpu.memref_squeeze %dma_wait3A_528 : memref<1x1024xi32, #tpu.memory_space<hbm>> -> memref<1024xi32, #tpu.memory_space<hbm>>
    tpu.wait_dma2 semaphore(%arg8 : memref<!tpu.dma_semaphore, #tpu.memory_space<semaphore_mem>>) src(%dma_wait3A_529 : memref<1024xi32, #tpu.memory_space<hbm>>) dst(%dma_wait3A_526 : memref<1024xi32, #tpu.memory_space<vmem>>)
    %dma_wait3A_530 = arith.constant 9 : i32
    %dma_wait3A_531 = arith.constant 9216 : i32
    %dma_wait3A_532 = tpu.memref_slice %arg5[%dma_wait3A_531] : memref<16384xi32, #tpu.memory_space<vmem>> -> memref<1024xi32, #tpu.memory_space<vmem>>
    %dma_wait3A_533 = arith.constant 0 : i32
    %dma_wait3A_534 = tpu.memref_slice %arg2[%dma_wait3A_530, %dma_wait3A_533] : memref<16x1024xi32, #tpu.memory_space<hbm>> -> memref<1x1024xi32, #tpu.memory_space<hbm>>
    %dma_wait3A_535 = tpu.memref_squeeze %dma_wait3A_534 : memref<1x1024xi32, #tpu.memory_space<hbm>> -> memref<1024xi32, #tpu.memory_space<hbm>>
    %dma_wait3A_536 = arith.constant 9216 : i32
    %dma_wait3A_537 = tpu.memref_slice %arg5[%dma_wait3A_536] : memref<16384xi32, #tpu.memory_space<vmem>> -> memref<1024xi32, #tpu.memory_space<vmem>>
    %dma_wait3A_538 = arith.constant 0 : i32
    %dma_wait3A_539 = tpu.memref_slice %arg2[%dma_wait3A_530, %dma_wait3A_538] : memref<16x1024xi32, #tpu.memory_space<hbm>> -> memref<1x1024xi32, #tpu.memory_space<hbm>>
    %dma_wait3A_540 = tpu.memref_squeeze %dma_wait3A_539 : memref<1x1024xi32, #tpu.memory_space<hbm>> -> memref<1024xi32, #tpu.memory_space<hbm>>
    tpu.wait_dma2 semaphore(%arg8 : memref<!tpu.dma_semaphore, #tpu.memory_space<semaphore_mem>>) src(%dma_wait3A_540 : memref<1024xi32, #tpu.memory_space<hbm>>) dst(%dma_wait3A_537 : memref<1024xi32, #tpu.memory_space<vmem>>)
    %dma_wait3A_541 = arith.constant 10 : i32
    %dma_wait3A_542 = arith.constant 10240 : i32
    %dma_wait3A_543 = tpu.memref_slice %arg5[%dma_wait3A_542] : memref<16384xi32, #tpu.memory_space<vmem>> -> memref<1024xi32, #tpu.memory_space<vmem>>
    %dma_wait3A_544 = arith.constant 0 : i32
    %dma_wait3A_545 = tpu.memref_slice %arg2[%dma_wait3A_541, %dma_wait3A_544] : memref<16x1024xi32, #tpu.memory_space<hbm>> -> memref<1x1024xi32, #tpu.memory_space<hbm>>
    %dma_wait3A_546 = tpu.memref_squeeze %dma_wait3A_545 : memref<1x1024xi32, #tpu.memory_space<hbm>> -> memref<1024xi32, #tpu.memory_space<hbm>>
    %dma_wait3A_547 = arith.constant 10240 : i32
    %dma_wait3A_548 = tpu.memref_slice %arg5[%dma_wait3A_547] : memref<16384xi32, #tpu.memory_space<vmem>> -> memref<1024xi32, #tpu.memory_space<vmem>>
    %dma_wait3A_549 = arith.constant 0 : i32
    %dma_wait3A_550 = tpu.memref_slice %arg2[%dma_wait3A_541, %dma_wait3A_549] : memref<16x1024xi32, #tpu.memory_space<hbm>> -> memref<1x1024xi32, #tpu.memory_space<hbm>>
    %dma_wait3A_551 = tpu.memref_squeeze %dma_wait3A_550 : memref<1x1024xi32, #tpu.memory_space<hbm>> -> memref<1024xi32, #tpu.memory_space<hbm>>
    tpu.wait_dma2 semaphore(%arg8 : memref<!tpu.dma_semaphore, #tpu.memory_space<semaphore_mem>>) src(%dma_wait3A_551 : memref<1024xi32, #tpu.memory_space<hbm>>) dst(%dma_wait3A_548 : memref<1024xi32, #tpu.memory_space<vmem>>)
    %dma_wait3A_552 = arith.constant 11 : i32
    %dma_wait3A_553 = arith.constant 11264 : i32
    %dma_wait3A_554 = tpu.memref_slice %arg5[%dma_wait3A_553] : memref<16384xi32, #tpu.memory_space<vmem>> -> memref<1024xi32, #tpu.memory_space<vmem>>
    %dma_wait3A_555 = arith.constant 0 : i32
    %dma_wait3A_556 = tpu.memref_slice %arg2[%dma_wait3A_552, %dma_wait3A_555] : memref<16x1024xi32, #tpu.memory_space<hbm>> -> memref<1x1024xi32, #tpu.memory_space<hbm>>
    %dma_wait3A_557 = tpu.memref_squeeze %dma_wait3A_556 : memref<1x1024xi32, #tpu.memory_space<hbm>> -> memref<1024xi32, #tpu.memory_space<hbm>>
    %dma_wait3A_558 = arith.constant 11264 : i32
    %dma_wait3A_559 = tpu.memref_slice %arg5[%dma_wait3A_558] : memref<16384xi32, #tpu.memory_space<vmem>> -> memref<1024xi32, #tpu.memory_space<vmem>>
    %dma_wait3A_560 = arith.constant 0 : i32
    %dma_wait3A_561 = tpu.memref_slice %arg2[%dma_wait3A_552, %dma_wait3A_560] : memref<16x1024xi32, #tpu.memory_space<hbm>> -> memref<1x1024xi32, #tpu.memory_space<hbm>>
    %dma_wait3A_562 = tpu.memref_squeeze %dma_wait3A_561 : memref<1x1024xi32, #tpu.memory_space<hbm>> -> memref<1024xi32, #tpu.memory_space<hbm>>
    tpu.wait_dma2 semaphore(%arg8 : memref<!tpu.dma_semaphore, #tpu.memory_space<semaphore_mem>>) src(%dma_wait3A_562 : memref<1024xi32, #tpu.memory_space<hbm>>) dst(%dma_wait3A_559 : memref<1024xi32, #tpu.memory_space<vmem>>)
    %dma_wait3A_563 = arith.constant 12 : i32
    %dma_wait3A_564 = arith.constant 12288 : i32
    %dma_wait3A_565 = tpu.memref_slice %arg5[%dma_wait3A_564] : memref<16384xi32, #tpu.memory_space<vmem>> -> memref<1024xi32, #tpu.memory_space<vmem>>
    %dma_wait3A_566 = arith.constant 0 : i32
    %dma_wait3A_567 = tpu.memref_slice %arg2[%dma_wait3A_563, %dma_wait3A_566] : memref<16x1024xi32, #tpu.memory_space<hbm>> -> memref<1x1024xi32, #tpu.memory_space<hbm>>
    %dma_wait3A_568 = tpu.memref_squeeze %dma_wait3A_567 : memref<1x1024xi32, #tpu.memory_space<hbm>> -> memref<1024xi32, #tpu.memory_space<hbm>>
    %dma_wait3A_569 = arith.constant 12288 : i32
    %dma_wait3A_570 = tpu.memref_slice %arg5[%dma_wait3A_569] : memref<16384xi32, #tpu.memory_space<vmem>> -> memref<1024xi32, #tpu.memory_space<vmem>>
    %dma_wait3A_571 = arith.constant 0 : i32
    %dma_wait3A_572 = tpu.memref_slice %arg2[%dma_wait3A_563, %dma_wait3A_571] : memref<16x1024xi32, #tpu.memory_space<hbm>> -> memref<1x1024xi32, #tpu.memory_space<hbm>>
    %dma_wait3A_573 = tpu.memref_squeeze %dma_wait3A_572 : memref<1x1024xi32, #tpu.memory_space<hbm>> -> memref<1024xi32, #tpu.memory_space<hbm>>
    tpu.wait_dma2 semaphore(%arg8 : memref<!tpu.dma_semaphore, #tpu.memory_space<semaphore_mem>>) src(%dma_wait3A_573 : memref<1024xi32, #tpu.memory_space<hbm>>) dst(%dma_wait3A_570 : memref<1024xi32, #tpu.memory_space<vmem>>)
    %dma_wait3A_574 = arith.constant 13 : i32
    %dma_wait3A_575 = arith.constant 13312 : i32
    %dma_wait3A_576 = tpu.memref_slice %arg5[%dma_wait3A_575] : memref<16384xi32, #tpu.memory_space<vmem>> -> memref<1024xi32, #tpu.memory_space<vmem>>
    %dma_wait3A_577 = arith.constant 0 : i32
    %dma_wait3A_578 = tpu.memref_slice %arg2[%dma_wait3A_574, %dma_wait3A_577] : memref<16x1024xi32, #tpu.memory_space<hbm>> -> memref<1x1024xi32, #tpu.memory_space<hbm>>
    %dma_wait3A_579 = tpu.memref_squeeze %dma_wait3A_578 : memref<1x1024xi32, #tpu.memory_space<hbm>> -> memref<1024xi32, #tpu.memory_space<hbm>>
    %dma_wait3A_580 = arith.constant 13312 : i32
    %dma_wait3A_581 = tpu.memref_slice %arg5[%dma_wait3A_580] : memref<16384xi32, #tpu.memory_space<vmem>> -> memref<1024xi32, #tpu.memory_space<vmem>>
    %dma_wait3A_582 = arith.constant 0 : i32
    %dma_wait3A_583 = tpu.memref_slice %arg2[%dma_wait3A_574, %dma_wait3A_582] : memref<16x1024xi32, #tpu.memory_space<hbm>> -> memref<1x1024xi32, #tpu.memory_space<hbm>>
    %dma_wait3A_584 = tpu.memref_squeeze %dma_wait3A_583 : memref<1x1024xi32, #tpu.memory_space<hbm>> -> memref<1024xi32, #tpu.memory_space<hbm>>
    tpu.wait_dma2 semaphore(%arg8 : memref<!tpu.dma_semaphore, #tpu.memory_space<semaphore_mem>>) src(%dma_wait3A_584 : memref<1024xi32, #tpu.memory_space<hbm>>) dst(%dma_wait3A_581 : memref<1024xi32, #tpu.memory_space<vmem>>)
    %dma_wait3A_585 = arith.constant 14 : i32
    %dma_wait3A_586 = arith.constant 14336 : i32
    %dma_wait3A_587 = tpu.memref_slice %arg5[%dma_wait3A_586] : memref<16384xi32, #tpu.memory_space<vmem>> -> memref<1024xi32, #tpu.memory_space<vmem>>
    %dma_wait3A_588 = arith.constant 0 : i32
    %dma_wait3A_589 = tpu.memref_slice %arg2[%dma_wait3A_585, %dma_wait3A_588] : memref<16x1024xi32, #tpu.memory_space<hbm>> -> memref<1x1024xi32, #tpu.memory_space<hbm>>
    %dma_wait3A_590 = tpu.memref_squeeze %dma_wait3A_589 : memref<1x1024xi32, #tpu.memory_space<hbm>> -> memref<1024xi32, #tpu.memory_space<hbm>>
    %dma_wait3A_591 = arith.constant 14336 : i32
    %dma_wait3A_592 = tpu.memref_slice %arg5[%dma_wait3A_591] : memref<16384xi32, #tpu.memory_space<vmem>> -> memref<1024xi32, #tpu.memory_space<vmem>>
    %dma_wait3A_593 = arith.constant 0 : i32
    %dma_wait3A_594 = tpu.memref_slice %arg2[%dma_wait3A_585, %dma_wait3A_593] : memref<16x1024xi32, #tpu.memory_space<hbm>> -> memref<1x1024xi32, #tpu.memory_space<hbm>>
    %dma_wait3A_595 = tpu.memref_squeeze %dma_wait3A_594 : memref<1x1024xi32, #tpu.memory_space<hbm>> -> memref<1024xi32, #tpu.memory_space<hbm>>
    tpu.wait_dma2 semaphore(%arg8 : memref<!tpu.dma_semaphore, #tpu.memory_space<semaphore_mem>>) src(%dma_wait3A_595 : memref<1024xi32, #tpu.memory_space<hbm>>) dst(%dma_wait3A_592 : memref<1024xi32, #tpu.memory_space<vmem>>)
    %dma_wait3A_596 = arith.constant 15 : i32
    %dma_wait3A_597 = arith.constant 15360 : i32
    %dma_wait3A_598 = tpu.memref_slice %arg5[%dma_wait3A_597] : memref<16384xi32, #tpu.memory_space<vmem>> -> memref<1024xi32, #tpu.memory_space<vmem>>
    %dma_wait3A_599 = arith.constant 0 : i32
    %dma_wait3A_600 = tpu.memref_slice %arg2[%dma_wait3A_596, %dma_wait3A_599] : memref<16x1024xi32, #tpu.memory_space<hbm>> -> memref<1x1024xi32, #tpu.memory_space<hbm>>
    %dma_wait3A_601 = tpu.memref_squeeze %dma_wait3A_600 : memref<1x1024xi32, #tpu.memory_space<hbm>> -> memref<1024xi32, #tpu.memory_space<hbm>>
    %dma_wait3A_602 = arith.constant 15360 : i32
    %dma_wait3A_603 = tpu.memref_slice %arg5[%dma_wait3A_602] : memref<16384xi32, #tpu.memory_space<vmem>> -> memref<1024xi32, #tpu.memory_space<vmem>>
    %dma_wait3A_604 = arith.constant 0 : i32
    %dma_wait3A_605 = tpu.memref_slice %arg2[%dma_wait3A_596, %dma_wait3A_604] : memref<16x1024xi32, #tpu.memory_space<hbm>> -> memref<1x1024xi32, #tpu.memory_space<hbm>>
    %dma_wait3A_606 = tpu.memref_squeeze %dma_wait3A_605 : memref<1x1024xi32, #tpu.memory_space<hbm>> -> memref<1024xi32, #tpu.memory_space<hbm>>
    tpu.wait_dma2 semaphore(%arg8 : memref<!tpu.dma_semaphore, #tpu.memory_space<semaphore_mem>>) src(%dma_wait3A_606 : memref<1024xi32, #tpu.memory_space<hbm>>) dst(%dma_wait3A_603 : memref<1024xi32, #tpu.memory_space<vmem>>)
    %parallel_loop3A_607 = arith.constant 8192 : i32
    %parallel_loop3A_608 = arith.constant 16384 : i32
    %parallel_loop3A_609 = arith.constant 16 : i32
    scf.for %parallel_loop3A_1170 = %parallel_loop3A_607 to %parallel_loop3A_608 step %parallel_loop3A_609  : i32 {
      %parallel_loop3A_1171 = arith.index_cast %parallel_loop3A_1170 : i32 to index
      %parallel_loop3A_1172 = tpu.vector_load %arg5[%parallel_loop3A_1171] {strides = array<i32>} : memref<16384xi32, #tpu.memory_space<vmem>>, vector<16xi32>,
      %parallel_loop3A_1173 = arith.constant 0 : i32
      %parallel_loop3A_1174 = vector.broadcast %parallel_loop3A_1173 : i32 to vector<16xi32>
      %parallel_loop3A_1175 = arith.addi %parallel_loop3A_1172, %parallel_loop3A_1174 : vector<16xi32>
      %parallel_loop3A_1176 = tpu.vector_load_idx %arg6[%parallel_loop3A_1175] : memref<16384xf32, #tpu.memory_space<vmem>>[vector<16xi32>], vector<16xf32>,
      %parallel_loop3A_1177 = arith.constant 0 : i32
      %parallel_loop3A_1178 = arith.addi %parallel_loop3A_1177, %parallel_loop3A_1170 : i32
      %parallel_loop3A_1179 = arith.index_cast %parallel_loop3A_1178 : i32 to index
      %parallel_loop3A_1180 = tpu.vector_load %arg7[%parallel_loop3A_1179] {strides = array<i32>} : memref<32768xf32, #tpu.memory_space<vmem>>, vector<16xf32>,
      tpu.vector_store %arg7[%parallel_loop3A_1179], %parallel_loop3A_1176 {strides = array<i32>} : memref<32768xf32, #tpu.memory_space<vmem>>, vector<16xf32>,
      %parallel_loop3A_1181 = arith.constant 8192 : i32
      %parallel_loop3A_1182 = vector.broadcast %parallel_loop3A_1181 : i32 to vector<16xi32>
      %parallel_loop3A_1183 = arith.addi %parallel_loop3A_1172, %parallel_loop3A_1182 : vector<16xi32>
      %parallel_loop3A_1184 = tpu.vector_load_idx %arg6[%parallel_loop3A_1183] : memref<16384xf32, #tpu.memory_space<vmem>>[vector<16xi32>], vector<16xf32>,
      %parallel_loop3A_1185 = arith.constant 16384 : i32
      %parallel_loop3A_1186 = arith.addi %parallel_loop3A_1185, %parallel_loop3A_1170 : i32
      %parallel_loop3A_1187 = arith.index_cast %parallel_loop3A_1186 : i32 to index
      %parallel_loop3A_1188 = tpu.vector_load %arg7[%parallel_loop3A_1187] {strides = array<i32>} : memref<32768xf32, #tpu.memory_space<vmem>>, vector<16xf32>,
      tpu.vector_store %arg7[%parallel_loop3A_1187], %parallel_loop3A_1184 {strides = array<i32>} : memref<32768xf32, #tpu.memory_space<vmem>>, vector<16xf32>,
    } {sc.loop_unroll_factor = 16 : i64, sc.parallel_access}
    %add3A_610 = arith.constant 0 : i32
    %add3A_611 = arith.addi %mul3A_2, %add3A_610 : i32
    %dma_start3A_612 = arith.constant 8 : i32
    %dma_start3A_613 = arith.constant 8192 : i32
    %dma_start3A_614 = tpu.memref_slice %arg7[%dma_start3A_613] : memref<32768xf32, #tpu.memory_space<vmem>> -> memref<1024xf32, #tpu.memory_space<vmem>>
    %dma_start3A_615 = arith.constant 0 : i32
    %dma_start3A_616 = tpu.memref_slice %arg4[%dma_start3A_612, %add3A_611, %dma_start3A_615] : memref<16x64x1024xf32, #tpu.memory_space<hbm>> -> memref<1x1x1024xf32, #tpu.memory_space<hbm>>
    %dma_start3A_617 = tpu.memref_squeeze %dma_start3A_616 : memref<1x1x1024xf32, #tpu.memory_space<hbm>> -> memref<1024xf32, #tpu.memory_space<hbm>>
    %dma_start3A_618 = arith.constant 0 : i32
    %dma_start3A_619 = tpu.memref_slice %arg4[%dma_start3A_612, %add3A_611, %dma_start3A_618] : memref<16x64x1024xf32, #tpu.memory_space<hbm>> -> memref<1x1x1024xf32, #tpu.memory_space<hbm>>
    %dma_start3A_620 = tpu.memref_squeeze %dma_start3A_619 : memref<1x1x1024xf32, #tpu.memory_space<hbm>> -> memref<1024xf32, #tpu.memory_space<hbm>>
    %dma_start3A_621 = arith.constant 8192 : i32
    %dma_start3A_622 = tpu.memref_slice %arg7[%dma_start3A_621] : memref<32768xf32, #tpu.memory_space<vmem>> -> memref<1024xf32, #tpu.memory_space<vmem>>
    tpu.enqueue_dma source(%dma_start3A_622 : memref<1024xf32, #tpu.memory_space<vmem>>) target(%dma_start3A_620 : memref<1024xf32, #tpu.memory_space<hbm>>) target_semaphore(%arg9 : memref<!tpu.dma_semaphore, #tpu.memory_space<semaphore_mem>>)
    %add3A_623 = arith.constant 0 : i32
    %add3A_624 = arith.addi %mul3A_2, %add3A_623 : i32
    %dma_start3A_625 = arith.constant 9 : i32
    %dma_start3A_626 = arith.constant 9216 : i32
    %dma_start3A_627 = tpu.memref_slice %arg7[%dma_start3A_626] : memref<32768xf32, #tpu.memory_space<vmem>> -> memref<1024xf32, #tpu.memory_space<vmem>>
    %dma_start3A_628 = arith.constant 0 : i32
    %dma_start3A_629 = tpu.memref_slice %arg4[%dma_start3A_625, %add3A_624, %dma_start3A_628] : memref<16x64x1024xf32, #tpu.memory_space<hbm>> -> memref<1x1x1024xf32, #tpu.memory_space<hbm>>
    %dma_start3A_630 = tpu.memref_squeeze %dma_start3A_629 : memref<1x1x1024xf32, #tpu.memory_space<hbm>> -> memref<1024xf32, #tpu.memory_space<hbm>>
    %dma_start3A_631 = arith.constant 0 : i32
    %dma_start3A_632 = tpu.memref_slice %arg4[%dma_start3A_625, %add3A_624, %dma_start3A_631] : memref<16x64x1024xf32, #tpu.memory_space<hbm>> -> memref<1x1x1024xf32, #tpu.memory_space<hbm>>
    %dma_start3A_633 = tpu.memref_squeeze %dma_start3A_632 : memref<1x1x1024xf32, #tpu.memory_space<hbm>> -> memref<1024xf32, #tpu.memory_space<hbm>>
    %dma_start3A_634 = arith.constant 9216 : i32
    %dma_start3A_635 = tpu.memref_slice %arg7[%dma_start3A_634] : memref<32768xf32, #tpu.memory_space<vmem>> -> memref<1024xf32, #tpu.memory_space<vmem>>
    tpu.enqueue_dma source(%dma_start3A_635 : memref<1024xf32, #tpu.memory_space<vmem>>) target(%dma_start3A_633 : memref<1024xf32, #tpu.memory_space<hbm>>) target_semaphore(%arg9 : memref<!tpu.dma_semaphore, #tpu.memory_space<semaphore_mem>>)
    %add3A_636 = arith.constant 0 : i32
    %add3A_637 = arith.addi %mul3A_2, %add3A_636 : i32
    %dma_start3A_638 = arith.constant 10 : i32
    %dma_start3A_639 = arith.constant 10240 : i32
    %dma_start3A_640 = tpu.memref_slice %arg7[%dma_start3A_639] : memref<32768xf32, #tpu.memory_space<vmem>> -> memref<1024xf32, #tpu.memory_space<vmem>>
    %dma_start3A_641 = arith.constant 0 : i32
    %dma_start3A_642 = tpu.memref_slice %arg4[%dma_start3A_638, %add3A_637, %dma_start3A_641] : memref<16x64x1024xf32, #tpu.memory_space<hbm>> -> memref<1x1x1024xf32, #tpu.memory_space<hbm>>
    %dma_start3A_643 = tpu.memref_squeeze %dma_start3A_642 : memref<1x1x1024xf32, #tpu.memory_space<hbm>> -> memref<1024xf32, #tpu.memory_space<hbm>>
    %dma_start3A_644 = arith.constant 0 : i32
    %dma_start3A_645 = tpu.memref_slice %arg4[%dma_start3A_638, %add3A_637, %dma_start3A_644] : memref<16x64x1024xf32, #tpu.memory_space<hbm>> -> memref<1x1x1024xf32, #tpu.memory_space<hbm>>
    %dma_start3A_646 = tpu.memref_squeeze %dma_start3A_645 : memref<1x1x1024xf32, #tpu.memory_space<hbm>> -> memref<1024xf32, #tpu.memory_space<hbm>>
    %dma_start3A_647 = arith.constant 10240 : i32
    %dma_start3A_648 = tpu.memref_slice %arg7[%dma_start3A_647] : memref<32768xf32, #tpu.memory_space<vmem>> -> memref<1024xf32, #tpu.memory_space<vmem>>
    tpu.enqueue_dma source(%dma_start3A_648 : memref<1024xf32, #tpu.memory_space<vmem>>) target(%dma_start3A_646 : memref<1024xf32, #tpu.memory_space<hbm>>) target_semaphore(%arg9 : memref<!tpu.dma_semaphore, #tpu.memory_space<semaphore_mem>>)
    %add3A_649 = arith.constant 0 : i32
    %add3A_650 = arith.addi %mul3A_2, %add3A_649 : i32
    %dma_start3A_651 = arith.constant 11 : i32
    %dma_start3A_652 = arith.constant 11264 : i32
    %dma_start3A_653 = tpu.memref_slice %arg7[%dma_start3A_652] : memref<32768xf32, #tpu.memory_space<vmem>> -> memref<1024xf32, #tpu.memory_space<vmem>>
    %dma_start3A_654 = arith.constant 0 : i32
    %dma_start3A_655 = tpu.memref_slice %arg4[%dma_start3A_651, %add3A_650, %dma_start3A_654] : memref<16x64x1024xf32, #tpu.memory_space<hbm>> -> memref<1x1x1024xf32, #tpu.memory_space<hbm>>
    %dma_start3A_656 = tpu.memref_squeeze %dma_start3A_655 : memref<1x1x1024xf32, #tpu.memory_space<hbm>> -> memref<1024xf32, #tpu.memory_space<hbm>>
    %dma_start3A_657 = arith.constant 0 : i32
    %dma_start3A_658 = tpu.memref_slice %arg4[%dma_start3A_651, %add3A_650, %dma_start3A_657] : memref<16x64x1024xf32, #tpu.memory_space<hbm>> -> memref<1x1x1024xf32, #tpu.memory_space<hbm>>
    %dma_start3A_659 = tpu.memref_squeeze %dma_start3A_658 : memref<1x1x1024xf32, #tpu.memory_space<hbm>> -> memref<1024xf32, #tpu.memory_space<hbm>>
    %dma_start3A_660 = arith.constant 11264 : i32
    %dma_start3A_661 = tpu.memref_slice %arg7[%dma_start3A_660] : memref<32768xf32, #tpu.memory_space<vmem>> -> memref<1024xf32, #tpu.memory_space<vmem>>
    tpu.enqueue_dma source(%dma_start3A_661 : memref<1024xf32, #tpu.memory_space<vmem>>) target(%dma_start3A_659 : memref<1024xf32, #tpu.memory_space<hbm>>) target_semaphore(%arg9 : memref<!tpu.dma_semaphore, #tpu.memory_space<semaphore_mem>>)
    %add3A_662 = arith.constant 0 : i32
    %add3A_663 = arith.addi %mul3A_2, %add3A_662 : i32
    %dma_start3A_664 = arith.constant 12 : i32
    %dma_start3A_665 = arith.constant 12288 : i32
    %dma_start3A_666 = tpu.memref_slice %arg7[%dma_start3A_665] : memref<32768xf32, #tpu.memory_space<vmem>> -> memref<1024xf32, #tpu.memory_space<vmem>>
    %dma_start3A_667 = arith.constant 0 : i32
    %dma_start3A_668 = tpu.memref_slice %arg4[%dma_start3A_664, %add3A_663, %dma_start3A_667] : memref<16x64x1024xf32, #tpu.memory_space<hbm>> -> memref<1x1x1024xf32, #tpu.memory_space<hbm>>
    %dma_start3A_669 = tpu.memref_squeeze %dma_start3A_668 : memref<1x1x1024xf32, #tpu.memory_space<hbm>> -> memref<1024xf32, #tpu.memory_space<hbm>>
    %dma_start3A_670 = arith.constant 0 : i32
    %dma_start3A_671 = tpu.memref_slice %arg4[%dma_start3A_664, %add3A_663, %dma_start3A_670] : memref<16x64x1024xf32, #tpu.memory_space<hbm>> -> memref<1x1x1024xf32, #tpu.memory_space<hbm>>
    %dma_start3A_672 = tpu.memref_squeeze %dma_start3A_671 : memref<1x1x1024xf32, #tpu.memory_space<hbm>> -> memref<1024xf32, #tpu.memory_space<hbm>>
    %dma_start3A_673 = arith.constant 12288 : i32
    %dma_start3A_674 = tpu.memref_slice %arg7[%dma_start3A_673] : memref<32768xf32, #tpu.memory_space<vmem>> -> memref<1024xf32, #tpu.memory_space<vmem>>
    tpu.enqueue_dma source(%dma_start3A_674 : memref<1024xf32, #tpu.memory_space<vmem>>) target(%dma_start3A_672 : memref<1024xf32, #tpu.memory_space<hbm>>) target_semaphore(%arg9 : memref<!tpu.dma_semaphore, #tpu.memory_space<semaphore_mem>>)
    %add3A_675 = arith.constant 0 : i32
    %add3A_676 = arith.addi %mul3A_2, %add3A_675 : i32
    %dma_start3A_677 = arith.constant 13 : i32
    %dma_start3A_678 = arith.constant 13312 : i32
    %dma_start3A_679 = tpu.memref_slice %arg7[%dma_start3A_678] : memref<32768xf32, #tpu.memory_space<vmem>> -> memref<1024xf32, #tpu.memory_space<vmem>>
    %dma_start3A_680 = arith.constant 0 : i32
    %dma_start3A_681 = tpu.memref_slice %arg4[%dma_start3A_677, %add3A_676, %dma_start3A_680] : memref<16x64x1024xf32, #tpu.memory_space<hbm>> -> memref<1x1x1024xf32, #tpu.memory_space<hbm>>
    %dma_start3A_682 = tpu.memref_squeeze %dma_start3A_681 : memref<1x1x1024xf32, #tpu.memory_space<hbm>> -> memref<1024xf32, #tpu.memory_space<hbm>>
    %dma_start3A_683 = arith.constant 0 : i32
    %dma_start3A_684 = tpu.memref_slice %arg4[%dma_start3A_677, %add3A_676, %dma_start3A_683] : memref<16x64x1024xf32, #tpu.memory_space<hbm>> -> memref<1x1x1024xf32, #tpu.memory_space<hbm>>
    %dma_start3A_685 = tpu.memref_squeeze %dma_start3A_684 : memref<1x1x1024xf32, #tpu.memory_space<hbm>> -> memref<1024xf32, #tpu.memory_space<hbm>>
    %dma_start3A_686 = arith.constant 13312 : i32
    %dma_start3A_687 = tpu.memref_slice %arg7[%dma_start3A_686] : memref<32768xf32, #tpu.memory_space<vmem>> -> memref<1024xf32, #tpu.memory_space<vmem>>
    tpu.enqueue_dma source(%dma_start3A_687 : memref<1024xf32, #tpu.memory_space<vmem>>) target(%dma_start3A_685 : memref<1024xf32, #tpu.memory_space<hbm>>) target_semaphore(%arg9 : memref<!tpu.dma_semaphore, #tpu.memory_space<semaphore_mem>>)
    %add3A_688 = arith.constant 0 : i32
    %add3A_689 = arith.addi %mul3A_2, %add3A_688 : i32
    %dma_start3A_690 = arith.constant 14 : i32
    %dma_start3A_691 = arith.constant 14336 : i32
    %dma_start3A_692 = tpu.memref_slice %arg7[%dma_start3A_691] : memref<32768xf32, #tpu.memory_space<vmem>> -> memref<1024xf32, #tpu.memory_space<vmem>>
    %dma_start3A_693 = arith.constant 0 : i32
    %dma_start3A_694 = tpu.memref_slice %arg4[%dma_start3A_690, %add3A_689, %dma_start3A_693] : memref<16x64x1024xf32, #tpu.memory_space<hbm>> -> memref<1x1x1024xf32, #tpu.memory_space<hbm>>
    %dma_start3A_695 = tpu.memref_squeeze %dma_start3A_694 : memref<1x1x1024xf32, #tpu.memory_space<hbm>> -> memref<1024xf32, #tpu.memory_space<hbm>>
    %dma_start3A_696 = arith.constant 0 : i32
    %dma_start3A_697 = tpu.memref_slice %arg4[%dma_start3A_690, %add3A_689, %dma_start3A_696] : memref<16x64x1024xf32, #tpu.memory_space<hbm>> -> memref<1x1x1024xf32, #tpu.memory_space<hbm>>
    %dma_start3A_698 = tpu.memref_squeeze %dma_start3A_697 : memref<1x1x1024xf32, #tpu.memory_space<hbm>> -> memref<1024xf32, #tpu.memory_space<hbm>>
    %dma_start3A_699 = arith.constant 14336 : i32
    %dma_start3A_700 = tpu.memref_slice %arg7[%dma_start3A_699] : memref<32768xf32, #tpu.memory_space<vmem>> -> memref<1024xf32, #tpu.memory_space<vmem>>
    tpu.enqueue_dma source(%dma_start3A_700 : memref<1024xf32, #tpu.memory_space<vmem>>) target(%dma_start3A_698 : memref<1024xf32, #tpu.memory_space<hbm>>) target_semaphore(%arg9 : memref<!tpu.dma_semaphore, #tpu.memory_space<semaphore_mem>>)
    %add3A_701 = arith.constant 0 : i32
    %add3A_702 = arith.addi %mul3A_2, %add3A_701 : i32
    %dma_start3A_703 = arith.constant 15 : i32
    %dma_start3A_704 = arith.constant 15360 : i32
    %dma_start3A_705 = tpu.memref_slice %arg7[%dma_start3A_704] : memref<32768xf32, #tpu.memory_space<vmem>> -> memref<1024xf32, #tpu.memory_space<vmem>>
    %dma_start3A_706 = arith.constant 0 : i32
    %dma_start3A_707 = tpu.memref_slice %arg4[%dma_start3A_703, %add3A_702, %dma_start3A_706] : memref<16x64x1024xf32, #tpu.memory_space<hbm>> -> memref<1x1x1024xf32, #tpu.memory_space<hbm>>
    %dma_start3A_708 = tpu.memref_squeeze %dma_start3A_707 : memref<1x1x1024xf32, #tpu.memory_space<hbm>> -> memref<1024xf32, #tpu.memory_space<hbm>>
    %dma_start3A_709 = arith.constant 0 : i32
    %dma_start3A_710 = tpu.memref_slice %arg4[%dma_start3A_703, %add3A_702, %dma_start3A_709] : memref<16x64x1024xf32, #tpu.memory_space<hbm>> -> memref<1x1x1024xf32, #tpu.memory_space<hbm>>
    %dma_start3A_711 = tpu.memref_squeeze %dma_start3A_710 : memref<1x1x1024xf32, #tpu.memory_space<hbm>> -> memref<1024xf32, #tpu.memory_space<hbm>>
    %dma_start3A_712 = arith.constant 15360 : i32
    %dma_start3A_713 = tpu.memref_slice %arg7[%dma_start3A_712] : memref<32768xf32, #tpu.memory_space<vmem>> -> memref<1024xf32, #tpu.memory_space<vmem>>
    tpu.enqueue_dma source(%dma_start3A_713 : memref<1024xf32, #tpu.memory_space<vmem>>) target(%dma_start3A_711 : memref<1024xf32, #tpu.memory_space<hbm>>) target_semaphore(%arg9 : memref<!tpu.dma_semaphore, #tpu.memory_space<semaphore_mem>>)
    %add3A_714 = arith.constant 1 : i32
    %add3A_715 = arith.addi %mul3A_2, %add3A_714 : i32
    %dma_start3A_716 = arith.constant 8 : i32
    %dma_start3A_717 = arith.constant 24576 : i32
    %dma_start3A_718 = tpu.memref_slice %arg7[%dma_start3A_717] : memref<32768xf32, #tpu.memory_space<vmem>> -> memref<1024xf32, #tpu.memory_space<vmem>>
    %dma_start3A_719 = arith.constant 0 : i32
    %dma_start3A_720 = tpu.memref_slice %arg4[%dma_start3A_716, %add3A_715, %dma_start3A_719] : memref<16x64x1024xf32, #tpu.memory_space<hbm>> -> memref<1x1x1024xf32, #tpu.memory_space<hbm>>
    %dma_start3A_721 = tpu.memref_squeeze %dma_start3A_720 : memref<1x1x1024xf32, #tpu.memory_space<hbm>> -> memref<1024xf32, #tpu.memory_space<hbm>>
    %dma_start3A_722 = arith.constant 0 : i32
    %dma_start3A_723 = tpu.memref_slice %arg4[%dma_start3A_716, %add3A_715, %dma_start3A_722] : memref<16x64x1024xf32, #tpu.memory_space<hbm>> -> memref<1x1x1024xf32, #tpu.memory_space<hbm>>
    %dma_start3A_724 = tpu.memref_squeeze %dma_start3A_723 : memref<1x1x1024xf32, #tpu.memory_space<hbm>> -> memref<1024xf32, #tpu.memory_space<hbm>>
    %dma_start3A_725 = arith.constant 24576 : i32
    %dma_start3A_726 = tpu.memref_slice %arg7[%dma_start3A_725] : memref<32768xf32, #tpu.memory_space<vmem>> -> memref<1024xf32, #tpu.memory_space<vmem>>
    tpu.enqueue_dma source(%dma_start3A_726 : memref<1024xf32, #tpu.memory_space<vmem>>) target(%dma_start3A_724 : memref<1024xf32, #tpu.memory_space<hbm>>) target_semaphore(%arg9 : memref<!tpu.dma_semaphore, #tpu.memory_space<semaphore_mem>>)
    %add3A_727 = arith.constant 1 : i32
    %add3A_728 = arith.addi %mul3A_2, %add3A_727 : i32
    %dma_start3A_729 = arith.constant 9 : i32
    %dma_start3A_730 = arith.constant 25600 : i32
    %dma_start3A_731 = tpu.memref_slice %arg7[%dma_start3A_730] : memref<32768xf32, #tpu.memory_space<vmem>> -> memref<1024xf32, #tpu.memory_space<vmem>>
    %dma_start3A_732 = arith.constant 0 : i32
    %dma_start3A_733 = tpu.memref_slice %arg4[%dma_start3A_729, %add3A_728, %dma_start3A_732] : memref<16x64x1024xf32, #tpu.memory_space<hbm>> -> memref<1x1x1024xf32, #tpu.memory_space<hbm>>
    %dma_start3A_734 = tpu.memref_squeeze %dma_start3A_733 : memref<1x1x1024xf32, #tpu.memory_space<hbm>> -> memref<1024xf32, #tpu.memory_space<hbm>>
    %dma_start3A_735 = arith.constant 0 : i32
    %dma_start3A_736 = tpu.memref_slice %arg4[%dma_start3A_729, %add3A_728, %dma_start3A_735] : memref<16x64x1024xf32, #tpu.memory_space<hbm>> -> memref<1x1x1024xf32, #tpu.memory_space<hbm>>
    %dma_start3A_737 = tpu.memref_squeeze %dma_start3A_736 : memref<1x1x1024xf32, #tpu.memory_space<hbm>> -> memref<1024xf32, #tpu.memory_space<hbm>>
    %dma_start3A_738 = arith.constant 25600 : i32
    %dma_start3A_739 = tpu.memref_slice %arg7[%dma_start3A_738] : memref<32768xf32, #tpu.memory_space<vmem>> -> memref<1024xf32, #tpu.memory_space<vmem>>
    tpu.enqueue_dma source(%dma_start3A_739 : memref<1024xf32, #tpu.memory_space<vmem>>) target(%dma_start3A_737 : memref<1024xf32, #tpu.memory_space<hbm>>) target_semaphore(%arg9 : memref<!tpu.dma_semaphore, #tpu.memory_space<semaphore_mem>>)
    %add3A_740 = arith.constant 1 : i32
    %add3A_741 = arith.addi %mul3A_2, %add3A_740 : i32
    %dma_start3A_742 = arith.constant 10 : i32
    %dma_start3A_743 = arith.constant 26624 : i32
    %dma_start3A_744 = tpu.memref_slice %arg7[%dma_start3A_743] : memref<32768xf32, #tpu.memory_space<vmem>> -> memref<1024xf32, #tpu.memory_space<vmem>>
    %dma_start3A_745 = arith.constant 0 : i32
    %dma_start3A_746 = tpu.memref_slice %arg4[%dma_start3A_742, %add3A_741, %dma_start3A_745] : memref<16x64x1024xf32, #tpu.memory_space<hbm>> -> memref<1x1x1024xf32, #tpu.memory_space<hbm>>
    %dma_start3A_747 = tpu.memref_squeeze %dma_start3A_746 : memref<1x1x1024xf32, #tpu.memory_space<hbm>> -> memref<1024xf32, #tpu.memory_space<hbm>>
    %dma_start3A_748 = arith.constant 0 : i32
    %dma_start3A_749 = tpu.memref_slice %arg4[%dma_start3A_742, %add3A_741, %dma_start3A_748] : memref<16x64x1024xf32, #tpu.memory_space<hbm>> -> memref<1x1x1024xf32, #tpu.memory_space<hbm>>
    %dma_start3A_750 = tpu.memref_squeeze %dma_start3A_749 : memref<1x1x1024xf32, #tpu.memory_space<hbm>> -> memref<1024xf32, #tpu.memory_space<hbm>>
    %dma_start3A_751 = arith.constant 26624 : i32
    %dma_start3A_752 = tpu.memref_slice %arg7[%dma_start3A_751] : memref<32768xf32, #tpu.memory_space<vmem>> -> memref<1024xf32, #tpu.memory_space<vmem>>
    tpu.enqueue_dma source(%dma_start3A_752 : memref<1024xf32, #tpu.memory_space<vmem>>) target(%dma_start3A_750 : memref<1024xf32, #tpu.memory_space<hbm>>) target_semaphore(%arg9 : memref<!tpu.dma_semaphore, #tpu.memory_space<semaphore_mem>>)
    %add3A_753 = arith.constant 1 : i32
    %add3A_754 = arith.addi %mul3A_2, %add3A_753 : i32
    %dma_start3A_755 = arith.constant 11 : i32
    %dma_start3A_756 = arith.constant 27648 : i32
    %dma_start3A_757 = tpu.memref_slice %arg7[%dma_start3A_756] : memref<32768xf32, #tpu.memory_space<vmem>> -> memref<1024xf32, #tpu.memory_space<vmem>>
    %dma_start3A_758 = arith.constant 0 : i32
    %dma_start3A_759 = tpu.memref_slice %arg4[%dma_start3A_755, %add3A_754, %dma_start3A_758] : memref<16x64x1024xf32, #tpu.memory_space<hbm>> -> memref<1x1x1024xf32, #tpu.memory_space<hbm>>
    %dma_start3A_760 = tpu.memref_squeeze %dma_start3A_759 : memref<1x1x1024xf32, #tpu.memory_space<hbm>> -> memref<1024xf32, #tpu.memory_space<hbm>>
    %dma_start3A_761 = arith.constant 0 : i32
    %dma_start3A_762 = tpu.memref_slice %arg4[%dma_start3A_755, %add3A_754, %dma_start3A_761] : memref<16x64x1024xf32, #tpu.memory_space<hbm>> -> memref<1x1x1024xf32, #tpu.memory_space<hbm>>
    %dma_start3A_763 = tpu.memref_squeeze %dma_start3A_762 : memref<1x1x1024xf32, #tpu.memory_space<hbm>> -> memref<1024xf32, #tpu.memory_space<hbm>>
    %dma_start3A_764 = arith.constant 27648 : i32
    %dma_start3A_765 = tpu.memref_slice %arg7[%dma_start3A_764] : memref<32768xf32, #tpu.memory_space<vmem>> -> memref<1024xf32, #tpu.memory_space<vmem>>
    tpu.enqueue_dma source(%dma_start3A_765 : memref<1024xf32, #tpu.memory_space<vmem>>) target(%dma_start3A_763 : memref<1024xf32, #tpu.memory_space<hbm>>) target_semaphore(%arg9 : memref<!tpu.dma_semaphore, #tpu.memory_space<semaphore_mem>>)
    %add3A_766 = arith.constant 1 : i32
    %add3A_767 = arith.addi %mul3A_2, %add3A_766 : i32
    %dma_start3A_768 = arith.constant 12 : i32
    %dma_start3A_769 = arith.constant 28672 : i32
    %dma_start3A_770 = tpu.memref_slice %arg7[%dma_start3A_769] : memref<32768xf32, #tpu.memory_space<vmem>> -> memref<1024xf32, #tpu.memory_space<vmem>>
    %dma_start3A_771 = arith.constant 0 : i32
    %dma_start3A_772 = tpu.memref_slice %arg4[%dma_start3A_768, %add3A_767, %dma_start3A_771] : memref<16x64x1024xf32, #tpu.memory_space<hbm>> -> memref<1x1x1024xf32, #tpu.memory_space<hbm>>
    %dma_start3A_773 = tpu.memref_squeeze %dma_start3A_772 : memref<1x1x1024xf32, #tpu.memory_space<hbm>> -> memref<1024xf32, #tpu.memory_space<hbm>>
    %dma_start3A_774 = arith.constant 0 : i32
    %dma_start3A_775 = tpu.memref_slice %arg4[%dma_start3A_768, %add3A_767, %dma_start3A_774] : memref<16x64x1024xf32, #tpu.memory_space<hbm>> -> memref<1x1x1024xf32, #tpu.memory_space<hbm>>
    %dma_start3A_776 = tpu.memref_squeeze %dma_start3A_775 : memref<1x1x1024xf32, #tpu.memory_space<hbm>> -> memref<1024xf32, #tpu.memory_space<hbm>>
    %dma_start3A_777 = arith.constant 28672 : i32
    %dma_start3A_778 = tpu.memref_slice %arg7[%dma_start3A_777] : memref<32768xf32, #tpu.memory_space<vmem>> -> memref<1024xf32, #tpu.memory_space<vmem>>
    tpu.enqueue_dma source(%dma_start3A_778 : memref<1024xf32, #tpu.memory_space<vmem>>) target(%dma_start3A_776 : memref<1024xf32, #tpu.memory_space<hbm>>) target_semaphore(%arg9 : memref<!tpu.dma_semaphore, #tpu.memory_space<semaphore_mem>>)
    %add3A_779 = arith.constant 1 : i32
    %add3A_780 = arith.addi %mul3A_2, %add3A_779 : i32
    %dma_start3A_781 = arith.constant 13 : i32
    %dma_start3A_782 = arith.constant 29696 : i32
    %dma_start3A_783 = tpu.memref_slice %arg7[%dma_start3A_782] : memref<32768xf32, #tpu.memory_space<vmem>> -> memref<1024xf32, #tpu.memory_space<vmem>>
    %dma_start3A_784 = arith.constant 0 : i32
    %dma_start3A_785 = tpu.memref_slice %arg4[%dma_start3A_781, %add3A_780, %dma_start3A_784] : memref<16x64x1024xf32, #tpu.memory_space<hbm>> -> memref<1x1x1024xf32, #tpu.memory_space<hbm>>
    %dma_start3A_786 = tpu.memref_squeeze %dma_start3A_785 : memref<1x1x1024xf32, #tpu.memory_space<hbm>> -> memref<1024xf32, #tpu.memory_space<hbm>>
    %dma_start3A_787 = arith.constant 0 : i32
    %dma_start3A_788 = tpu.memref_slice %arg4[%dma_start3A_781, %add3A_780, %dma_start3A_787] : memref<16x64x1024xf32, #tpu.memory_space<hbm>> -> memref<1x1x1024xf32, #tpu.memory_space<hbm>>
    %dma_start3A_789 = tpu.memref_squeeze %dma_start3A_788 : memref<1x1x1024xf32, #tpu.memory_space<hbm>> -> memref<1024xf32, #tpu.memory_space<hbm>>
    %dma_start3A_790 = arith.constant 29696 : i32
    %dma_start3A_791 = tpu.memref_slice %arg7[%dma_start3A_790] : memref<32768xf32, #tpu.memory_space<vmem>> -> memref<1024xf32, #tpu.memory_space<vmem>>
    tpu.enqueue_dma source(%dma_start3A_791 : memref<1024xf32, #tpu.memory_space<vmem>>) target(%dma_start3A_789 : memref<1024xf32, #tpu.memory_space<hbm>>) target_semaphore(%arg9 : memref<!tpu.dma_semaphore, #tpu.memory_space<semaphore_mem>>)
    %add3A_792 = arith.constant 1 : i32
    %add3A_793 = arith.addi %mul3A_2, %add3A_792 : i32
    %dma_start3A_794 = arith.constant 14 : i32
    %dma_start3A_795 = arith.constant 30720 : i32
    %dma_start3A_796 = tpu.memref_slice %arg7[%dma_start3A_795] : memref<32768xf32, #tpu.memory_space<vmem>> -> memref<1024xf32, #tpu.memory_space<vmem>>
    %dma_start3A_797 = arith.constant 0 : i32
    %dma_start3A_798 = tpu.memref_slice %arg4[%dma_start3A_794, %add3A_793, %dma_start3A_797] : memref<16x64x1024xf32, #tpu.memory_space<hbm>> -> memref<1x1x1024xf32, #tpu.memory_space<hbm>>
    %dma_start3A_799 = tpu.memref_squeeze %dma_start3A_798 : memref<1x1x1024xf32, #tpu.memory_space<hbm>> -> memref<1024xf32, #tpu.memory_space<hbm>>
    %dma_start3A_800 = arith.constant 0 : i32
    %dma_start3A_801 = tpu.memref_slice %arg4[%dma_start3A_794, %add3A_793, %dma_start3A_800] : memref<16x64x1024xf32, #tpu.memory_space<hbm>> -> memref<1x1x1024xf32, #tpu.memory_space<hbm>>
    %dma_start3A_802 = tpu.memref_squeeze %dma_start3A_801 : memref<1x1x1024xf32, #tpu.memory_space<hbm>> -> memref<1024xf32, #tpu.memory_space<hbm>>
    %dma_start3A_803 = arith.constant 30720 : i32
    %dma_start3A_804 = tpu.memref_slice %arg7[%dma_start3A_803] : memref<32768xf32, #tpu.memory_space<vmem>> -> memref<1024xf32, #tpu.memory_space<vmem>>
    tpu.enqueue_dma source(%dma_start3A_804 : memref<1024xf32, #tpu.memory_space<vmem>>) target(%dma_start3A_802 : memref<1024xf32, #tpu.memory_space<hbm>>) target_semaphore(%arg9 : memref<!tpu.dma_semaphore, #tpu.memory_space<semaphore_mem>>)
    %add3A_805 = arith.constant 1 : i32
    %add3A_806 = arith.addi %mul3A_2, %add3A_805 : i32
    %dma_start3A_807 = arith.constant 15 : i32
    %dma_start3A_808 = arith.constant 31744 : i32
    %dma_start3A_809 = tpu.memref_slice %arg7[%dma_start3A_808] : memref<32768xf32, #tpu.memory_space<vmem>> -> memref<1024xf32, #tpu.memory_space<vmem>>
    %dma_start3A_810 = arith.constant 0 : i32
    %dma_start3A_811 = tpu.memref_slice %arg4[%dma_start3A_807, %add3A_806, %dma_start3A_810] : memref<16x64x1024xf32, #tpu.memory_space<hbm>> -> memref<1x1x1024xf32, #tpu.memory_space<hbm>>
    %dma_start3A_812 = tpu.memref_squeeze %dma_start3A_811 : memref<1x1x1024xf32, #tpu.memory_space<hbm>> -> memref<1024xf32, #tpu.memory_space<hbm>>
    %dma_start3A_813 = arith.constant 0 : i32
    %dma_start3A_814 = tpu.memref_slice %arg4[%dma_start3A_807, %add3A_806, %dma_start3A_813] : memref<16x64x1024xf32, #tpu.memory_space<hbm>> -> memref<1x1x1024xf32, #tpu.memory_space<hbm>>
    %dma_start3A_815 = tpu.memref_squeeze %dma_start3A_814 : memref<1x1x1024xf32, #tpu.memory_space<hbm>> -> memref<1024xf32, #tpu.memory_space<hbm>>
    %dma_start3A_816 = arith.constant 31744 : i32
    %dma_start3A_817 = tpu.memref_slice %arg7[%dma_start3A_816] : memref<32768xf32, #tpu.memory_space<vmem>> -> memref<1024xf32, #tpu.memory_space<vmem>>
    tpu.enqueue_dma source(%dma_start3A_817 : memref<1024xf32, #tpu.memory_space<vmem>>) target(%dma_start3A_815 : memref<1024xf32, #tpu.memory_space<hbm>>) target_semaphore(%arg9 : memref<!tpu.dma_semaphore, #tpu.memory_space<semaphore_mem>>)
    %dma_wait3A_818 = arith.constant 0 : i32
    %dma_wait3A_819 = arith.constant 0 : i32
    %dma_wait3A_820 = tpu.memref_slice %arg7[%dma_wait3A_819] : memref<32768xf32, #tpu.memory_space<vmem>> -> memref<1024xf32, #tpu.memory_space<vmem>>
    %dma_wait3A_821 = arith.constant 0 : i32
    %dma_wait3A_822 = tpu.memref_slice %arg4[%dma_wait3A_818, %add3A_312, %dma_wait3A_821] : memref<16x64x1024xf32, #tpu.memory_space<hbm>> -> memref<1x1x1024xf32, #tpu.memory_space<hbm>>
    %dma_wait3A_823 = tpu.memref_squeeze %dma_wait3A_822 : memref<1x1x1024xf32, #tpu.memory_space<hbm>> -> memref<1024xf32, #tpu.memory_space<hbm>>
    %dma_wait3A_824 = arith.constant 0 : i32
    %dma_wait3A_825 = tpu.memref_slice %arg4[%dma_wait3A_818, %add3A_312, %dma_wait3A_824] : memref<16x64x1024xf32, #tpu.memory_space<hbm>> -> memref<1x1x1024xf32, #tpu.memory_space<hbm>>
    %dma_wait3A_826 = tpu.memref_squeeze %dma_wait3A_825 : memref<1x1x1024xf32, #tpu.memory_space<hbm>> -> memref<1024xf32, #tpu.memory_space<hbm>>
    %dma_wait3A_827 = arith.constant 0 : i32
    %dma_wait3A_828 = tpu.memref_slice %arg7[%dma_wait3A_827] : memref<32768xf32, #tpu.memory_space<vmem>> -> memref<1024xf32, #tpu.memory_space<vmem>>
    tpu.wait_dma2 semaphore(%arg9 : memref<!tpu.dma_semaphore, #tpu.memory_space<semaphore_mem>>) src(%dma_wait3A_828 : memref<1024xf32, #tpu.memory_space<vmem>>) dst(%dma_wait3A_826 : memref<1024xf32, #tpu.memory_space<hbm>>)
    %dma_wait3A_829 = arith.constant 1 : i32
    %dma_wait3A_830 = arith.constant 1024 : i32
    %dma_wait3A_831 = tpu.memref_slice %arg7[%dma_wait3A_830] : memref<32768xf32, #tpu.memory_space<vmem>> -> memref<1024xf32, #tpu.memory_space<vmem>>
    %dma_wait3A_832 = arith.constant 0 : i32
    %dma_wait3A_833 = tpu.memref_slice %arg4[%dma_wait3A_829, %add3A_325, %dma_wait3A_832] : memref<16x64x1024xf32, #tpu.memory_space<hbm>> -> memref<1x1x1024xf32, #tpu.memory_space<hbm>>
    %dma_wait3A_834 = tpu.memref_squeeze %dma_wait3A_833 : memref<1x1x1024xf32, #tpu.memory_space<hbm>> -> memref<1024xf32, #tpu.memory_space<hbm>>
    %dma_wait3A_835 = arith.constant 0 : i32
    %dma_wait3A_836 = tpu.memref_slice %arg4[%dma_wait3A_829, %add3A_325, %dma_wait3A_835] : memref<16x64x1024xf32, #tpu.memory_space<hbm>> -> memref<1x1x1024xf32, #tpu.memory_space<hbm>>
    %dma_wait3A_837 = tpu.memref_squeeze %dma_wait3A_836 : memref<1x1x1024xf32, #tpu.memory_space<hbm>> -> memref<1024xf32, #tpu.memory_space<hbm>>
    %dma_wait3A_838 = arith.constant 1024 : i32
    %dma_wait3A_839 = tpu.memref_slice %arg7[%dma_wait3A_838] : memref<32768xf32, #tpu.memory_space<vmem>> -> memref<1024xf32, #tpu.memory_space<vmem>>
    tpu.wait_dma2 semaphore(%arg9 : memref<!tpu.dma_semaphore, #tpu.memory_space<semaphore_mem>>) src(%dma_wait3A_839 : memref<1024xf32, #tpu.memory_space<vmem>>) dst(%dma_wait3A_837 : memref<1024xf32, #tpu.memory_space<hbm>>)
    %dma_wait3A_840 = arith.constant 2 : i32
    %dma_wait3A_841 = arith.constant 2048 : i32
    %dma_wait3A_842 = tpu.memref_slice %arg7[%dma_wait3A_841] : memref<32768xf32, #tpu.memory_space<vmem>> -> memref<1024xf32, #tpu.memory_space<vmem>>
    %dma_wait3A_843 = arith.constant 0 : i32
    %dma_wait3A_844 = tpu.memref_slice %arg4[%dma_wait3A_840, %add3A_338, %dma_wait3A_843] : memref<16x64x1024xf32, #tpu.memory_space<hbm>> -> memref<1x1x1024xf32, #tpu.memory_space<hbm>>
    %dma_wait3A_845 = tpu.memref_squeeze %dma_wait3A_844 : memref<1x1x1024xf32, #tpu.memory_space<hbm>> -> memref<1024xf32, #tpu.memory_space<hbm>>
    %dma_wait3A_846 = arith.constant 0 : i32
    %dma_wait3A_847 = tpu.memref_slice %arg4[%dma_wait3A_840, %add3A_338, %dma_wait3A_846] : memref<16x64x1024xf32, #tpu.memory_space<hbm>> -> memref<1x1x1024xf32, #tpu.memory_space<hbm>>
    %dma_wait3A_848 = tpu.memref_squeeze %dma_wait3A_847 : memref<1x1x1024xf32, #tpu.memory_space<hbm>> -> memref<1024xf32, #tpu.memory_space<hbm>>
    %dma_wait3A_849 = arith.constant 2048 : i32
    %dma_wait3A_850 = tpu.memref_slice %arg7[%dma_wait3A_849] : memref<32768xf32, #tpu.memory_space<vmem>> -> memref<1024xf32, #tpu.memory_space<vmem>>
    tpu.wait_dma2 semaphore(%arg9 : memref<!tpu.dma_semaphore, #tpu.memory_space<semaphore_mem>>) src(%dma_wait3A_850 : memref<1024xf32, #tpu.memory_space<vmem>>) dst(%dma_wait3A_848 : memref<1024xf32, #tpu.memory_space<hbm>>)
    %dma_wait3A_851 = arith.constant 3 : i32
    %dma_wait3A_852 = arith.constant 3072 : i32
    %dma_wait3A_853 = tpu.memref_slice %arg7[%dma_wait3A_852] : memref<32768xf32, #tpu.memory_space<vmem>> -> memref<1024xf32, #tpu.memory_space<vmem>>
    %dma_wait3A_854 = arith.constant 0 : i32
    %dma_wait3A_855 = tpu.memref_slice %arg4[%dma_wait3A_851, %add3A_351, %dma_wait3A_854] : memref<16x64x1024xf32, #tpu.memory_space<hbm>> -> memref<1x1x1024xf32, #tpu.memory_space<hbm>>
    %dma_wait3A_856 = tpu.memref_squeeze %dma_wait3A_855 : memref<1x1x1024xf32, #tpu.memory_space<hbm>> -> memref<1024xf32, #tpu.memory_space<hbm>>
    %dma_wait3A_857 = arith.constant 0 : i32
    %dma_wait3A_858 = tpu.memref_slice %arg4[%dma_wait3A_851, %add3A_351, %dma_wait3A_857] : memref<16x64x1024xf32, #tpu.memory_space<hbm>> -> memref<1x1x1024xf32, #tpu.memory_space<hbm>>
    %dma_wait3A_859 = tpu.memref_squeeze %dma_wait3A_858 : memref<1x1x1024xf32, #tpu.memory_space<hbm>> -> memref<1024xf32, #tpu.memory_space<hbm>>
    %dma_wait3A_860 = arith.constant 3072 : i32
    %dma_wait3A_861 = tpu.memref_slice %arg7[%dma_wait3A_860] : memref<32768xf32, #tpu.memory_space<vmem>> -> memref<1024xf32, #tpu.memory_space<vmem>>
    tpu.wait_dma2 semaphore(%arg9 : memref<!tpu.dma_semaphore, #tpu.memory_space<semaphore_mem>>) src(%dma_wait3A_861 : memref<1024xf32, #tpu.memory_space<vmem>>) dst(%dma_wait3A_859 : memref<1024xf32, #tpu.memory_space<hbm>>)
    %dma_wait3A_862 = arith.constant 4 : i32
    %dma_wait3A_863 = arith.constant 4096 : i32
    %dma_wait3A_864 = tpu.memref_slice %arg7[%dma_wait3A_863] : memref<32768xf32, #tpu.memory_space<vmem>> -> memref<1024xf32, #tpu.memory_space<vmem>>
    %dma_wait3A_865 = arith.constant 0 : i32
    %dma_wait3A_866 = tpu.memref_slice %arg4[%dma_wait3A_862, %add3A_364, %dma_wait3A_865] : memref<16x64x1024xf32, #tpu.memory_space<hbm>> -> memref<1x1x1024xf32, #tpu.memory_space<hbm>>
    %dma_wait3A_867 = tpu.memref_squeeze %dma_wait3A_866 : memref<1x1x1024xf32, #tpu.memory_space<hbm>> -> memref<1024xf32, #tpu.memory_space<hbm>>
    %dma_wait3A_868 = arith.constant 0 : i32
    %dma_wait3A_869 = tpu.memref_slice %arg4[%dma_wait3A_862, %add3A_364, %dma_wait3A_868] : memref<16x64x1024xf32, #tpu.memory_space<hbm>> -> memref<1x1x1024xf32, #tpu.memory_space<hbm>>
    %dma_wait3A_870 = tpu.memref_squeeze %dma_wait3A_869 : memref<1x1x1024xf32, #tpu.memory_space<hbm>> -> memref<1024xf32, #tpu.memory_space<hbm>>
    %dma_wait3A_871 = arith.constant 4096 : i32
    %dma_wait3A_872 = tpu.memref_slice %arg7[%dma_wait3A_871] : memref<32768xf32, #tpu.memory_space<vmem>> -> memref<1024xf32, #tpu.memory_space<vmem>>
    tpu.wait_dma2 semaphore(%arg9 : memref<!tpu.dma_semaphore, #tpu.memory_space<semaphore_mem>>) src(%dma_wait3A_872 : memref<1024xf32, #tpu.memory_space<vmem>>) dst(%dma_wait3A_870 : memref<1024xf32, #tpu.memory_space<hbm>>)
    %dma_wait3A_873 = arith.constant 5 : i32
    %dma_wait3A_874 = arith.constant 5120 : i32
    %dma_wait3A_875 = tpu.memref_slice %arg7[%dma_wait3A_874] : memref<32768xf32, #tpu.memory_space<vmem>> -> memref<1024xf32, #tpu.memory_space<vmem>>
    %dma_wait3A_876 = arith.constant 0 : i32
    %dma_wait3A_877 = tpu.memref_slice %arg4[%dma_wait3A_873, %add3A_377, %dma_wait3A_876] : memref<16x64x1024xf32, #tpu.memory_space<hbm>> -> memref<1x1x1024xf32, #tpu.memory_space<hbm>>
    %dma_wait3A_878 = tpu.memref_squeeze %dma_wait3A_877 : memref<1x1x1024xf32, #tpu.memory_space<hbm>> -> memref<1024xf32, #tpu.memory_space<hbm>>
    %dma_wait3A_879 = arith.constant 0 : i32
    %dma_wait3A_880 = tpu.memref_slice %arg4[%dma_wait3A_873, %add3A_377, %dma_wait3A_879] : memref<16x64x1024xf32, #tpu.memory_space<hbm>> -> memref<1x1x1024xf32, #tpu.memory_space<hbm>>
    %dma_wait3A_881 = tpu.memref_squeeze %dma_wait3A_880 : memref<1x1x1024xf32, #tpu.memory_space<hbm>> -> memref<1024xf32, #tpu.memory_space<hbm>>
    %dma_wait3A_882 = arith.constant 5120 : i32
    %dma_wait3A_883 = tpu.memref_slice %arg7[%dma_wait3A_882] : memref<32768xf32, #tpu.memory_space<vmem>> -> memref<1024xf32, #tpu.memory_space<vmem>>
    tpu.wait_dma2 semaphore(%arg9 : memref<!tpu.dma_semaphore, #tpu.memory_space<semaphore_mem>>) src(%dma_wait3A_883 : memref<1024xf32, #tpu.memory_space<vmem>>) dst(%dma_wait3A_881 : memref<1024xf32, #tpu.memory_space<hbm>>)
    %dma_wait3A_884 = arith.constant 6 : i32
    %dma_wait3A_885 = arith.constant 6144 : i32
    %dma_wait3A_886 = tpu.memref_slice %arg7[%dma_wait3A_885] : memref<32768xf32, #tpu.memory_space<vmem>> -> memref<1024xf32, #tpu.memory_space<vmem>>
    %dma_wait3A_887 = arith.constant 0 : i32
    %dma_wait3A_888 = tpu.memref_slice %arg4[%dma_wait3A_884, %add3A_390, %dma_wait3A_887] : memref<16x64x1024xf32, #tpu.memory_space<hbm>> -> memref<1x1x1024xf32, #tpu.memory_space<hbm>>
    %dma_wait3A_889 = tpu.memref_squeeze %dma_wait3A_888 : memref<1x1x1024xf32, #tpu.memory_space<hbm>> -> memref<1024xf32, #tpu.memory_space<hbm>>
    %dma_wait3A_890 = arith.constant 0 : i32
    %dma_wait3A_891 = tpu.memref_slice %arg4[%dma_wait3A_884, %add3A_390, %dma_wait3A_890] : memref<16x64x1024xf32, #tpu.memory_space<hbm>> -> memref<1x1x1024xf32, #tpu.memory_space<hbm>>
    %dma_wait3A_892 = tpu.memref_squeeze %dma_wait3A_891 : memref<1x1x1024xf32, #tpu.memory_space<hbm>> -> memref<1024xf32, #tpu.memory_space<hbm>>
    %dma_wait3A_893 = arith.constant 6144 : i32
    %dma_wait3A_894 = tpu.memref_slice %arg7[%dma_wait3A_893] : memref<32768xf32, #tpu.memory_space<vmem>> -> memref<1024xf32, #tpu.memory_space<vmem>>
    tpu.wait_dma2 semaphore(%arg9 : memref<!tpu.dma_semaphore, #tpu.memory_space<semaphore_mem>>) src(%dma_wait3A_894 : memref<1024xf32, #tpu.memory_space<vmem>>) dst(%dma_wait3A_892 : memref<1024xf32, #tpu.memory_space<hbm>>)
    %dma_wait3A_895 = arith.constant 7 : i32
    %dma_wait3A_896 = arith.constant 7168 : i32
    %dma_wait3A_897 = tpu.memref_slice %arg7[%dma_wait3A_896] : memref<32768xf32, #tpu.memory_space<vmem>> -> memref<1024xf32, #tpu.memory_space<vmem>>
    %dma_wait3A_898 = arith.constant 0 : i32
    %dma_wait3A_899 = tpu.memref_slice %arg4[%dma_wait3A_895, %add3A_403, %dma_wait3A_898] : memref<16x64x1024xf32, #tpu.memory_space<hbm>> -> memref<1x1x1024xf32, #tpu.memory_space<hbm>>
    %dma_wait3A_900 = tpu.memref_squeeze %dma_wait3A_899 : memref<1x1x1024xf32, #tpu.memory_space<hbm>> -> memref<1024xf32, #tpu.memory_space<hbm>>
    %dma_wait3A_901 = arith.constant 0 : i32
    %dma_wait3A_902 = tpu.memref_slice %arg4[%dma_wait3A_895, %add3A_403, %dma_wait3A_901] : memref<16x64x1024xf32, #tpu.memory_space<hbm>> -> memref<1x1x1024xf32, #tpu.memory_space<hbm>>
    %dma_wait3A_903 = tpu.memref_squeeze %dma_wait3A_902 : memref<1x1x1024xf32, #tpu.memory_space<hbm>> -> memref<1024xf32, #tpu.memory_space<hbm>>
    %dma_wait3A_904 = arith.constant 7168 : i32
    %dma_wait3A_905 = tpu.memref_slice %arg7[%dma_wait3A_904] : memref<32768xf32, #tpu.memory_space<vmem>> -> memref<1024xf32, #tpu.memory_space<vmem>>
    tpu.wait_dma2 semaphore(%arg9 : memref<!tpu.dma_semaphore, #tpu.memory_space<semaphore_mem>>) src(%dma_wait3A_905 : memref<1024xf32, #tpu.memory_space<vmem>>) dst(%dma_wait3A_903 : memref<1024xf32, #tpu.memory_space<hbm>>)
    %dma_wait3A_906 = arith.constant 0 : i32
    %dma_wait3A_907 = arith.constant 16384 : i32
    %dma_wait3A_908 = tpu.memref_slice %arg7[%dma_wait3A_907] : memref<32768xf32, #tpu.memory_space<vmem>> -> memref<1024xf32, #tpu.memory_space<vmem>>
    %dma_wait3A_909 = arith.constant 0 : i32
    %dma_wait3A_910 = tpu.memref_slice %arg4[%dma_wait3A_906, %add3A_416, %dma_wait3A_909] : memref<16x64x1024xf32, #tpu.memory_space<hbm>> -> memref<1x1x1024xf32, #tpu.memory_space<hbm>>
    %dma_wait3A_911 = tpu.memref_squeeze %dma_wait3A_910 : memref<1x1x1024xf32, #tpu.memory_space<hbm>> -> memref<1024xf32, #tpu.memory_space<hbm>>
    %dma_wait3A_912 = arith.constant 0 : i32
    %dma_wait3A_913 = tpu.memref_slice %arg4[%dma_wait3A_906, %add3A_416, %dma_wait3A_912] : memref<16x64x1024xf32, #tpu.memory_space<hbm>> -> memref<1x1x1024xf32, #tpu.memory_space<hbm>>
    %dma_wait3A_914 = tpu.memref_squeeze %dma_wait3A_913 : memref<1x1x1024xf32, #tpu.memory_space<hbm>> -> memref<1024xf32, #tpu.memory_space<hbm>>
    %dma_wait3A_915 = arith.constant 16384 : i32
    %dma_wait3A_916 = tpu.memref_slice %arg7[%dma_wait3A_915] : memref<32768xf32, #tpu.memory_space<vmem>> -> memref<1024xf32, #tpu.memory_space<vmem>>
    tpu.wait_dma2 semaphore(%arg9 : memref<!tpu.dma_semaphore, #tpu.memory_space<semaphore_mem>>) src(%dma_wait3A_916 : memref<1024xf32, #tpu.memory_space<vmem>>) dst(%dma_wait3A_914 : memref<1024xf32, #tpu.memory_space<hbm>>)
    %dma_wait3A_917 = arith.constant 1 : i32
    %dma_wait3A_918 = arith.constant 17408 : i32
    %dma_wait3A_919 = tpu.memref_slice %arg7[%dma_wait3A_918] : memref<32768xf32, #tpu.memory_space<vmem>> -> memref<1024xf32, #tpu.memory_space<vmem>>
    %dma_wait3A_920 = arith.constant 0 : i32
    %dma_wait3A_921 = tpu.memref_slice %arg4[%dma_wait3A_917, %add3A_429, %dma_wait3A_920] : memref<16x64x1024xf32, #tpu.memory_space<hbm>> -> memref<1x1x1024xf32, #tpu.memory_space<hbm>>
    %dma_wait3A_922 = tpu.memref_squeeze %dma_wait3A_921 : memref<1x1x1024xf32, #tpu.memory_space<hbm>> -> memref<1024xf32, #tpu.memory_space<hbm>>
    %dma_wait3A_923 = arith.constant 0 : i32
    %dma_wait3A_924 = tpu.memref_slice %arg4[%dma_wait3A_917, %add3A_429, %dma_wait3A_923] : memref<16x64x1024xf32, #tpu.memory_space<hbm>> -> memref<1x1x1024xf32, #tpu.memory_space<hbm>>
    %dma_wait3A_925 = tpu.memref_squeeze %dma_wait3A_924 : memref<1x1x1024xf32, #tpu.memory_space<hbm>> -> memref<1024xf32, #tpu.memory_space<hbm>>
    %dma_wait3A_926 = arith.constant 17408 : i32
    %dma_wait3A_927 = tpu.memref_slice %arg7[%dma_wait3A_926] : memref<32768xf32, #tpu.memory_space<vmem>> -> memref<1024xf32, #tpu.memory_space<vmem>>
    tpu.wait_dma2 semaphore(%arg9 : memref<!tpu.dma_semaphore, #tpu.memory_space<semaphore_mem>>) src(%dma_wait3A_927 : memref<1024xf32, #tpu.memory_space<vmem>>) dst(%dma_wait3A_925 : memref<1024xf32, #tpu.memory_space<hbm>>)
    %dma_wait3A_928 = arith.constant 2 : i32
    %dma_wait3A_929 = arith.constant 18432 : i32
    %dma_wait3A_930 = tpu.memref_slice %arg7[%dma_wait3A_929] : memref<32768xf32, #tpu.memory_space<vmem>> -> memref<1024xf32, #tpu.memory_space<vmem>>
    %dma_wait3A_931 = arith.constant 0 : i32
    %dma_wait3A_932 = tpu.memref_slice %arg4[%dma_wait3A_928, %add3A_442, %dma_wait3A_931] : memref<16x64x1024xf32, #tpu.memory_space<hbm>> -> memref<1x1x1024xf32, #tpu.memory_space<hbm>>
    %dma_wait3A_933 = tpu.memref_squeeze %dma_wait3A_932 : memref<1x1x1024xf32, #tpu.memory_space<hbm>> -> memref<1024xf32, #tpu.memory_space<hbm>>
    %dma_wait3A_934 = arith.constant 0 : i32
    %dma_wait3A_935 = tpu.memref_slice %arg4[%dma_wait3A_928, %add3A_442, %dma_wait3A_934] : memref<16x64x1024xf32, #tpu.memory_space<hbm>> -> memref<1x1x1024xf32, #tpu.memory_space<hbm>>
    %dma_wait3A_936 = tpu.memref_squeeze %dma_wait3A_935 : memref<1x1x1024xf32, #tpu.memory_space<hbm>> -> memref<1024xf32, #tpu.memory_space<hbm>>
    %dma_wait3A_937 = arith.constant 18432 : i32
    %dma_wait3A_938 = tpu.memref_slice %arg7[%dma_wait3A_937] : memref<32768xf32, #tpu.memory_space<vmem>> -> memref<1024xf32, #tpu.memory_space<vmem>>
    tpu.wait_dma2 semaphore(%arg9 : memref<!tpu.dma_semaphore, #tpu.memory_space<semaphore_mem>>) src(%dma_wait3A_938 : memref<1024xf32, #tpu.memory_space<vmem>>) dst(%dma_wait3A_936 : memref<1024xf32, #tpu.memory_space<hbm>>)
    %dma_wait3A_939 = arith.constant 3 : i32
    %dma_wait3A_940 = arith.constant 19456 : i32
    %dma_wait3A_941 = tpu.memref_slice %arg7[%dma_wait3A_940] : memref<32768xf32, #tpu.memory_space<vmem>> -> memref<1024xf32, #tpu.memory_space<vmem>>
    %dma_wait3A_942 = arith.constant 0 : i32
    %dma_wait3A_943 = tpu.memref_slice %arg4[%dma_wait3A_939, %add3A_455, %dma_wait3A_942] : memref<16x64x1024xf32, #tpu.memory_space<hbm>> -> memref<1x1x1024xf32, #tpu.memory_space<hbm>>
    %dma_wait3A_944 = tpu.memref_squeeze %dma_wait3A_943 : memref<1x1x1024xf32, #tpu.memory_space<hbm>> -> memref<1024xf32, #tpu.memory_space<hbm>>
    %dma_wait3A_945 = arith.constant 0 : i32
    %dma_wait3A_946 = tpu.memref_slice %arg4[%dma_wait3A_939, %add3A_455, %dma_wait3A_945] : memref<16x64x1024xf32, #tpu.memory_space<hbm>> -> memref<1x1x1024xf32, #tpu.memory_space<hbm>>
    %dma_wait3A_947 = tpu.memref_squeeze %dma_wait3A_946 : memref<1x1x1024xf32, #tpu.memory_space<hbm>> -> memref<1024xf32, #tpu.memory_space<hbm>>
    %dma_wait3A_948 = arith.constant 19456 : i32
    %dma_wait3A_949 = tpu.memref_slice %arg7[%dma_wait3A_948] : memref<32768xf32, #tpu.memory_space<vmem>> -> memref<1024xf32, #tpu.memory_space<vmem>>
    tpu.wait_dma2 semaphore(%arg9 : memref<!tpu.dma_semaphore, #tpu.memory_space<semaphore_mem>>) src(%dma_wait3A_949 : memref<1024xf32, #tpu.memory_space<vmem>>) dst(%dma_wait3A_947 : memref<1024xf32, #tpu.memory_space<hbm>>)
    %dma_wait3A_950 = arith.constant 4 : i32
    %dma_wait3A_951 = arith.constant 20480 : i32
    %dma_wait3A_952 = tpu.memref_slice %arg7[%dma_wait3A_951] : memref<32768xf32, #tpu.memory_space<vmem>> -> memref<1024xf32, #tpu.memory_space<vmem>>
    %dma_wait3A_953 = arith.constant 0 : i32
    %dma_wait3A_954 = tpu.memref_slice %arg4[%dma_wait3A_950, %add3A_468, %dma_wait3A_953] : memref<16x64x1024xf32, #tpu.memory_space<hbm>> -> memref<1x1x1024xf32, #tpu.memory_space<hbm>>
    %dma_wait3A_955 = tpu.memref_squeeze %dma_wait3A_954 : memref<1x1x1024xf32, #tpu.memory_space<hbm>> -> memref<1024xf32, #tpu.memory_space<hbm>>
    %dma_wait3A_956 = arith.constant 0 : i32
    %dma_wait3A_957 = tpu.memref_slice %arg4[%dma_wait3A_950, %add3A_468, %dma_wait3A_956] : memref<16x64x1024xf32, #tpu.memory_space<hbm>> -> memref<1x1x1024xf32, #tpu.memory_space<hbm>>
    %dma_wait3A_958 = tpu.memref_squeeze %dma_wait3A_957 : memref<1x1x1024xf32, #tpu.memory_space<hbm>> -> memref<1024xf32, #tpu.memory_space<hbm>>
    %dma_wait3A_959 = arith.constant 20480 : i32
    %dma_wait3A_960 = tpu.memref_slice %arg7[%dma_wait3A_959] : memref<32768xf32, #tpu.memory_space<vmem>> -> memref<1024xf32, #tpu.memory_space<vmem>>
    tpu.wait_dma2 semaphore(%arg9 : memref<!tpu.dma_semaphore, #tpu.memory_space<semaphore_mem>>) src(%dma_wait3A_960 : memref<1024xf32, #tpu.memory_space<vmem>>) dst(%dma_wait3A_958 : memref<1024xf32, #tpu.memory_space<hbm>>)
    %dma_wait3A_961 = arith.constant 5 : i32
    %dma_wait3A_962 = arith.constant 21504 : i32
    %dma_wait3A_963 = tpu.memref_slice %arg7[%dma_wait3A_962] : memref<32768xf32, #tpu.memory_space<vmem>> -> memref<1024xf32, #tpu.memory_space<vmem>>
    %dma_wait3A_964 = arith.constant 0 : i32
    %dma_wait3A_965 = tpu.memref_slice %arg4[%dma_wait3A_961, %add3A_481, %dma_wait3A_964] : memref<16x64x1024xf32, #tpu.memory_space<hbm>> -> memref<1x1x1024xf32, #tpu.memory_space<hbm>>
    %dma_wait3A_966 = tpu.memref_squeeze %dma_wait3A_965 : memref<1x1x1024xf32, #tpu.memory_space<hbm>> -> memref<1024xf32, #tpu.memory_space<hbm>>
    %dma_wait3A_967 = arith.constant 0 : i32
    %dma_wait3A_968 = tpu.memref_slice %arg4[%dma_wait3A_961, %add3A_481, %dma_wait3A_967] : memref<16x64x1024xf32, #tpu.memory_space<hbm>> -> memref<1x1x1024xf32, #tpu.memory_space<hbm>>
    %dma_wait3A_969 = tpu.memref_squeeze %dma_wait3A_968 : memref<1x1x1024xf32, #tpu.memory_space<hbm>> -> memref<1024xf32, #tpu.memory_space<hbm>>
    %dma_wait3A_970 = arith.constant 21504 : i32
    %dma_wait3A_971 = tpu.memref_slice %arg7[%dma_wait3A_970] : memref<32768xf32, #tpu.memory_space<vmem>> -> memref<1024xf32, #tpu.memory_space<vmem>>
    tpu.wait_dma2 semaphore(%arg9 : memref<!tpu.dma_semaphore, #tpu.memory_space<semaphore_mem>>) src(%dma_wait3A_971 : memref<1024xf32, #tpu.memory_space<vmem>>) dst(%dma_wait3A_969 : memref<1024xf32, #tpu.memory_space<hbm>>)
    %dma_wait3A_972 = arith.constant 6 : i32
    %dma_wait3A_973 = arith.constant 22528 : i32
    %dma_wait3A_974 = tpu.memref_slice %arg7[%dma_wait3A_973] : memref<32768xf32, #tpu.memory_space<vmem>> -> memref<1024xf32, #tpu.memory_space<vmem>>
    %dma_wait3A_975 = arith.constant 0 : i32
    %dma_wait3A_976 = tpu.memref_slice %arg4[%dma_wait3A_972, %add3A_494, %dma_wait3A_975] : memref<16x64x1024xf32, #tpu.memory_space<hbm>> -> memref<1x1x1024xf32, #tpu.memory_space<hbm>>
    %dma_wait3A_977 = tpu.memref_squeeze %dma_wait3A_976 : memref<1x1x1024xf32, #tpu.memory_space<hbm>> -> memref<1024xf32, #tpu.memory_space<hbm>>
    %dma_wait3A_978 = arith.constant 0 : i32
    %dma_wait3A_979 = tpu.memref_slice %arg4[%dma_wait3A_972, %add3A_494, %dma_wait3A_978] : memref<16x64x1024xf32, #tpu.memory_space<hbm>> -> memref<1x1x1024xf32, #tpu.memory_space<hbm>>
    %dma_wait3A_980 = tpu.memref_squeeze %dma_wait3A_979 : memref<1x1x1024xf32, #tpu.memory_space<hbm>> -> memref<1024xf32, #tpu.memory_space<hbm>>
    %dma_wait3A_981 = arith.constant 22528 : i32
    %dma_wait3A_982 = tpu.memref_slice %arg7[%dma_wait3A_981] : memref<32768xf32, #tpu.memory_space<vmem>> -> memref<1024xf32, #tpu.memory_space<vmem>>
    tpu.wait_dma2 semaphore(%arg9 : memref<!tpu.dma_semaphore, #tpu.memory_space<semaphore_mem>>) src(%dma_wait3A_982 : memref<1024xf32, #tpu.memory_space<vmem>>) dst(%dma_wait3A_980 : memref<1024xf32, #tpu.memory_space<hbm>>)
    %dma_wait3A_983 = arith.constant 7 : i32
    %dma_wait3A_984 = arith.constant 23552 : i32
    %dma_wait3A_985 = tpu.memref_slice %arg7[%dma_wait3A_984] : memref<32768xf32, #tpu.memory_space<vmem>> -> memref<1024xf32, #tpu.memory_space<vmem>>
    %dma_wait3A_986 = arith.constant 0 : i32
    %dma_wait3A_987 = tpu.memref_slice %arg4[%dma_wait3A_983, %add3A_507, %dma_wait3A_986] : memref<16x64x1024xf32, #tpu.memory_space<hbm>> -> memref<1x1x1024xf32, #tpu.memory_space<hbm>>
    %dma_wait3A_988 = tpu.memref_squeeze %dma_wait3A_987 : memref<1x1x1024xf32, #tpu.memory_space<hbm>> -> memref<1024xf32, #tpu.memory_space<hbm>>
    %dma_wait3A_989 = arith.constant 0 : i32
    %dma_wait3A_990 = tpu.memref_slice %arg4[%dma_wait3A_983, %add3A_507, %dma_wait3A_989] : memref<16x64x1024xf32, #tpu.memory_space<hbm>> -> memref<1x1x1024xf32, #tpu.memory_space<hbm>>
    %dma_wait3A_991 = tpu.memref_squeeze %dma_wait3A_990 : memref<1x1x1024xf32, #tpu.memory_space<hbm>> -> memref<1024xf32, #tpu.memory_space<hbm>>
    %dma_wait3A_992 = arith.constant 23552 : i32
    %dma_wait3A_993 = tpu.memref_slice %arg7[%dma_wait3A_992] : memref<32768xf32, #tpu.memory_space<vmem>> -> memref<1024xf32, #tpu.memory_space<vmem>>
    tpu.wait_dma2 semaphore(%arg9 : memref<!tpu.dma_semaphore, #tpu.memory_space<semaphore_mem>>) src(%dma_wait3A_993 : memref<1024xf32, #tpu.memory_space<vmem>>) dst(%dma_wait3A_991 : memref<1024xf32, #tpu.memory_space<hbm>>)
    %dma_wait3A_994 = arith.constant 8 : i32
    %dma_wait3A_995 = arith.constant 8192 : i32
    %dma_wait3A_996 = tpu.memref_slice %arg7[%dma_wait3A_995] : memref<32768xf32, #tpu.memory_space<vmem>> -> memref<1024xf32, #tpu.memory_space<vmem>>
    %dma_wait3A_997 = arith.constant 0 : i32
    %dma_wait3A_998 = tpu.memref_slice %arg4[%dma_wait3A_994, %add3A_611, %dma_wait3A_997] : memref<16x64x1024xf32, #tpu.memory_space<hbm>> -> memref<1x1x1024xf32, #tpu.memory_space<hbm>>
    %dma_wait3A_999 = tpu.memref_squeeze %dma_wait3A_998 : memref<1x1x1024xf32, #tpu.memory_space<hbm>> -> memref<1024xf32, #tpu.memory_space<hbm>>
    %dma_wait3A_1000 = arith.constant 0 : i32
    %dma_wait3A_1001 = tpu.memref_slice %arg4[%dma_wait3A_994, %add3A_611, %dma_wait3A_1000] : memref<16x64x1024xf32, #tpu.memory_space<hbm>> -> memref<1x1x1024xf32, #tpu.memory_space<hbm>>
    %dma_wait3A_1002 = tpu.memref_squeeze %dma_wait3A_1001 : memref<1x1x1024xf32, #tpu.memory_space<hbm>> -> memref<1024xf32, #tpu.memory_space<hbm>>
    %dma_wait3A_1003 = arith.constant 8192 : i32
    %dma_wait3A_1004 = tpu.memref_slice %arg7[%dma_wait3A_1003] : memref<32768xf32, #tpu.memory_space<vmem>> -> memref<1024xf32, #tpu.memory_space<vmem>>
    tpu.wait_dma2 semaphore(%arg9 : memref<!tpu.dma_semaphore, #tpu.memory_space<semaphore_mem>>) src(%dma_wait3A_1004 : memref<1024xf32, #tpu.memory_space<vmem>>) dst(%dma_wait3A_1002 : memref<1024xf32, #tpu.memory_space<hbm>>)
    %dma_wait3A_1005 = arith.constant 9 : i32
    %dma_wait3A_1006 = arith.constant 9216 : i32
    %dma_wait3A_1007 = tpu.memref_slice %arg7[%dma_wait3A_1006] : memref<32768xf32, #tpu.memory_space<vmem>> -> memref<1024xf32, #tpu.memory_space<vmem>>
    %dma_wait3A_1008 = arith.constant 0 : i32
    %dma_wait3A_1009 = tpu.memref_slice %arg4[%dma_wait3A_1005, %add3A_624, %dma_wait3A_1008] : memref<16x64x1024xf32, #tpu.memory_space<hbm>> -> memref<1x1x1024xf32, #tpu.memory_space<hbm>>
    %dma_wait3A_1010 = tpu.memref_squeeze %dma_wait3A_1009 : memref<1x1x1024xf32, #tpu.memory_space<hbm>> -> memref<1024xf32, #tpu.memory_space<hbm>>
    %dma_wait3A_1011 = arith.constant 0 : i32
    %dma_wait3A_1012 = tpu.memref_slice %arg4[%dma_wait3A_1005, %add3A_624, %dma_wait3A_1011] : memref<16x64x1024xf32, #tpu.memory_space<hbm>> -> memref<1x1x1024xf32, #tpu.memory_space<hbm>>
    %dma_wait3A_1013 = tpu.memref_squeeze %dma_wait3A_1012 : memref<1x1x1024xf32, #tpu.memory_space<hbm>> -> memref<1024xf32, #tpu.memory_space<hbm>>
    %dma_wait3A_1014 = arith.constant 9216 : i32
    %dma_wait3A_1015 = tpu.memref_slice %arg7[%dma_wait3A_1014] : memref<32768xf32, #tpu.memory_space<vmem>> -> memref<1024xf32, #tpu.memory_space<vmem>>
    tpu.wait_dma2 semaphore(%arg9 : memref<!tpu.dma_semaphore, #tpu.memory_space<semaphore_mem>>) src(%dma_wait3A_1015 : memref<1024xf32, #tpu.memory_space<vmem>>) dst(%dma_wait3A_1013 : memref<1024xf32, #tpu.memory_space<hbm>>)
    %dma_wait3A_1016 = arith.constant 10 : i32
    %dma_wait3A_1017 = arith.constant 10240 : i32
    %dma_wait3A_1018 = tpu.memref_slice %arg7[%dma_wait3A_1017] : memref<32768xf32, #tpu.memory_space<vmem>> -> memref<1024xf32, #tpu.memory_space<vmem>>
    %dma_wait3A_1019 = arith.constant 0 : i32
    %dma_wait3A_1020 = tpu.memref_slice %arg4[%dma_wait3A_1016, %add3A_637, %dma_wait3A_1019] : memref<16x64x1024xf32, #tpu.memory_space<hbm>> -> memref<1x1x1024xf32, #tpu.memory_space<hbm>>
    %dma_wait3A_1021 = tpu.memref_squeeze %dma_wait3A_1020 : memref<1x1x1024xf32, #tpu.memory_space<hbm>> -> memref<1024xf32, #tpu.memory_space<hbm>>
    %dma_wait3A_1022 = arith.constant 0 : i32
    %dma_wait3A_1023 = tpu.memref_slice %arg4[%dma_wait3A_1016, %add3A_637, %dma_wait3A_1022] : memref<16x64x1024xf32, #tpu.memory_space<hbm>> -> memref<1x1x1024xf32, #tpu.memory_space<hbm>>
    %dma_wait3A_1024 = tpu.memref_squeeze %dma_wait3A_1023 : memref<1x1x1024xf32, #tpu.memory_space<hbm>> -> memref<1024xf32, #tpu.memory_space<hbm>>
    %dma_wait3A_1025 = arith.constant 10240 : i32
    %dma_wait3A_1026 = tpu.memref_slice %arg7[%dma_wait3A_1025] : memref<32768xf32, #tpu.memory_space<vmem>> -> memref<1024xf32, #tpu.memory_space<vmem>>
    tpu.wait_dma2 semaphore(%arg9 : memref<!tpu.dma_semaphore, #tpu.memory_space<semaphore_mem>>) src(%dma_wait3A_1026 : memref<1024xf32, #tpu.memory_space<vmem>>) dst(%dma_wait3A_1024 : memref<1024xf32, #tpu.memory_space<hbm>>)
    %dma_wait3A_1027 = arith.constant 11 : i32
    %dma_wait3A_1028 = arith.constant 11264 : i32
    %dma_wait3A_1029 = tpu.memref_slice %arg7[%dma_wait3A_1028] : memref<32768xf32, #tpu.memory_space<vmem>> -> memref<1024xf32, #tpu.memory_space<vmem>>
    %dma_wait3A_1030 = arith.constant 0 : i32
    %dma_wait3A_1031 = tpu.memref_slice %arg4[%dma_wait3A_1027, %add3A_650, %dma_wait3A_1030] : memref<16x64x1024xf32, #tpu.memory_space<hbm>> -> memref<1x1x1024xf32, #tpu.memory_space<hbm>>
    %dma_wait3A_1032 = tpu.memref_squeeze %dma_wait3A_1031 : memref<1x1x1024xf32, #tpu.memory_space<hbm>> -> memref<1024xf32, #tpu.memory_space<hbm>>
    %dma_wait3A_1033 = arith.constant 0 : i32
    %dma_wait3A_1034 = tpu.memref_slice %arg4[%dma_wait3A_1027, %add3A_650, %dma_wait3A_1033] : memref<16x64x1024xf32, #tpu.memory_space<hbm>> -> memref<1x1x1024xf32, #tpu.memory_space<hbm>>
    %dma_wait3A_1035 = tpu.memref_squeeze %dma_wait3A_1034 : memref<1x1x1024xf32, #tpu.memory_space<hbm>> -> memref<1024xf32, #tpu.memory_space<hbm>>
    %dma_wait3A_1036 = arith.constant 11264 : i32
    %dma_wait3A_1037 = tpu.memref_slice %arg7[%dma_wait3A_1036] : memref<32768xf32, #tpu.memory_space<vmem>> -> memref<1024xf32, #tpu.memory_space<vmem>>
    tpu.wait_dma2 semaphore(%arg9 : memref<!tpu.dma_semaphore, #tpu.memory_space<semaphore_mem>>) src(%dma_wait3A_1037 : memref<1024xf32, #tpu.memory_space<vmem>>) dst(%dma_wait3A_1035 : memref<1024xf32, #tpu.memory_space<hbm>>)
    %dma_wait3A_1038 = arith.constant 12 : i32
    %dma_wait3A_1039 = arith.constant 12288 : i32
    %dma_wait3A_1040 = tpu.memref_slice %arg7[%dma_wait3A_1039] : memref<32768xf32, #tpu.memory_space<vmem>> -> memref<1024xf32, #tpu.memory_space<vmem>>
    %dma_wait3A_1041 = arith.constant 0 : i32
    %dma_wait3A_1042 = tpu.memref_slice %arg4[%dma_wait3A_1038, %add3A_663, %dma_wait3A_1041] : memref<16x64x1024xf32, #tpu.memory_space<hbm>> -> memref<1x1x1024xf32, #tpu.memory_space<hbm>>
    %dma_wait3A_1043 = tpu.memref_squeeze %dma_wait3A_1042 : memref<1x1x1024xf32, #tpu.memory_space<hbm>> -> memref<1024xf32, #tpu.memory_space<hbm>>
    %dma_wait3A_1044 = arith.constant 0 : i32
    %dma_wait3A_1045 = tpu.memref_slice %arg4[%dma_wait3A_1038, %add3A_663, %dma_wait3A_1044] : memref<16x64x1024xf32, #tpu.memory_space<hbm>> -> memref<1x1x1024xf32, #tpu.memory_space<hbm>>
    %dma_wait3A_1046 = tpu.memref_squeeze %dma_wait3A_1045 : memref<1x1x1024xf32, #tpu.memory_space<hbm>> -> memref<1024xf32, #tpu.memory_space<hbm>>
    %dma_wait3A_1047 = arith.constant 12288 : i32
    %dma_wait3A_1048 = tpu.memref_slice %arg7[%dma_wait3A_1047] : memref<32768xf32, #tpu.memory_space<vmem>> -> memref<1024xf32, #tpu.memory_space<vmem>>
    tpu.wait_dma2 semaphore(%arg9 : memref<!tpu.dma_semaphore, #tpu.memory_space<semaphore_mem>>) src(%dma_wait3A_1048 : memref<1024xf32, #tpu.memory_space<vmem>>) dst(%dma_wait3A_1046 : memref<1024xf32, #tpu.memory_space<hbm>>)
    %dma_wait3A_1049 = arith.constant 13 : i32
    %dma_wait3A_1050 = arith.constant 13312 : i32
    %dma_wait3A_1051 = tpu.memref_slice %arg7[%dma_wait3A_1050] : memref<32768xf32, #tpu.memory_space<vmem>> -> memref<1024xf32, #tpu.memory_space<vmem>>
    %dma_wait3A_1052 = arith.constant 0 : i32
    %dma_wait3A_1053 = tpu.memref_slice %arg4[%dma_wait3A_1049, %add3A_676, %dma_wait3A_1052] : memref<16x64x1024xf32, #tpu.memory_space<hbm>> -> memref<1x1x1024xf32, #tpu.memory_space<hbm>>
    %dma_wait3A_1054 = tpu.memref_squeeze %dma_wait3A_1053 : memref<1x1x1024xf32, #tpu.memory_space<hbm>> -> memref<1024xf32, #tpu.memory_space<hbm>>
    %dma_wait3A_1055 = arith.constant 0 : i32
    %dma_wait3A_1056 = tpu.memref_slice %arg4[%dma_wait3A_1049, %add3A_676, %dma_wait3A_1055] : memref<16x64x1024xf32, #tpu.memory_space<hbm>> -> memref<1x1x1024xf32, #tpu.memory_space<hbm>>
    %dma_wait3A_1057 = tpu.memref_squeeze %dma_wait3A_1056 : memref<1x1x1024xf32, #tpu.memory_space<hbm>> -> memref<1024xf32, #tpu.memory_space<hbm>>
    %dma_wait3A_1058 = arith.constant 13312 : i32
    %dma_wait3A_1059 = tpu.memref_slice %arg7[%dma_wait3A_1058] : memref<32768xf32, #tpu.memory_space<vmem>> -> memref<1024xf32, #tpu.memory_space<vmem>>
    tpu.wait_dma2 semaphore(%arg9 : memref<!tpu.dma_semaphore, #tpu.memory_space<semaphore_mem>>) src(%dma_wait3A_1059 : memref<1024xf32, #tpu.memory_space<vmem>>) dst(%dma_wait3A_1057 : memref<1024xf32, #tpu.memory_space<hbm>>)
    %dma_wait3A_1060 = arith.constant 14 : i32
    %dma_wait3A_1061 = arith.constant 14336 : i32
    %dma_wait3A_1062 = tpu.memref_slice %arg7[%dma_wait3A_1061] : memref<32768xf32, #tpu.memory_space<vmem>> -> memref<1024xf32, #tpu.memory_space<vmem>>
    %dma_wait3A_1063 = arith.constant 0 : i32
    %dma_wait3A_1064 = tpu.memref_slice %arg4[%dma_wait3A_1060, %add3A_689, %dma_wait3A_1063] : memref<16x64x1024xf32, #tpu.memory_space<hbm>> -> memref<1x1x1024xf32, #tpu.memory_space<hbm>>
    %dma_wait3A_1065 = tpu.memref_squeeze %dma_wait3A_1064 : memref<1x1x1024xf32, #tpu.memory_space<hbm>> -> memref<1024xf32, #tpu.memory_space<hbm>>
    %dma_wait3A_1066 = arith.constant 0 : i32
    %dma_wait3A_1067 = tpu.memref_slice %arg4[%dma_wait3A_1060, %add3A_689, %dma_wait3A_1066] : memref<16x64x1024xf32, #tpu.memory_space<hbm>> -> memref<1x1x1024xf32, #tpu.memory_space<hbm>>
    %dma_wait3A_1068 = tpu.memref_squeeze %dma_wait3A_1067 : memref<1x1x1024xf32, #tpu.memory_space<hbm>> -> memref<1024xf32, #tpu.memory_space<hbm>>
    %dma_wait3A_1069 = arith.constant 14336 : i32
    %dma_wait3A_1070 = tpu.memref_slice %arg7[%dma_wait3A_1069] : memref<32768xf32, #tpu.memory_space<vmem>> -> memref<1024xf32, #tpu.memory_space<vmem>>
    tpu.wait_dma2 semaphore(%arg9 : memref<!tpu.dma_semaphore, #tpu.memory_space<semaphore_mem>>) src(%dma_wait3A_1070 : memref<1024xf32, #tpu.memory_space<vmem>>) dst(%dma_wait3A_1068 : memref<1024xf32, #tpu.memory_space<hbm>>)
    %dma_wait3A_1071 = arith.constant 15 : i32
    %dma_wait3A_1072 = arith.constant 15360 : i32
    %dma_wait3A_1073 = tpu.memref_slice %arg7[%dma_wait3A_1072] : memref<32768xf32, #tpu.memory_space<vmem>> -> memref<1024xf32, #tpu.memory_space<vmem>>
    %dma_wait3A_1074 = arith.constant 0 : i32
    %dma_wait3A_1075 = tpu.memref_slice %arg4[%dma_wait3A_1071, %add3A_702, %dma_wait3A_1074] : memref<16x64x1024xf32, #tpu.memory_space<hbm>> -> memref<1x1x1024xf32, #tpu.memory_space<hbm>>
    %dma_wait3A_1076 = tpu.memref_squeeze %dma_wait3A_1075 : memref<1x1x1024xf32, #tpu.memory_space<hbm>> -> memref<1024xf32, #tpu.memory_space<hbm>>
    %dma_wait3A_1077 = arith.constant 0 : i32
    %dma_wait3A_1078 = tpu.memref_slice %arg4[%dma_wait3A_1071, %add3A_702, %dma_wait3A_1077] : memref<16x64x1024xf32, #tpu.memory_space<hbm>> -> memref<1x1x1024xf32, #tpu.memory_space<hbm>>
    %dma_wait3A_1079 = tpu.memref_squeeze %dma_wait3A_1078 : memref<1x1x1024xf32, #tpu.memory_space<hbm>> -> memref<1024xf32, #tpu.memory_space<hbm>>
    %dma_wait3A_1080 = arith.constant 15360 : i32
    %dma_wait3A_1081 = tpu.memref_slice %arg7[%dma_wait3A_1080] : memref<32768xf32, #tpu.memory_space<vmem>> -> memref<1024xf32, #tpu.memory_space<vmem>>
    tpu.wait_dma2 semaphore(%arg9 : memref<!tpu.dma_semaphore, #tpu.memory_space<semaphore_mem>>) src(%dma_wait3A_1081 : memref<1024xf32, #tpu.memory_space<vmem>>) dst(%dma_wait3A_1079 : memref<1024xf32, #tpu.memory_space<hbm>>)
    %dma_wait3A_1082 = arith.constant 8 : i32
    %dma_wait3A_1083 = arith.constant 24576 : i32
    %dma_wait3A_1084 = tpu.memref_slice %arg7[%dma_wait3A_1083] : memref<32768xf32, #tpu.memory_space<vmem>> -> memref<1024xf32, #tpu.memory_space<vmem>>
    %dma_wait3A_1085 = arith.constant 0 : i32
    %dma_wait3A_1086 = tpu.memref_slice %arg4[%dma_wait3A_1082, %add3A_715, %dma_wait3A_1085] : memref<16x64x1024xf32, #tpu.memory_space<hbm>> -> memref<1x1x1024xf32, #tpu.memory_space<hbm>>
    %dma_wait3A_1087 = tpu.memref_squeeze %dma_wait3A_1086 : memref<1x1x1024xf32, #tpu.memory_space<hbm>> -> memref<1024xf32, #tpu.memory_space<hbm>>
    %dma_wait3A_1088 = arith.constant 0 : i32
    %dma_wait3A_1089 = tpu.memref_slice %arg4[%dma_wait3A_1082, %add3A_715, %dma_wait3A_1088] : memref<16x64x1024xf32, #tpu.memory_space<hbm>> -> memref<1x1x1024xf32, #tpu.memory_space<hbm>>
    %dma_wait3A_1090 = tpu.memref_squeeze %dma_wait3A_1089 : memref<1x1x1024xf32, #tpu.memory_space<hbm>> -> memref<1024xf32, #tpu.memory_space<hbm>>
    %dma_wait3A_1091 = arith.constant 24576 : i32
    %dma_wait3A_1092 = tpu.memref_slice %arg7[%dma_wait3A_1091] : memref<32768xf32, #tpu.memory_space<vmem>> -> memref<1024xf32, #tpu.memory_space<vmem>>
    tpu.wait_dma2 semaphore(%arg9 : memref<!tpu.dma_semaphore, #tpu.memory_space<semaphore_mem>>) src(%dma_wait3A_1092 : memref<1024xf32, #tpu.memory_space<vmem>>) dst(%dma_wait3A_1090 : memref<1024xf32, #tpu.memory_space<hbm>>)
    %dma_wait3A_1093 = arith.constant 9 : i32
    %dma_wait3A_1094 = arith.constant 25600 : i32
    %dma_wait3A_1095 = tpu.memref_slice %arg7[%dma_wait3A_1094] : memref<32768xf32, #tpu.memory_space<vmem>> -> memref<1024xf32, #tpu.memory_space<vmem>>
    %dma_wait3A_1096 = arith.constant 0 : i32
    %dma_wait3A_1097 = tpu.memref_slice %arg4[%dma_wait3A_1093, %add3A_728, %dma_wait3A_1096] : memref<16x64x1024xf32, #tpu.memory_space<hbm>> -> memref<1x1x1024xf32, #tpu.memory_space<hbm>>
    %dma_wait3A_1098 = tpu.memref_squeeze %dma_wait3A_1097 : memref<1x1x1024xf32, #tpu.memory_space<hbm>> -> memref<1024xf32, #tpu.memory_space<hbm>>
    %dma_wait3A_1099 = arith.constant 0 : i32
    %dma_wait3A_1100 = tpu.memref_slice %arg4[%dma_wait3A_1093, %add3A_728, %dma_wait3A_1099] : memref<16x64x1024xf32, #tpu.memory_space<hbm>> -> memref<1x1x1024xf32, #tpu.memory_space<hbm>>
    %dma_wait3A_1101 = tpu.memref_squeeze %dma_wait3A_1100 : memref<1x1x1024xf32, #tpu.memory_space<hbm>> -> memref<1024xf32, #tpu.memory_space<hbm>>
    %dma_wait3A_1102 = arith.constant 25600 : i32
    %dma_wait3A_1103 = tpu.memref_slice %arg7[%dma_wait3A_1102] : memref<32768xf32, #tpu.memory_space<vmem>> -> memref<1024xf32, #tpu.memory_space<vmem>>
    tpu.wait_dma2 semaphore(%arg9 : memref<!tpu.dma_semaphore, #tpu.memory_space<semaphore_mem>>) src(%dma_wait3A_1103 : memref<1024xf32, #tpu.memory_space<vmem>>) dst(%dma_wait3A_1101 : memref<1024xf32, #tpu.memory_space<hbm>>)
    %dma_wait3A_1104 = arith.constant 10 : i32
    %dma_wait3A_1105 = arith.constant 26624 : i32
    %dma_wait3A_1106 = tpu.memref_slice %arg7[%dma_wait3A_1105] : memref<32768xf32, #tpu.memory_space<vmem>> -> memref<1024xf32, #tpu.memory_space<vmem>>
    %dma_wait3A_1107 = arith.constant 0 : i32
    %dma_wait3A_1108 = tpu.memref_slice %arg4[%dma_wait3A_1104, %add3A_741, %dma_wait3A_1107] : memref<16x64x1024xf32, #tpu.memory_space<hbm>> -> memref<1x1x1024xf32, #tpu.memory_space<hbm>>
    %dma_wait3A_1109 = tpu.memref_squeeze %dma_wait3A_1108 : memref<1x1x1024xf32, #tpu.memory_space<hbm>> -> memref<1024xf32, #tpu.memory_space<hbm>>
    %dma_wait3A_1110 = arith.constant 0 : i32
    %dma_wait3A_1111 = tpu.memref_slice %arg4[%dma_wait3A_1104, %add3A_741, %dma_wait3A_1110] : memref<16x64x1024xf32, #tpu.memory_space<hbm>> -> memref<1x1x1024xf32, #tpu.memory_space<hbm>>
    %dma_wait3A_1112 = tpu.memref_squeeze %dma_wait3A_1111 : memref<1x1x1024xf32, #tpu.memory_space<hbm>> -> memref<1024xf32, #tpu.memory_space<hbm>>
    %dma_wait3A_1113 = arith.constant 26624 : i32
    %dma_wait3A_1114 = tpu.memref_slice %arg7[%dma_wait3A_1113] : memref<32768xf32, #tpu.memory_space<vmem>> -> memref<1024xf32, #tpu.memory_space<vmem>>
    tpu.wait_dma2 semaphore(%arg9 : memref<!tpu.dma_semaphore, #tpu.memory_space<semaphore_mem>>) src(%dma_wait3A_1114 : memref<1024xf32, #tpu.memory_space<vmem>>) dst(%dma_wait3A_1112 : memref<1024xf32, #tpu.memory_space<hbm>>)
    %dma_wait3A_1115 = arith.constant 11 : i32
    %dma_wait3A_1116 = arith.constant 27648 : i32
    %dma_wait3A_1117 = tpu.memref_slice %arg7[%dma_wait3A_1116] : memref<32768xf32, #tpu.memory_space<vmem>> -> memref<1024xf32, #tpu.memory_space<vmem>>
    %dma_wait3A_1118 = arith.constant 0 : i32
    %dma_wait3A_1119 = tpu.memref_slice %arg4[%dma_wait3A_1115, %add3A_754, %dma_wait3A_1118] : memref<16x64x1024xf32, #tpu.memory_space<hbm>> -> memref<1x1x1024xf32, #tpu.memory_space<hbm>>
    %dma_wait3A_1120 = tpu.memref_squeeze %dma_wait3A_1119 : memref<1x1x1024xf32, #tpu.memory_space<hbm>> -> memref<1024xf32, #tpu.memory_space<hbm>>
    %dma_wait3A_1121 = arith.constant 0 : i32
    %dma_wait3A_1122 = tpu.memref_slice %arg4[%dma_wait3A_1115, %add3A_754, %dma_wait3A_1121] : memref<16x64x1024xf32, #tpu.memory_space<hbm>> -> memref<1x1x1024xf32, #tpu.memory_space<hbm>>
    %dma_wait3A_1123 = tpu.memref_squeeze %dma_wait3A_1122 : memref<1x1x1024xf32, #tpu.memory_space<hbm>> -> memref<1024xf32, #tpu.memory_space<hbm>>
    %dma_wait3A_1124 = arith.constant 27648 : i32
    %dma_wait3A_1125 = tpu.memref_slice %arg7[%dma_wait3A_1124] : memref<32768xf32, #tpu.memory_space<vmem>> -> memref<1024xf32, #tpu.memory_space<vmem>>
    tpu.wait_dma2 semaphore(%arg9 : memref<!tpu.dma_semaphore, #tpu.memory_space<semaphore_mem>>) src(%dma_wait3A_1125 : memref<1024xf32, #tpu.memory_space<vmem>>) dst(%dma_wait3A_1123 : memref<1024xf32, #tpu.memory_space<hbm>>)
    %dma_wait3A_1126 = arith.constant 12 : i32
    %dma_wait3A_1127 = arith.constant 28672 : i32
    %dma_wait3A_1128 = tpu.memref_slice %arg7[%dma_wait3A_1127] : memref<32768xf32, #tpu.memory_space<vmem>> -> memref<1024xf32, #tpu.memory_space<vmem>>
    %dma_wait3A_1129 = arith.constant 0 : i32
    %dma_wait3A_1130 = tpu.memref_slice %arg4[%dma_wait3A_1126, %add3A_767, %dma_wait3A_1129] : memref<16x64x1024xf32, #tpu.memory_space<hbm>> -> memref<1x1x1024xf32, #tpu.memory_space<hbm>>
    %dma_wait3A_1131 = tpu.memref_squeeze %dma_wait3A_1130 : memref<1x1x1024xf32, #tpu.memory_space<hbm>> -> memref<1024xf32, #tpu.memory_space<hbm>>
    %dma_wait3A_1132 = arith.constant 0 : i32
    %dma_wait3A_1133 = tpu.memref_slice %arg4[%dma_wait3A_1126, %add3A_767, %dma_wait3A_1132] : memref<16x64x1024xf32, #tpu.memory_space<hbm>> -> memref<1x1x1024xf32, #tpu.memory_space<hbm>>
    %dma_wait3A_1134 = tpu.memref_squeeze %dma_wait3A_1133 : memref<1x1x1024xf32, #tpu.memory_space<hbm>> -> memref<1024xf32, #tpu.memory_space<hbm>>
    %dma_wait3A_1135 = arith.constant 28672 : i32
    %dma_wait3A_1136 = tpu.memref_slice %arg7[%dma_wait3A_1135] : memref<32768xf32, #tpu.memory_space<vmem>> -> memref<1024xf32, #tpu.memory_space<vmem>>
    tpu.wait_dma2 semaphore(%arg9 : memref<!tpu.dma_semaphore, #tpu.memory_space<semaphore_mem>>) src(%dma_wait3A_1136 : memref<1024xf32, #tpu.memory_space<vmem>>) dst(%dma_wait3A_1134 : memref<1024xf32, #tpu.memory_space<hbm>>)
    %dma_wait3A_1137 = arith.constant 13 : i32
    %dma_wait3A_1138 = arith.constant 29696 : i32
    %dma_wait3A_1139 = tpu.memref_slice %arg7[%dma_wait3A_1138] : memref<32768xf32, #tpu.memory_space<vmem>> -> memref<1024xf32, #tpu.memory_space<vmem>>
    %dma_wait3A_1140 = arith.constant 0 : i32
    %dma_wait3A_1141 = tpu.memref_slice %arg4[%dma_wait3A_1137, %add3A_780, %dma_wait3A_1140] : memref<16x64x1024xf32, #tpu.memory_space<hbm>> -> memref<1x1x1024xf32, #tpu.memory_space<hbm>>
    %dma_wait3A_1142 = tpu.memref_squeeze %dma_wait3A_1141 : memref<1x1x1024xf32, #tpu.memory_space<hbm>> -> memref<1024xf32, #tpu.memory_space<hbm>>
    %dma_wait3A_1143 = arith.constant 0 : i32
    %dma_wait3A_1144 = tpu.memref_slice %arg4[%dma_wait3A_1137, %add3A_780, %dma_wait3A_1143] : memref<16x64x1024xf32, #tpu.memory_space<hbm>> -> memref<1x1x1024xf32, #tpu.memory_space<hbm>>
    %dma_wait3A_1145 = tpu.memref_squeeze %dma_wait3A_1144 : memref<1x1x1024xf32, #tpu.memory_space<hbm>> -> memref<1024xf32, #tpu.memory_space<hbm>>
    %dma_wait3A_1146 = arith.constant 29696 : i32
    %dma_wait3A_1147 = tpu.memref_slice %arg7[%dma_wait3A_1146] : memref<32768xf32, #tpu.memory_space<vmem>> -> memref<1024xf32, #tpu.memory_space<vmem>>
    tpu.wait_dma2 semaphore(%arg9 : memref<!tpu.dma_semaphore, #tpu.memory_space<semaphore_mem>>) src(%dma_wait3A_1147 : memref<1024xf32, #tpu.memory_space<vmem>>) dst(%dma_wait3A_1145 : memref<1024xf32, #tpu.memory_space<hbm>>)
    %dma_wait3A_1148 = arith.constant 14 : i32
    %dma_wait3A_1149 = arith.constant 30720 : i32
    %dma_wait3A_1150 = tpu.memref_slice %arg7[%dma_wait3A_1149] : memref<32768xf32, #tpu.memory_space<vmem>> -> memref<1024xf32, #tpu.memory_space<vmem>>
    %dma_wait3A_1151 = arith.constant 0 : i32
    %dma_wait3A_1152 = tpu.memref_slice %arg4[%dma_wait3A_1148, %add3A_793, %dma_wait3A_1151] : memref<16x64x1024xf32, #tpu.memory_space<hbm>> -> memref<1x1x1024xf32, #tpu.memory_space<hbm>>
    %dma_wait3A_1153 = tpu.memref_squeeze %dma_wait3A_1152 : memref<1x1x1024xf32, #tpu.memory_space<hbm>> -> memref<1024xf32, #tpu.memory_space<hbm>>
    %dma_wait3A_1154 = arith.constant 0 : i32
    %dma_wait3A_1155 = tpu.memref_slice %arg4[%dma_wait3A_1148, %add3A_793, %dma_wait3A_1154] : memref<16x64x1024xf32, #tpu.memory_space<hbm>> -> memref<1x1x1024xf32, #tpu.memory_space<hbm>>
    %dma_wait3A_1156 = tpu.memref_squeeze %dma_wait3A_1155 : memref<1x1x1024xf32, #tpu.memory_space<hbm>> -> memref<1024xf32, #tpu.memory_space<hbm>>
    %dma_wait3A_1157 = arith.constant 30720 : i32
    %dma_wait3A_1158 = tpu.memref_slice %arg7[%dma_wait3A_1157] : memref<32768xf32, #tpu.memory_space<vmem>> -> memref<1024xf32, #tpu.memory_space<vmem>>
    tpu.wait_dma2 semaphore(%arg9 : memref<!tpu.dma_semaphore, #tpu.memory_space<semaphore_mem>>) src(%dma_wait3A_1158 : memref<1024xf32, #tpu.memory_space<vmem>>) dst(%dma_wait3A_1156 : memref<1024xf32, #tpu.memory_space<hbm>>)
    %dma_wait3A_1159 = arith.constant 15 : i32
    %dma_wait3A_1160 = arith.constant 31744 : i32
    %dma_wait3A_1161 = tpu.memref_slice %arg7[%dma_wait3A_1160] : memref<32768xf32, #tpu.memory_space<vmem>> -> memref<1024xf32, #tpu.memory_space<vmem>>
    %dma_wait3A_1162 = arith.constant 0 : i32
    %dma_wait3A_1163 = tpu.memref_slice %arg4[%dma_wait3A_1159, %add3A_806, %dma_wait3A_1162] : memref<16x64x1024xf32, #tpu.memory_space<hbm>> -> memref<1x1x1024xf32, #tpu.memory_space<hbm>>
    %dma_wait3A_1164 = tpu.memref_squeeze %dma_wait3A_1163 : memref<1x1x1024xf32, #tpu.memory_space<hbm>> -> memref<1024xf32, #tpu.memory_space<hbm>>
    %dma_wait3A_1165 = arith.constant 0 : i32
    %dma_wait3A_1166 = tpu.memref_slice %arg4[%dma_wait3A_1159, %add3A_806, %dma_wait3A_1165] : memref<16x64x1024xf32, #tpu.memory_space<hbm>> -> memref<1x1x1024xf32, #tpu.memory_space<hbm>>
    %dma_wait3A_1167 = tpu.memref_squeeze %dma_wait3A_1166 : memref<1x1x1024xf32, #tpu.memory_space<hbm>> -> memref<1024xf32, #tpu.memory_space<hbm>>
    %dma_wait3A_1168 = arith.constant 31744 : i32
    %dma_wait3A_1169 = tpu.memref_slice %arg7[%dma_wait3A_1168] : memref<32768xf32, #tpu.memory_space<vmem>> -> memref<1024xf32, #tpu.memory_space<vmem>>
    tpu.wait_dma2 semaphore(%arg9 : memref<!tpu.dma_semaphore, #tpu.memory_space<semaphore_mem>>) src(%dma_wait3A_1169 : memref<1024xf32, #tpu.memory_space<vmem>>) dst(%dma_wait3A_1167 : memref<1024xf32, #tpu.memory_space<hbm>>)
    return
  }
}

</mosaic_0001>

<sc_bundles>
// kernel: kernel.3.cloned.1.call-start
scs
__scs_entry_jumppad:
0x0: {  	(pc) =	sbr.rel $0x88, $3  }
0x1: {  	(tag) =	ssettag $0x0;
	lr =	simm.s32 $0x1  }
0x2: {  	[smem:$0x3F9F] =	sst lr;
	_ =	strace $0xD0000000  }
0x3: {  	_ = 	snop  }
0x4: {  	_ = 	snop  }
0x5: {  	_ = 	snop  }
0x6: {  	_ = 	snop  }
0x7: {  	_ = 	snop  }
__scs_overlays_trampoline_lowered:
0x8: {  	[smem:$0x3FAE] =	sst s0  }
0x9: {  	[smem:$0x3FAF] =	sst s1  }
0xa: {  	[smem:$0x3FB0] =	sst s2  }
0xb: {  	[smem:$0x3FB1] =	sst s3  }
0xc: {  	[smem:$0x3FB2] =	sst s4  }
0xd: {  	[smem:$0x3FB3] =	sst s5  }
0xe: {  	[smem:$0x3FB4] =	sst s6  }
0xf: {  	[smem:$0x3FB5] =	sst s7  }
0x10: {  	[smem:$0x3FB6] =	sst s8  }
0x11: {  	[smem:$0x3FB7] =	sst s9;
	s0 =	simm.s32 @!p0 $0x0  }
0x12: {  	s1 =	sld [smem:$0x3F9D];
	s0 =	simm.s32 @p0 $0x1  }
0x13: {  	[smem:$0x3FB8] =	sst s0;
	s0 =	simm.s32 @!p1 $0x0  }
0x14: {  	s2 =	sld [smem:$0x3F9C];
	s0 =	simm.s32 @p1 $0x1  }
0x15: {  	[smem:$0x3FB9] =	sst s0;
	s0 =	simm.s32 @!p2 $0x0  }
0x16: {  	s3 =	sld [smem:$0x3FDB];
	s0 =	simm.s32 @p2 $0x1  }
0x17: {  	s4 =	simm.s32 $0x1BF5;
	[smem:$0x3FBB] =	sst s0  }
0x18: {  	s0 =	sld [smem:$0x3F9E];
	_ =	swait.ge [sflag:s4], $0x0  }
0x19: {  	s7 =	sld [smem:$0x3F9F]  }
0x1a: {  	s8 =	sadd.s32 $0xFFFFE003, lr  }
0x1b: {  	s9 =	sadd.s32 $0xFFFFFEF7, lr;
	s5 =	simm.s32 $0xFFFFFFFF;
	p2 =	slt.u32 s8, $0xFFFFF086  }
0x1c: {  	p1 =	slt.u32 s9, $0xF7A;
	s5 =	simm.s32 @!p2 $0x0  }
0x1d: {  	s5 =	simm.s32 @p1 $0x1;
	p0 =	seq.s32 s7, s2  }
0x1e: {  	s7 =	smul.u32 @!p0 $0xF7A, s2;
	p2 =	seq.s32 @!p0 s5, $0x0  }
0x1f: {  	s9 =	smul.u32 $0xF7A, s1;
	s8 =	simm.s32 @!p0 $0x1BF5;
	p2 =	por !p2, p0  }
0x20: {  	[sflag:s8] =	ssyncset.s32 @!p0 $0xFFFFF086;
	s6 =	sadd.s32 @!p0 s3, s7;
	s7 =	simm.s32 @!p0 $0x108  }
0x21: {  	s3 =	sadd.s32 s3, s9;
	s6 =	sadd.s32 @!p0 $0x88, s6;
	s7 =	simm.s32 @p2 $0x1082  }
0x22: {  	[simem:s7], [sflag:s8] =	dma.local @!p0 [hbm:s6], $0xF7A  }
0x23: {  	s9 =	sor.u32 $0xD0000000, s2;
	s6 =	simm.s32 $0x108;
	_ =	swait.ge @!p0 [sflag:s8], $0x0  }
0x24: {  	s3 =	sadd.s32 $0x88, s3;
	s6 =	simm.s32 @!p1 $0x1082;
	[sflag:s4] =	ssyncset.s32 $0xFFFFF086  }
0x25: {  	[simem:s6], [sflag:s4] =	dma.local [hbm:s3], $0xF7A  }
0x26: {  	[smem:$0x3F9F] =	sst s1;
	(tag) =	ssettag s2;
	_ =	strace s9  }
0x27: {  	s1 =	sld [smem:$0x3FAF]  }
0x28: {  	s2 =	sld [smem:$0x3FB0]  }
0x29: {  	s4 =	sld [smem:$0x3FB2]  }
0x2a: {  	p0 =	seq.s32 s5, $0x0;
	s5 =	sld [smem:$0x3FB3]  }
0x2b: {  	s6 =	sld [smem:$0x3FB4]  }
0x2c: {  	s7 =	sld [smem:$0x3FB5]  }
0x2d: {  	s3 =	simm.s32 $0x108;
	s8 =	sld [smem:$0x3FB6]  }
0x2e: {  	s3 =	simm.s32 @!p0 $0x1082;
	s9 =	sld [smem:$0x3FB7]  }
0x2f: {  	lr =	sadd.s32 s0, s3;
	s0 =	sld [smem:$0x3FAE]  }
0x30: {  	s3 =	sld [smem:$0x3FB1]  }
0x31: {  	[smem:$0x3FBA] =	sst s10  }
0x32: {  	s10 =	sld [smem:$0x3FB8];
	_ =	sdelay $0x3  }
0x33: {  	p0 =	seq.s32 s10, $0x1;
	s10 =	sld [smem:$0x3FBA];
	_ =	sdelay $0x3  }
0x34: {  	[smem:$0x3FBA] =	sst s10  }
0x35: {  	s10 =	sld [smem:$0x3FB9];
	_ =	sdelay $0x3  }
0x36: {  	p1 =	seq.s32 s10, $0x1;
	s10 =	sld [smem:$0x3FBA];
	_ =	sdelay $0x3  }
0x37: {  	[smem:$0x3FBA] =	sst s10  }
0x38: {  	s10 =	sld [smem:$0x3FBB]  }
0x39: {  	_ = 	snop;
	(pc) =	sbr.ind lr, $3  }
0x3a: {  	_ = 	snop  }
0x3b: {  	_ = 	snop  }
0x3c: {  	p2 =	seq.s32 s10, $0x1;
	s10 =	sld [smem:$0x3FBA]  }
0x3d: {  	_ =	shalt  }
0x3e: {  	_ =	shalt  }
0x3f: {  	_ =	shalt  }
0x40: {  	_ =	shalt  }
0x41: {  	_ =	shalt  }
0x42: {  	_ =	shalt  }
0x43: {  	_ =	shalt  }
0x44: {  	_ =	shalt  }
0x45: {  	_ =	shalt  }
0x46: {  	_ =	shalt  }
0x47: {  	_ =	shalt  }
0x48: {  	_ =	shalt  }
0x49: {  	_ =	shalt  }
0x4a: {  	_ =	shalt  }
0x4b: {  	_ =	shalt  }
0x4c: {  	_ =	shalt  }
0x4d: {  	_ =	shalt  }
0x4e: {  	_ =	shalt  }
0x4f: {  	_ =	shalt  }
0x50: {  	_ =	shalt  }
0x51: {  	_ =	shalt  }
0x52: {  	_ =	shalt  }
0x53: {  	_ =	shalt  }
0x54: {  	_ =	shalt  }
0x55: {  	_ =	shalt  }
0x56: {  	_ =	shalt  }
0x57: {  	_ =	shalt  }
0x58: {  	_ =	shalt  }
0x59: {  	_ =	shalt  }
0x5a: {  	_ =	shalt  }
0x5b: {  	_ =	shalt  }
0x5c: {  	_ =	shalt  }
0x5d: {  	_ =	shalt  }
0x5e: {  	_ =	shalt  }
0x5f: {  	_ =	shalt  }
0x60: {  	_ =	shalt  }
0x61: {  	_ =	shalt  }
0x62: {  	_ =	shalt  }
0x63: {  	_ =	shalt  }
0x64: {  	_ =	shalt  }
0x65: {  	_ =	shalt  }
0x66: {  	_ =	shalt  }
0x67: {  	_ =	shalt  }
0x68: {  	_ =	shalt  }
0x69: {  	_ =	shalt  }
0x6a: {  	_ =	shalt  }
0x6b: {  	_ =	shalt  }
0x6c: {  	_ =	shalt  }
0x6d: {  	_ =	shalt  }
0x6e: {  	_ =	shalt  }
0x6f: {  	_ =	shalt  }
0x70: {  	_ =	shalt  }
0x71: {  	_ =	shalt  }
0x72: {  	_ =	shalt  }
0x73: {  	_ =	shalt  }
0x74: {  	_ =	shalt  }
0x75: {  	_ =	shalt  }
0x76: {  	_ =	shalt  }
0x77: {  	_ =	shalt  }
0x78: {  	_ =	shalt  }
0x79: {  	_ =	shalt  }
0x7a: {  	_ =	shalt  }
0x7b: {  	_ =	shalt  }
0x7c: {  	_ =	shalt  }
0x7d: {  	_ =	shalt  }
0x7e: {  	_ =	shalt  }
0x7f: {  	_ =	shalt  }
0x80: {  	_ =	shalt  }
0x81: {  	_ =	shalt  }
0x82: {  	_ =	shalt  }
0x83: {  	_ =	shalt  }
0x84: {  	_ =	shalt  }
0x85: {  	_ =	shalt  }
0x86: {  	_ =	shalt  }
0x87: {  	_ =	shalt  }
.Lfunc_end0:
.L_simem_size_0:
called_computation_lowered:
.L_overlay_start_0:
0x88: {  	s2 =	sld [smem:$0x3FD9]  }
0x89: {  	s3 =	sld [smem:$0x3FFE];
	_ =	sdelay $0x1  }
0x8a: {  	s1 =	srdreg.scid  }
0x8b: {  	s0 =	sand.u32 $0x1, s1  }
0x8c: {  	s18 =	sshll.u32 s0, $0xA;
	s2 =	sadd.s32 s3, s2  }
0x8d: {  	s2 =	sadd.s32 s2, s18  }
0x8e: {  	[smem:$0x3FC6] =	sst s2  }
0x8f: {  	_ = 	snop  }
0x90: {  	s2 =	sld [smem:$0x3FC9]  }
0x91: {  	s19 =	sld [smem:$0x3FC8]  }
0x92: {  	s4 =	sld [smem:$0x3FD0];
	(tm) =	ssettm $0x1  }
0x93: {  	s5 =	sld [smem:$0x3FFB];
	_ =	sdelay $0x3  }
0x94: {  	_ =	strace s5  }
0x95: {  	s5 =	sld [smem:$0x3FFC];
	_ =	sdelay $0x3  }
0x96: {  	_ =	strace s5  }
0x97: {  	s5 =	sld [smem:$0x3FFD];
	_ =	sdelay $0x3  }
0x98: {  	_ =	strace s5  }
0x99: {  	_ =	strace $0x8FFFFFFF  }
0x9a: {  	s20 =	sld [smem:$0x3FDB];
	_ =	sdelay $0x1  }
0x9b: {  	s6 =	simm.s32 $_scs_section_size  }
0x9c: {  	s7 =	simm.s32 $_size__tile_overlayer_lowered;
	s8 =	simm.s32 $_tile_overlayer_lowered  }
0x9d: {  	s23 =	simm.s32 $0x1BFF;
	s22 =	sshll.u32 s8, $0x1;
	s5 =	sadd.s32 s6, s20  }
0x9e: {  	s9 =	simm.s32 $0x0;
	s21 =	sshll.u32 s7, $0x1;
	s7 =	sadd.s32 s22, s5  }
0x9f: {  	[timem:s9], [sflag:s23] =	dma.local [hbm:s7], s21  }
0xa0: {  	_ =	swait.ge [sflag:s23], s21  }
0xa1: {  	s6 =	ssub.s32 $0x0, s21;
	[sflag:s23] =	ssyncset.done $0x0  }
0xa2: {  	[sflag:s23] =	ssyncadd.s32 s6;
	_ =	sdelay $0x1  }
0xa3: {  	s24 =	simm.s32 $0x1B8B  }
0xa4: {  	_ =	swait.ge [sflag:s24], $0x1  }
0xa5: {  	[sflag:s24] =	ssyncset.done $0x0  }
0xa6: {  	s25 =	simm.s32 $0x1B8E;
	[sflag:s24] =	ssyncadd.s32 $0xFFFFFFFF  }
0xa7: {  	s26 =	simm.s32 $execute0_lowered;
	[smem:$0x3FD2] =	sst s25  }
0xa8: {  	s6 =	sshll.u32 s26, $0x1;
	_ =	strace $0x80000046;
	[dreg:$0x1] =	wrdreg $0xFFFFFFFF  }
0xa9: {  	s28 =	simm.s32 $_size_execute0_lowered;
	s5 =	sadd.s32 s5, s6;
	[dreg:$0x0] =	wrdreg $0x0  }
0xaa: {  	s6 =	sshll.u32 s28, $0x1;
	[dreg:$0x2] =	wrdreg s5  }
0xab: {  	[dreg:$0x3] =	wrdreg s6  }
0xac: {  	[dreg:$0x4] =	wrdreg $0xC0  }
0xad: {  	_ =	task [dreg:s9], $0x5FFFF  }
0xae: {  	[dreg:$0x1] =	wrdreg $0xFFFFFFFF  }
0xaf: {  	[dreg:$0x0] =	wrdreg $0x60  }
0xb0: {  	[dreg:$0x2] =	wrdreg s2  }
0xb1: {  	[dreg:$0x3] =	wrdreg s19  }
0xb2: {  	[dreg:$0x4] =	wrdreg s4  }
0xb3: {  	[dreg:$0x5] =	wrdreg $0x9  }
0xb4: {  	_ =	task.clear_ibuf [dreg:s9], $0x6FFFF;
	_ =	strace $0x90000046  }
0xb5: {  	s29 =	simm.s32 $0x9;
	_ =	strace $0x80000048  }
0xb6: {  	_ =	swait.ge [sflag:s29], $0x1  }
0xb7: {  	[sflag:s29] =	ssyncadd.s32 $0xFFFFFFFF  }
0xb8: {  	_ =	strace $0x90000048  }
0xb9: {  	_ =	sfence  }
0xba: {  	s30 =	sld [smem:$0x0];
	_ =	sdelay $0x2  }
0xbb: {  	s31 =	sshll.u32 s1, $0xD;
	s1 =	sshrl.u32 s1, $0x2  }
0xbc: {  	s3 =	sand.u32 $0x4000, s31;
	s1 =	sadd.s32 s1, s30  }
0xbd: {  	s0 =	sor.u32 s3, s0;
	s1 =	sshll.u32 s1, $0x11  }
0xbe: {  	s0 =	sor.u32 s1, s0  }
0xbf: {  	s0 =	sadd.s32 $0x8F2B, s0  }
0xc0: {  	[sflag:s0] =	ssyncadd.remote.s32 $0x1  }
0xc1: {  	_ =	sfence.sel $0xFFFF  }
0xc2: {  	[dreg:$0x0] =	wrdreg $0xFFFFFFFF;
	(pc) =	sbr.abs _section_cstart, $3  }
0xc3: {  	[dreg:$0x1] =	wrdreg $0xFFFFFFFF  }
0xc4: {  	_ =	task.clear_ibuf [dreg:s9], $0x2FFFF;
	_ =	strace $0x9FFFFFFF  }
0xc5: {  	(tm) =	ssettm $0x7FFFFFFF  }
tec
execute0_lowered:
.L_overlay_start_1:
0x0: {  	(tag) =	ssettag $0x1  }
0x1: {  	s0 =	rddreg [dreg:$0x1]  }
0x2: {  	s1 =	srdreg.scid;
	s4 =	stileid.u32;
	s3 =	simm.s32 $0x0  }
0x3: {  	s1 =	sand.u32 $0x1, s1;
	s2 =	sshll.u32 s4, $0x9;
	[smem:$0x7FF] =	sst s3  }
0x4: {  	s4 =	sshrl.u32 s4, $0x1;
	s24 =	sshll.u32 s1, $0x8;
	s2 =	sand.u32 $0x200, s2  }
0x5: {  	s1 =	ssub.s32 $0x2, s1;
	s6 =	sshll.u32 s4, $0x10;
	s4 =	sshll.u32 s4, $0xD  }
0x6: {  	s2 =	sor.u32 s24, s2;
	s25 =	sshrl.u32 s1, $0x1;
	s29 =	sor.u32 $0x10000, s4  }
0x7: {  	s30 =	sor.u32 $0x20000, s4;
	s31 =	sor.u32 $0x30000, s4;
	s10 =	sor.u32 $0x40000, s4  }
0x8: {  	s13 =	sor.u32 $0x50000, s4;
	s15 =	sor.u32 $0x60000, s4;
	s16 =	sor.u32 $0x70000, s4  }
0x9: {  	s22 =	sor.u32 $0xA0000, s4;
	s23 =	sor.u32 $0xB0000, s4;
	s24 =	sor.u32 $0xC0000, s4  }
0xa: {  	s7 =	sor.u32 $0x80, s2;
	s1 =	ssub.s32 s1, s25;
	s26 =	sor.u32 s6, s2  }
0xb: {  	s8 =	sor.u32 s2, s29;
	s9 =	sor.u32 s2, s30;
	s11 =	sor.u32 s2, s31  }
0xc: {  	s12 =	sor.u32 s2, s10;
	s14 =	sor.u32 s2, s13;
	s17 =	sor.u32 s2, s15  }
0xd: {  	s18 =	sor.u32 s2, s16;
	s25 =	sor.u32 $0xD0000, s4;
	[smem:$0x7FD] =	sst s1  }
0xe: {  	s28 =	sor.u32 s6, s7;
	s1 =	sshrl.u32 s26, $0x3;
	s19 =	sor.u32 s4, s7  }
0xf: {  	s20 =	sor.u32 s30, s7;
	s21 =	sor.u32 s31, s7;
	s10 =	sor.u32 s10, s7  }
0x10: {  	s5 =	sor.u32 s13, s7;
	s15 =	sor.u32 s15, s7;
	s6 =	sor.u32 s16, s7  }
0x11: {  	s26 =	sor.u32 $0xE0000, s4;
	s30 =	sor.u32 s2, s22;
	s31 =	sor.u32 s2, s23  }
0x12: {  	s16 =	sor.u32 s2, s25;
	s22 =	sor.u32 s22, s7;
	s23 =	sor.u32 s23, s7  }
0x13: {  	s25 =	sor.u32 s25, s7;
	s8 =	sshrl.u32 s8, $0x3;
	s11 =	sshrl.u32 s11, $0x3  }
0x14: {  	s12 =	sshrl.u32 s12, $0x3;
	s3 =	sshrl.u32 s28, $0x3;
	[smem:$0x7F9] =	sst s5  }
0x15: {  	s1 =	sadd.s32 s0, s1;
	[smem:$0x7FA] =	sst s6;
	s6 =	sor.u32 $0x90000, s4  }
0x16: {  	s5 =	sor.u32 s2, s24;
	s13 =	sor.u32 s2, s26;
	s24 =	sor.u32 s24, s7  }
0x17: {  	s26 =	sor.u32 s26, s7;
	[dreg:$0x4] =	wrdreg s1;
	s0 =	sadd.s32 s0, s3  }
0x18: {  	s1 =	sor.u32 s4, s2;
	s3 =	sor.u32 $0x80000, s4;
	[smem:$0x7FB] =	sst s13  }
0x19: {  	s4 =	sor.u32 $0xF0000, s4;
	s13 =	sshrl.u32 s9, $0x3;
	[dreg:$0x5] =	wrdreg s0  }
0x1a: {  	s0 =	sor.u32 s29, s7;
	s28 =	sor.u32 s2, s3;
	s29 =	sor.u32 s2, s6  }
0x1b: {  	s2 =	sor.u32 s2, s4;
	s3 =	sor.u32 s3, s7;
	s6 =	sor.u32 s6, s7  }
0x1c: {  	s7 =	sor.u32 s4, s7;
	s1 =	sshrl.u32 s1, $0x3;
	s4 =	rddreg [dreg:$0x2]  }
0x1d: {  	s23 =	sshrl.u32 s23, $0x3;
	s1 =	sadd.s32 s4, s1;
	s9 =	sadd.s32 s4, s13  }
0x1e: {  	s13 =	sshrl.u32 s14, $0x3;
	[dreg:$0x6] =	wrdreg s1;
	s1 =	sadd.s32 s4, s8  }
0x1f: {  	[dreg:$0x8] =	wrdreg s9;
	s14 =	sadd.s32 s4, s13;
	s13 =	sshrl.u32 s20, $0x3  }
0x20: {  	s20 =	sshrl.u32 s15, $0x3;
	s15 =	sshrl.u32 s16, $0x3;
	s16 =	sld [smem:$0x7FB]  }
0x21: {  	s25 =	sshrl.u32 s25, $0x3;
	s0 =	sshrl.u32 s0, $0x3;
	[dreg:$0x7] =	wrdreg s1  }
0x22: {  	s24 =	sshrl.u32 s24, $0x3;
	s0 =	sadd.s32 s4, s0;
	[dreg:$0xb] =	wrdreg s14  }
0x23: {  	s8 =	sshrl.u32 s17, $0x3;
	s9 =	sshrl.u32 s18, $0x3;
	[dreg:$0xf] =	wrdreg s0  }
0x24: {  	s1 =	sadd.s32 s4, s11;
	s11 =	sshrl.u32 s19, $0x3;
	s19 =	sld [smem:$0x7F9]  }
0x25: {  	s18 =	sshrl.u32 s10, $0x3;
	s0 =	sadd.s32 s4, s13;
	[dreg:$0x9] =	wrdreg s1  }
0x26: {  	s14 =	sshrl.u32 s21, $0x3;
	s21 =	sadd.s32 s4, s20;
	[dreg:$0x10] =	wrdreg s0  }
0x27: {  	s13 =	sshrl.u32 s5, $0x3;
	s1 =	sadd.s32 s4, s12;
	[dreg:$0x14] =	wrdreg s21  }
0x28: {  	s20 =	sshrl.u32 s6, $0x3;
	s12 =	sadd.s32 s4, s11;
	[dreg:$0xa] =	wrdreg s1  }
0x29: {  	s17 =	sadd.s32 s4, s14;
	s0 =	sadd.s32 s4, s18;
	[dreg:$0xe] =	wrdreg s12  }
0x2a: {  	s11 =	sshrl.u32 s30, $0x3;
	s14 =	sadd.s32 s4, s13;
	[dreg:$0x11] =	wrdreg s17  }
0x2b: {  	s21 =	sshrl.u32 s22, $0x3;
	s30 =	sshrl.u32 s7, $0x3;
	[dreg:$0x12] =	wrdreg s0  }
0x2c: {  	s1 =	sadd.s32 s4, s8;
	s8 =	sshrl.u32 s28, $0x3;
	[dreg:$0x1a] =	wrdreg s14  }
0x2d: {  	s12 =	sshrl.u32 s31, $0x3;
	s17 =	sshrl.u32 s2, $0x3;
	s28 =	rddreg [dreg:$0x0]  }
0x2e: {  	s22 =	sadd.s32 s4, s21;
	[dreg:$0xc] =	wrdreg s1;
	s1 =	sadd.s32 s4, s9  }
0x2f: {  	s2 =	sadd.s32 s4, s25;
	s21 =	simm.s32 $0x80;
	[dreg:$0xd] =	wrdreg s1  }
0x30: {  	s25 =	simm.s32 $0x2;
	s0 =	sshrl.u32 s19, $0x3;
	s1 =	sld [smem:$0x7FA]  }
0x31: {  	s9 =	sshrl.u32 s29, $0x3;
	s18 =	sadd.s32 s4, s17;
	s19 =	sshrl.u32 s3, $0x3  }
0x32: {  	[smem:$0x7FC] =	sst s22;
	s29 =	sshrl.u32 s26, $0x3;
	s0 =	sadd.s32 s4, s0  }
0x33: {  	s6 =	sadd.s32 $0x10, s28;
	[dreg:$0x13] =	wrdreg s0;
	s0 =	sshrl.u32 s1, $0x3  }
0x34: {  	s7 =	sadd.s32 $0x20, s28;
	[dreg:$0x1d] =	wrdreg s18;
	s0 =	sadd.s32 s4, s0  }
0x35: {  	s13 =	sadd.s32 $0x400, s28;
	[dreg:$0x15] =	wrdreg s0;
	s0 =	sadd.s32 s4, s8  }
0x36: {  	s14 =	sadd.s32 $0x410, s28;
	[dreg:$0x16] =	wrdreg s0;
	s0 =	sadd.s32 s4, s11  }
0x37: {  	s17 =	sadd.s32 $0x440, s28;
	[dreg:$0x18] =	wrdreg s0;
	s0 =	sadd.s32 s4, s12  }
0x38: {  	s22 =	simm.s32 $0x400;
	[dreg:$0x19] =	wrdreg s0;
	s0 =	sadd.s32 s4, s15  }
0x39: {  	s10 =	sadd.s32 s4, s9;
	[dreg:$0x1b] =	wrdreg s0;
	s0 =	sshrl.u32 s16, $0x3  }
0x3a: {  	s26 =	simm.s32 $0x0;
	[dreg:$0x17] =	wrdreg s10;
	s0 =	sadd.s32 s4, s0  }
0x3b: {  	s3 =	sadd.s32 s4, s29;
	[dreg:$0x1c] =	wrdreg s0;
	s0 =	sadd.s32 s4, s19  }
0x3c: {  	s9 =	sadd.s32 $0x40, s28;
	[dreg:$0x1e] =	wrdreg s0;
	s0 =	sadd.s32 s4, s20  }
0x3d: {  	s18 =	sadd.s32 $0x450, s28;
	s10 =	sadd.s32 $0x50, s28;
	[dreg:$0x1f] =	wrdreg s0  }
0x3e: {  	s1 =	sadd.s32 s4, s24;
	s24 =	simm.s32 $0x1;
	_ =	strace $0x80000047  }
0x3f: {  	s8 =	sadd.s32 $0x30, s28;
	s11 =	sadd.s32 $0x60, s28;
	s31 =	sld [smem:$0x7FD]  }
0x40: {  	s12 =	sadd.s32 $0x70, s28;
	s15 =	sadd.s32 $0x420, s28;
	s16 =	sadd.s32 $0x430, s28  }
0x41: {  	s19 =	sadd.s32 $0x460, s28;
	s20 =	sadd.s32 $0x470, s28;
	s0 =	sadd.s32 s4, s23  }
0x42: {  	s4 =	sadd.s32 s4, s30;
	s23 =	simm.s32 $0x4000;
	s5 =	smax.u32 s31, $0x1  }
.LBB2_1:
0x43: {  	s28 =	rddreg [dreg:$0x4]  }
0x44: {  	[tilespmem:s23], [sflag:$0x1] =	stream.strided.gather [hbm4b:s28+s21], $0x2000, s22, s21, $0x38;
	[tilespmem:$0x10000] =	vst v63  }
0x45: {  	s29 =	simm.s32 $0x6000;
	s28 =	rddreg [dreg:$0x5]  }
0x46: {  	[tilespmem:s29], [sflag:$0x1] =	stream.strided.gather [hbm4b:s28+s21], $0x2000, s22, s21, $0x38;
	[tilespmem:$0x10000] =	vst v63  }
0x47: {  	s28 =	simm.s32 $0x0;
	s29 =	rddreg [dreg:$0x0]  }
0x48: {  	[tilespmem:s28], [sflag:$0x1] =	stream.strided.gather [hbm4b:s29+s21], $0x400, s22, s21, $0x38;
	[tilespmem:$0x10000] =	vst v63  }
0x49: {  	_ = 	snop  }
0x4a: {  	[tilespmem:s22], [sflag:$0x1] =	stream.strided.gather [hbm4b:s6+s21], $0x400, s22, s21, $0x38;
	[tilespmem:$0x10000] =	vst v63  }
0x4b: {  	s28 =	simm.s32 $0x800  }
0x4c: {  	[tilespmem:s28], [sflag:$0x1] =	stream.strided.gather [hbm4b:s7+s21], $0x400, s22, s21, $0x38;
	[tilespmem:$0x10000] =	vst v63  }
0x4d: {  	s28 =	simm.s32 $0xC00  }
0x4e: {  	[tilespmem:s28], [sflag:$0x1] =	stream.strided.gather [hbm4b:s8+s21], $0x400, s22, s21, $0x38;
	[tilespmem:$0x10000] =	vst v63  }
0x4f: {  	s28 =	simm.s32 $0x1000  }
0x50: {  	[tilespmem:s28], [sflag:$0x1] =	stream.strided.gather [hbm4b:s9+s21], $0x400, s22, s21, $0x38;
	[tilespmem:$0x10000] =	vst v63  }
0x51: {  	s28 =	simm.s32 $0x1400  }
0x52: {  	[tilespmem:s28], [sflag:$0x1] =	stream.strided.gather [hbm4b:s10+s21], $0x400, s22, s21, $0x38;
	[tilespmem:$0x10000] =	vst v63  }
0x53: {  	s28 =	simm.s32 $0x1800  }
0x54: {  	[tilespmem:s28], [sflag:$0x1] =	stream.strided.gather [hbm4b:s11+s21], $0x400, s22, s21, $0x38;
	[tilespmem:$0x10000] =	vst v63  }
0x55: {  	s28 =	simm.s32 $0x1C00  }
0x56: {  	[tilespmem:s28], [sflag:$0x1] =	stream.strided.gather [hbm4b:s12+s21], $0x400, s22, s21, $0x38;
	[tilespmem:$0x10000] =	vst v63  }
0x57: {  	s28 =	simm.s32 $0x2000  }
0x58: {  	[tilespmem:s28], [sflag:$0x1] =	stream.strided.gather [hbm4b:s13+s21], $0x400, s22, s21, $0x38;
	[tilespmem:$0x10000] =	vst v63  }
0x59: {  	s28 =	simm.s32 $0x2400  }
0x5a: {  	[tilespmem:s28], [sflag:$0x1] =	stream.strided.gather [hbm4b:s14+s21], $0x400, s22, s21, $0x38;
	[tilespmem:$0x10000] =	vst v63  }
0x5b: {  	s28 =	simm.s32 $0x2800  }
0x5c: {  	[tilespmem:s28], [sflag:$0x1] =	stream.strided.gather [hbm4b:s15+s21], $0x400, s22, s21, $0x38;
	[tilespmem:$0x10000] =	vst v63  }
0x5d: {  	s28 =	simm.s32 $0x2C00  }
0x5e: {  	[tilespmem:s28], [sflag:$0x1] =	stream.strided.gather [hbm4b:s16+s21], $0x400, s22, s21, $0x38;
	[tilespmem:$0x10000] =	vst v63  }
0x5f: {  	s28 =	simm.s32 $0x3000  }
0x60: {  	[tilespmem:s28], [sflag:$0x1] =	stream.strided.gather [hbm4b:s17+s21], $0x400, s22, s21, $0x38;
	[tilespmem:$0x10000] =	vst v63  }
0x61: {  	s28 =	simm.s32 $0x3400  }
0x62: {  	[tilespmem:s28], [sflag:$0x1] =	stream.strided.gather [hbm4b:s18+s21], $0x400, s22, s21, $0x38;
	[tilespmem:$0x10000] =	vst v63  }
0x63: {  	s28 =	simm.s32 $0x3800  }
0x64: {  	[tilespmem:s28], [sflag:$0x1] =	stream.strided.gather [hbm4b:s19+s21], $0x400, s22, s21, $0x38;
	[tilespmem:$0x10000] =	vst v63  }
0x65: {  	s28 =	simm.s32 $0x3C00  }
0x66: {  	[tilespmem:s28], [sflag:$0x1] =	stream.strided.gather [hbm4b:s20+s21], $0x400, s22, s21, $0x38;
	[tilespmem:$0x10000] =	vst v63  }
0x67: {  	_ =	swait.ge [sflag:s24], $0x2000  }
0x68: {  	[sflag:s24] =	ssyncset.done $0x0  }
0x69: {  	[sflag:s24] =	ssyncadd.s32 $0xFFFFE000  }
0x6a: {  	_ =	swait.ge [sflag:s24], $0x2000  }
0x6b: {  	[sflag:s24] =	ssyncset.done $0x0  }
0x6c: {  	[sflag:s24] =	ssyncadd.s32 $0xFFFFE000  }
0x6d: {  	_ =	swait.ge [sflag:s24], $0x400  }
0x6e: {  	[sflag:s24] =	ssyncset.done $0x0  }
0x6f: {  	[sflag:s24] =	ssyncadd.s32 $0xFFFFFC00  }
0x70: {  	_ =	swait.ge [sflag:s24], $0x400  }
0x71: {  	[sflag:s24] =	ssyncset.done $0x0  }
0x72: {  	[sflag:s24] =	ssyncadd.s32 $0xFFFFFC00  }
0x73: {  	_ =	swait.ge [sflag:s24], $0x400  }
0x74: {  	[sflag:s24] =	ssyncset.done $0x0  }
0x75: {  	[sflag:s24] =	ssyncadd.s32 $0xFFFFFC00  }
0x76: {  	_ =	swait.ge [sflag:s24], $0x400  }
0x77: {  	[sflag:s24] =	ssyncset.done $0x0  }
0x78: {  	[sflag:s24] =	ssyncadd.s32 $0xFFFFFC00  }
0x79: {  	_ =	swait.ge [sflag:s24], $0x400  }
0x7a: {  	[sflag:s24] =	ssyncset.done $0x0  }
0x7b: {  	[sflag:s24] =	ssyncadd.s32 $0xFFFFFC00  }
0x7c: {  	_ =	swait.ge [sflag:s24], $0x400  }
0x7d: {  	[sflag:s24] =	ssyncset.done $0x0  }
0x7e: {  	[sflag:s24] =	ssyncadd.s32 $0xFFFFFC00  }
0x7f: {  	_ =	swait.ge [sflag:s24], $0x400  }
0x80: {  	[sflag:s24] =	ssyncset.done $0x0  }
0x81: {  	[sflag:s24] =	ssyncadd.s32 $0xFFFFFC00  }
0x82: {  	_ =	swait.ge [sflag:s24], $0x400  }
0x83: {  	[sflag:s24] =	ssyncset.done $0x0  }
0x84: {  	s28 =	simm.s32 $0x0;
	[sflag:s24] =	ssyncadd.s32 $0xFFFFFC00  }
0x85: {  	v0 =	vld [tilespmem:s28+$0xF0]  }
0x86: {  	v1 =	vld [tilespmem:s28+$0x0]  }
0x87: {  	v2 =	vld [tilespmem:s28+$0x10]  }
0x88: {  	v3 =	vld [tilespmem:s28+$0x20]  }
0x89: {  	v4 =	vld [tilespmem:s28+$0x30]  }
0x8a: {  	v5 =	vld [tilespmem:s28+$0x40]  }
0x8b: {  	v6 =	vld [tilespmem:s28+$0x50]  }
0x8c: {  	v7 =	vld [tilespmem:s28+$0x60]  }
0x8d: {  	v9 =	vld [tilespmem:s28+$0x70]  }
0x8e: {  	v10 =	vld [tilespmem:s28+$0x80]  }
0x8f: {  	v11 =	vld [tilespmem:s28+$0x90]  }
0x90: {  	v12 =	vld [tilespmem:s28+$0xA0]  }
0x91: {  	v13 =	vld [tilespmem:s28+$0xB0]  }
0x92: {  	v14 =	vld [tilespmem:s28+$0xC0]  }
0x93: {  	v15 =	vld [tilespmem:s28+$0xE0]  }
0x94: {  	v8 =	vld.idx.msk [tilespmem:v0+s23+$0x0], $0xffff  }
0x95: {  	v16 =	vld.idx.msk [tilespmem:v1+s23+$0x0], $0xffff  }
0x96: {  	v0 =	vadd.s32 $0x2000, v0;
	v17 =	vld.idx.msk [tilespmem:v2+s23+$0x0], $0xffff  }
0x97: {  	v18 =	vld.idx.msk [tilespmem:v3+s23+$0x0], $0xffff  }
0x98: {  	v19 =	vld.idx.msk [tilespmem:v4+s23+$0x0], $0xffff  }
0x99: {  	v20 =	vld.idx.msk [tilespmem:v5+s23+$0x0], $0xffff  }
0x9a: {  	v52 =	vld.idx.msk [tilespmem:v7+s23+$0x0], $0xffff;
	[tilespmem:s28+$0x80F0] =	vst v8  }
0x9b: {  	v0 =	vld.idx.msk [tilespmem:v0+s23+$0x0], $0xffff  }
0x9c: {  	v53 =	vld.idx.msk [tilespmem:v9+s23+$0x0], $0xffff;
	[tilespmem:s28+$0x8000] =	vst v16  }
0x9d: {  	v54 =	vld.idx.msk [tilespmem:v10+s23+$0x0], $0xffff;
	[tilespmem:s28+$0x8010] =	vst v17  }
0x9e: {  	v55 =	vld.idx.msk [tilespmem:v11+s23+$0x0], $0xffff;
	[tilespmem:s28+$0x8020] =	vst v18  }
0x9f: {  	v1 =	vadd.s32 $0x2000, v1;
	v56 =	vld.idx.msk [tilespmem:v12+s23+$0x0], $0xffff;
	[tilespmem:s28+$0x8030] =	vst v19  }
0xa0: {  	[tilespmem:s28+$0xC0F0] =	vst v0;
	v0 =	vld.idx.msk [tilespmem:v6+s23+$0x0], $0xffff  }
0xa1: {  	v2 =	vadd.s32 $0x2000, v2;
	v57 =	vld.idx.msk [tilespmem:v14+s23+$0x0], $0xffff;
	[tilespmem:s28+$0x8040] =	vst v20  }
0xa2: {  	v3 =	vadd.s32 $0x2000, v3;
	v59 =	vld.idx.msk [tilespmem:v15+s23+$0x0], $0xffff;
	[tilespmem:s28+$0x8060] =	vst v52  }
0xa3: {  	v4 =	vadd.s32 $0x2000, v4;
	v8 =	vld [tilespmem:s28+$0xD0];
	[tilespmem:s28+$0x8070] =	vst v53  }
0xa4: {  	v5 =	vadd.s32 $0x2000, v5;
	[tilespmem:s28+$0x8080] =	vst v54;
	v1 =	vld.idx.msk [tilespmem:v1+s23+$0x0], $0xffff  }
0xa5: {  	v7 =	vadd.s32 $0x2000, v7;
	[tilespmem:s28+$0x8050] =	vst v0;
	v0 =	vld.idx.msk [tilespmem:v13+s23+$0x0], $0xffff  }
0xa6: {  	v9 =	vadd.s32 $0x2000, v9;
	[tilespmem:s28+$0x8090] =	vst v55;
	v2 =	vld.idx.msk [tilespmem:v2+s23+$0x0], $0xffff  }
0xa7: {  	v60 =	vadd.s32 $0x2000, v11;
	[tilespmem:s28+$0x80A0] =	vst v56;
	v3 =	vld.idx.msk [tilespmem:v3+s23+$0x0], $0xffff  }
0xa8: {  	[tilespmem:s28+$0x80C0] =	vst v57;
	v4 =	vld.idx.msk [tilespmem:v4+s23+$0x0], $0xffff  }
0xa9: {  	[tilespmem:s28+$0x80E0] =	vst v59;
	v5 =	vld.idx.msk [tilespmem:v5+s23+$0x0], $0xffff;
	v6 =	vadd.s32 $0x2000, v6  }
0xaa: {  	v7 =	vld.idx.msk [tilespmem:v7+s23+$0x0], $0xffff;
	[tilespmem:s28+$0x80B0] =	vst v0;
	v0 =	vadd.s32 $0x2000, v10  }
0xab: {  	v61 =	vadd.s32 $0x2000, v12;
	v9 =	vld.idx.msk [tilespmem:v9+s23+$0x0], $0xffff;
	[tilespmem:s28+$0xC000] =	vst v1  }
0xac: {  	v63 =	vadd.s32 $0x2000, v14;
	[tilespmem:s28+$0xC010] =	vst v2;
	v1 =	vld.idx.msk [tilespmem:v60+s23+$0x0], $0xffff  }
0xad: {  	v62 =	vadd.s32 $0x2000, v13;
	[tilespmem:s28+$0xC020] =	vst v3;
	v58 =	vld.idx.msk [tilespmem:v8+s23+$0x0], $0xffff  }
0xae: {  	[tilespmem:s28+$0xC030] =	vst v4;
	v8 =	vadd.s32 $0x2000, v8;
	v6 =	vld.idx.msk [tilespmem:v6+s23+$0x0], $0xffff  }
0xaf: {  	[tilespmem:s28+$0xC040] =	vst v5;
	v3 =	vld.idx.msk [tilespmem:v0+s23+$0x0], $0xffff;
	v0 =	vadd.s32 $0x2000, v15  }
0xb0: {  	v2 =	vld.idx.msk [tilespmem:v61+s23+$0x0], $0xffff;
	[tilespmem:s28+$0xC060] =	vst v7  }
0xb1: {  	v5 =	vld.idx.msk [tilespmem:v63+s23+$0x0], $0xffff;
	[tilespmem:s28+$0xC070] =	vst v9  }
0xb2: {  	[tilespmem:s28+$0x80D0] =	vst v58;
	v4 =	vld.idx.msk [tilespmem:v62+s23+$0x0], $0xffff  }
0xb3: {  	s30 =	simm.s32 $0x400;
	s29 =	simm.s32 $0x0;
	[tilespmem:s28+$0xC050] =	vst v6;
	v6 =	vld.idx.msk [tilespmem:v8+s23+$0x0], $0xffff  }
.LBB2_2:
0xb4: {  	s31 =	sshra.s32 s30, $0x2;
	s29 =	sadd.s32 $0x100, s29;
	[tilespmem:s28+$0xC080] =	vst v3;
	v0 =	vld.idx.msk [tilespmem:v0+s23+$0x0], $0xffff  }
0xb5: {  	v3 =	vld [tilespmem:s31+$0xF0];
	p0 =	slt.u32 s29, $0x1F00;
	[tilespmem:s28+$0xC090] =	vst v1  }
0xb6: {  	v1 =	vld [tilespmem:s31+$0x0];
	[tilespmem:s28+$0xC0A0] =	vst v2  }
0xb7: {  	v2 =	vld [tilespmem:s31+$0x10];
	[tilespmem:s28+$0xC0B0] =	vst v4  }
0xb8: {  	v4 =	vld [tilespmem:s31+$0x20];
	[tilespmem:s28+$0xC0C0] =	vst v5  }
0xb9: {  	v5 =	vld [tilespmem:s31+$0x30];
	[tilespmem:s28+$0xC0D0] =	vst v6  }
0xba: {  	v6 =	vld [tilespmem:s31+$0x40];
	[tilespmem:s28+$0xC0E0] =	vst v0;
	s28 =	smov.u32 s31  }
0xbb: {  	v7 =	vadd.s32 $0x2000, v1;
	v8 =	vld [tilespmem:s28+$0x50]  }
0xbc: {  	v9 =	vadd.s32 $0x2000, v2;
	v10 =	vld [tilespmem:s28+$0x60]  }
0xbd: {  	v11 =	vadd.s32 $0x2000, v4;
	v0 =	vld.idx.msk [tilespmem:v3+s23+$0x0], $0xffff  }
0xbe: {  	v12 =	vadd.s32 $0x2000, v5;
	v13 =	vld [tilespmem:s28+$0x70]  }
0xbf: {  	v3 =	vadd.s32 $0x2000, v3;
	v14 =	vadd.s32 $0x2000, v6;
	v15 =	vld [tilespmem:s28+$0x80]  }
0xc0: {  	v16 =	vadd.s32 $0x2000, v8;
	v17 =	vld [tilespmem:s28+$0x90]  }
0xc1: {  	v18 =	vadd.s32 $0x2000, v10;
	v19 =	vld [tilespmem:s28+$0xA0]  }
0xc2: {  	v20 =	vld [tilespmem:s28+$0xB0]  }
0xc3: {  	v21 =	vadd.s32 $0x2000, v13;
	v22 =	vld [tilespmem:s28+$0xC0];
	[tilespmem:s28+$0x80F0] =	vst v0  }
0xc4: {  	v23 =	vadd.s32 $0x2000, v15;
	v0 =	vld.idx.msk [tilespmem:v3+s23+$0x0], $0xffff  }
0xc5: {  	v24 =	vadd.s32 $0x2000, v17;
	v3 =	vld [tilespmem:s28+$0xD0]  }
0xc6: {  	v25 =	vadd.s32 $0x2000, v19;
	v26 =	vld [tilespmem:s28+$0xE0]  }
0xc7: {  	v1 =	vld.idx.msk [tilespmem:v1+s23+$0x0], $0xffff;
	v27 =	vadd.s32 $0x2000, v20  }
0xc8: {  	v2 =	vld.idx.msk [tilespmem:v2+s23+$0x0], $0xffff;
	v28 =	vadd.s32 $0x2000, v22  }
0xc9: {  	v4 =	vld.idx.msk [tilespmem:v4+s23+$0x0], $0xffff  }
0xca: {  	v5 =	vld.idx.msk [tilespmem:v5+s23+$0x0], $0xffff;
	v29 =	vadd.s32 $0x2000, v3;
	[tilespmem:s28+$0xC0F0] =	vst v0  }
0xcb: {  	v6 =	vld.idx.msk [tilespmem:v6+s23+$0x0], $0xffff;
	v0 =	vadd.s32 $0x2000, v26  }
0xcc: {  	v8 =	vld.idx.msk [tilespmem:v8+s23+$0x0], $0xffff  }
0xcd: {  	[tilespmem:s28+$0x8000] =	vst v1;
	v1 =	vld.idx.msk [tilespmem:v10+s23+$0x0], $0xffff  }
0xce: {  	[tilespmem:s28+$0x8010] =	vst v2;
	v2 =	vld.idx.msk [tilespmem:v13+s23+$0x0], $0xffff  }
0xcf: {  	[tilespmem:s28+$0x8020] =	vst v4;
	v4 =	vld.idx.msk [tilespmem:v15+s23+$0x0], $0xffff  }
0xd0: {  	[tilespmem:s28+$0x8030] =	vst v5;
	v5 =	vld.idx.msk [tilespmem:v17+s23+$0x0], $0xffff  }
0xd1: {  	[tilespmem:s28+$0x8040] =	vst v6;
	v6 =	vld.idx.msk [tilespmem:v19+s23+$0x0], $0xffff  }
0xd2: {  	[tilespmem:s28+$0x8050] =	vst v8;
	v8 =	vld.idx.msk [tilespmem:v20+s23+$0x0], $0xffff  }
0xd3: {  	[tilespmem:s28+$0x8060] =	vst v1;
	v1 =	vld.idx.msk [tilespmem:v22+s23+$0x0], $0xffff  }
0xd4: {  	[tilespmem:s28+$0x8070] =	vst v2;
	v2 =	vld.idx.msk [tilespmem:v3+s23+$0x0], $0xffff  }
0xd5: {  	[tilespmem:s28+$0x8080] =	vst v4;
	v3 =	vld.idx.msk [tilespmem:v26+s23+$0x0], $0xffff  }
0xd6: {  	v4 =	vld.idx.msk [tilespmem:v7+s23+$0x0], $0xffff;
	[tilespmem:s28+$0x8090] =	vst v5  }
0xd7: {  	v5 =	vld.idx.msk [tilespmem:v9+s23+$0x0], $0xffff;
	[tilespmem:s28+$0x80A0] =	vst v6  }
0xd8: {  	v6 =	vld.idx.msk [tilespmem:v11+s23+$0x0], $0xffff;
	[tilespmem:s28+$0x80B0] =	vst v8  }
0xd9: {  	v7 =	vld.idx.msk [tilespmem:v12+s23+$0x0], $0xffff;
	[tilespmem:s28+$0x80C0] =	vst v1  }
0xda: {  	v8 =	vld.idx.msk [tilespmem:v14+s23+$0x0], $0xffff;
	[tilespmem:s28+$0x80D0] =	vst v2  }
0xdb: {  	v9 =	vld.idx.msk [tilespmem:v16+s23+$0x0], $0xffff;
	[tilespmem:s28+$0x80E0] =	vst v3  }
0xdc: {  	[tilespmem:s28+$0xC000] =	vst v4;
	v10 =	vld.idx.msk [tilespmem:v18+s23+$0x0], $0xffff  }
0xdd: {  	[tilespmem:s28+$0xC010] =	vst v5;
	v11 =	vld.idx.msk [tilespmem:v21+s23+$0x0], $0xffff  }
0xde: {  	[tilespmem:s28+$0xC020] =	vst v6;
	v3 =	vld.idx.msk [tilespmem:v23+s23+$0x0], $0xffff  }
.Ltmp0:
0xdf: {  	[tilespmem:s28+$0xC030] =	vst v7;
	v1 =	vld.idx.msk [tilespmem:v24+s23+$0x0], $0xffff;
	(pc) =	sbr.rel @p0 .LBB2_2-.Ltmp0, $4  }
0xe0: {  	[tilespmem:s28+$0xC040] =	vst v8;
	v2 =	vld.idx.msk [tilespmem:v25+s23+$0x0], $0xffff  }
0xe1: {  	[tilespmem:s28+$0xC050] =	vst v9;
	v4 =	vld.idx.msk [tilespmem:v27+s23+$0x0], $0xffff  }
0xe2: {  	[tilespmem:s28+$0xC060] =	vst v10;
	v5 =	vld.idx.msk [tilespmem:v28+s23+$0x0], $0xffff  }
0xe3: {  	s30 =	sadd.s32 $0x400, s30;
	[tilespmem:s28+$0xC070] =	vst v11;
	v6 =	vld.idx.msk [tilespmem:v29+s23+$0x0], $0xffff  }
0xe4: {  	_ =	sdelay $0x2  }
0xe5: {  	[tilespmem:s28+$0xC080] =	vst v3  }
0xe6: {  	v0 =	vld.idx.msk [tilespmem:v0+s23+$0x0], $0xffff;
	[tilespmem:s28+$0xC090] =	vst v1  }
0xe7: {  	[tilespmem:s28+$0xC0A0] =	vst v2  }
0xe8: {  	[tilespmem:s28+$0xC0B0] =	vst v4  }
0xe9: {  	[tilespmem:s28+$0xC0C0] =	vst v5  }
0xea: {  	[tilespmem:s28+$0xC0D0] =	vst v6  }
0xeb: {  	[tilespmem:s28+$0xC0E0] =	vst v0  }
0xec: {  	s29 =	simm.s32 $0x8000;
	s28 =	rddreg [dreg:$0x6]  }
0xed: {  	[hbm4b:s28+s21] =	stream.strided.scatter [tilespmem:s29], [sflag:$0x2], $0x400, s22, s21, $0x38;
	[tilespmem:$0x10000] =	vst v63  }
0xee: {  	s28 =	rddreg [dreg:$0x7];
	s29 =	simm.s32 $0x8400  }
0xef: {  	[hbm4b:s28+s21] =	stream.strided.scatter [tilespmem:s29], [sflag:$0x2], $0x400, s22, s21, $0x38;
	[tilespmem:$0x10000] =	vst v63  }
0xf0: {  	s28 =	rddreg [dreg:$0x8];
	s29 =	simm.s32 $0x8800  }
0xf1: {  	[hbm4b:s28+s21] =	stream.strided.scatter [tilespmem:s29], [sflag:$0x2], $0x400, s22, s21, $0x38;
	[tilespmem:$0x10000] =	vst v63  }
0xf2: {  	s28 =	rddreg [dreg:$0x9];
	s29 =	simm.s32 $0x8C00  }
0xf3: {  	[hbm4b:s28+s21] =	stream.strided.scatter [tilespmem:s29], [sflag:$0x2], $0x400, s22, s21, $0x38;
	[tilespmem:$0x10000] =	vst v63  }
0xf4: {  	s28 =	rddreg [dreg:$0xa];
	s29 =	simm.s32 $0x9000  }
0xf5: {  	[hbm4b:s28+s21] =	stream.strided.scatter [tilespmem:s29], [sflag:$0x2], $0x400, s22, s21, $0x38;
	[tilespmem:$0x10000] =	vst v63  }
0xf6: {  	s28 =	rddreg [dreg:$0xb];
	s29 =	simm.s32 $0x9400  }
0xf7: {  	[hbm4b:s28+s21] =	stream.strided.scatter [tilespmem:s29], [sflag:$0x2], $0x400, s22, s21, $0x38;
	[tilespmem:$0x10000] =	vst v63  }
0xf8: {  	s28 =	rddreg [dreg:$0xc];
	s29 =	simm.s32 $0x9800  }
0xf9: {  	[hbm4b:s28+s21] =	stream.strided.scatter [tilespmem:s29], [sflag:$0x2], $0x400, s22, s21, $0x38;
	[tilespmem:$0x10000] =	vst v63  }
0xfa: {  	s28 =	rddreg [dreg:$0xd];
	s29 =	simm.s32 $0x9C00  }
0xfb: {  	[hbm4b:s28+s21] =	stream.strided.scatter [tilespmem:s29], [sflag:$0x2], $0x400, s22, s21, $0x38;
	[tilespmem:$0x10000] =	vst v63  }
0xfc: {  	s28 =	rddreg [dreg:$0xe];
	s29 =	simm.s32 $0xC000  }
0xfd: {  	[hbm4b:s28+s21] =	stream.strided.scatter [tilespmem:s29], [sflag:$0x2], $0x400, s22, s21, $0x38;
	[tilespmem:$0x10000] =	vst v63  }
0xfe: {  	s28 =	rddreg [dreg:$0xf];
	s29 =	simm.s32 $0xC400  }
0xff: {  	[hbm4b:s28+s21] =	stream.strided.scatter [tilespmem:s29], [sflag:$0x2], $0x400, s22, s21, $0x38;
	[tilespmem:$0x10000] =	vst v63  }
0x100: {  	s28 =	rddreg [dreg:$0x10];
	s29 =	simm.s32 $0xC800  }
0x101: {  	[hbm4b:s28+s21] =	stream.strided.scatter [tilespmem:s29], [sflag:$0x2], $0x400, s22, s21, $0x38;
	[tilespmem:$0x10000] =	vst v63  }
0x102: {  	s28 =	rddreg [dreg:$0x11];
	s29 =	simm.s32 $0xCC00  }
0x103: {  	[hbm4b:s28+s21] =	stream.strided.scatter [tilespmem:s29], [sflag:$0x2], $0x400, s22, s21, $0x38;
	[tilespmem:$0x10000] =	vst v63  }
0x104: {  	s28 =	rddreg [dreg:$0x12];
	s29 =	simm.s32 $0xD000  }
0x105: {  	[hbm4b:s28+s21] =	stream.strided.scatter [tilespmem:s29], [sflag:$0x2], $0x400, s22, s21, $0x38;
	[tilespmem:$0x10000] =	vst v63  }
0x106: {  	s28 =	rddreg [dreg:$0x13];
	s29 =	simm.s32 $0xD400  }
0x107: {  	[hbm4b:s28+s21] =	stream.strided.scatter [tilespmem:s29], [sflag:$0x2], $0x400, s22, s21, $0x38;
	[tilespmem:$0x10000] =	vst v63  }
0x108: {  	s28 =	rddreg [dreg:$0x14];
	s29 =	simm.s32 $0xD800  }
0x109: {  	[hbm4b:s28+s21] =	stream.strided.scatter [tilespmem:s29], [sflag:$0x2], $0x400, s22, s21, $0x38;
	[tilespmem:$0x10000] =	vst v63  }
0x10a: {  	s28 =	rddreg [dreg:$0x15];
	s29 =	simm.s32 $0xDC00  }
0x10b: {  	[hbm4b:s28+s21] =	stream.strided.scatter [tilespmem:s29], [sflag:$0x2], $0x400, s22, s21, $0x38;
	[tilespmem:$0x10000] =	vst v63  }
0x10c: {  	_ =	swait.ge [sflag:s24], $0x400  }
0x10d: {  	[sflag:s24] =	ssyncset.done $0x0  }
0x10e: {  	[sflag:s24] =	ssyncadd.s32 $0xFFFFFC00  }
0x10f: {  	_ =	swait.ge [sflag:s24], $0x400  }
0x110: {  	[sflag:s24] =	ssyncset.done $0x0  }
0x111: {  	[sflag:s24] =	ssyncadd.s32 $0xFFFFFC00  }
0x112: {  	_ =	swait.ge [sflag:s24], $0x400  }
0x113: {  	[sflag:s24] =	ssyncset.done $0x0  }
0x114: {  	[sflag:s24] =	ssyncadd.s32 $0xFFFFFC00  }
0x115: {  	_ =	swait.ge [sflag:s24], $0x400  }
0x116: {  	[sflag:s24] =	ssyncset.done $0x0  }
0x117: {  	[sflag:s24] =	ssyncadd.s32 $0xFFFFFC00  }
0x118: {  	_ =	swait.ge [sflag:s24], $0x400  }
0x119: {  	[sflag:s24] =	ssyncset.done $0x0  }
0x11a: {  	[sflag:s24] =	ssyncadd.s32 $0xFFFFFC00  }
0x11b: {  	_ =	swait.ge [sflag:s24], $0x400  }
0x11c: {  	[sflag:s24] =	ssyncset.done $0x0  }
0x11d: {  	[sflag:s24] =	ssyncadd.s32 $0xFFFFFC00  }
0x11e: {  	_ =	swait.ge [sflag:s24], $0x400  }
0x11f: {  	[sflag:s24] =	ssyncset.done $0x0  }
0x120: {  	[sflag:s24] =	ssyncadd.s32 $0xFFFFFC00  }
0x121: {  	_ =	swait.ge [sflag:s24], $0x400  }
0x122: {  	[sflag:s24] =	ssyncset.done $0x0  }
0x123: {  	s28 =	simm.s32 $0x0;
	[sflag:s24] =	ssyncadd.s32 $0xFFFFFC00  }
0x124: {  	v0 =	vld [tilespmem:s28+$0x20F0]  }
0x125: {  	v1 =	vld [tilespmem:s28+$0x2000]  }
0x126: {  	v2 =	vld [tilespmem:s28+$0x2010]  }
0x127: {  	v3 =	vld [tilespmem:s28+$0x2020]  }
0x128: {  	v4 =	vld [tilespmem:s28+$0x2030]  }
0x129: {  	v5 =	vld [tilespmem:s28+$0x2040]  }
0x12a: {  	v6 =	vld [tilespmem:s28+$0x2050]  }
0x12b: {  	v7 =	vld [tilespmem:s28+$0x2060]  }
0x12c: {  	v9 =	vld [tilespmem:s28+$0x2070]  }
0x12d: {  	v10 =	vld [tilespmem:s28+$0x2080]  }
0x12e: {  	v11 =	vld [tilespmem:s28+$0x2090]  }
0x12f: {  	v12 =	vld [tilespmem:s28+$0x20A0]  }
0x130: {  	v13 =	vld [tilespmem:s28+$0x20B0]  }
0x131: {  	v14 =	vld [tilespmem:s28+$0x20C0]  }
0x132: {  	v15 =	vld [tilespmem:s28+$0x20E0]  }
0x133: {  	v8 =	vld.idx.msk [tilespmem:v0+s23+$0x0], $0xffff  }
0x134: {  	v16 =	vld.idx.msk [tilespmem:v1+s23+$0x0], $0xffff  }
0x135: {  	v0 =	vadd.s32 $0x2000, v0;
	v17 =	vld.idx.msk [tilespmem:v2+s23+$0x0], $0xffff  }
0x136: {  	v18 =	vld.idx.msk [tilespmem:v3+s23+$0x0], $0xffff  }
0x137: {  	v19 =	vld.idx.msk [tilespmem:v4+s23+$0x0], $0xffff  }
0x138: {  	v20 =	vld.idx.msk [tilespmem:v5+s23+$0x0], $0xffff  }
0x139: {  	v52 =	vld.idx.msk [tilespmem:v7+s23+$0x0], $0xffff;
	[tilespmem:s28+$0xA0F0] =	vst v8  }
0x13a: {  	v0 =	vld.idx.msk [tilespmem:v0+s23+$0x0], $0xffff  }
0x13b: {  	v53 =	vld.idx.msk [tilespmem:v9+s23+$0x0], $0xffff;
	[tilespmem:s28+$0xA000] =	vst v16  }
0x13c: {  	v54 =	vld.idx.msk [tilespmem:v10+s23+$0x0], $0xffff;
	[tilespmem:s28+$0xA010] =	vst v17  }
0x13d: {  	v55 =	vld.idx.msk [tilespmem:v11+s23+$0x0], $0xffff;
	[tilespmem:s28+$0xA020] =	vst v18  }
0x13e: {  	v1 =	vadd.s32 $0x2000, v1;
	v56 =	vld.idx.msk [tilespmem:v12+s23+$0x0], $0xffff;
	[tilespmem:s28+$0xA030] =	vst v19  }
0x13f: {  	[tilespmem:s28+$0xE0F0] =	vst v0;
	v0 =	vld.idx.msk [tilespmem:v6+s23+$0x0], $0xffff  }
0x140: {  	v2 =	vadd.s32 $0x2000, v2;
	v57 =	vld.idx.msk [tilespmem:v14+s23+$0x0], $0xffff;
	[tilespmem:s28+$0xA040] =	vst v20  }
0x141: {  	v3 =	vadd.s32 $0x2000, v3;
	v59 =	vld.idx.msk [tilespmem:v15+s23+$0x0], $0xffff;
	[tilespmem:s28+$0xA060] =	vst v52  }
0x142: {  	v4 =	vadd.s32 $0x2000, v4;
	v8 =	vld [tilespmem:s28+$0x20D0];
	[tilespmem:s28+$0xA070] =	vst v53  }
0x143: {  	v5 =	vadd.s32 $0x2000, v5;
	[tilespmem:s28+$0xA080] =	vst v54;
	v1 =	vld.idx.msk [tilespmem:v1+s23+$0x0], $0xffff  }
0x144: {  	v7 =	vadd.s32 $0x2000, v7;
	[tilespmem:s28+$0xA050] =	vst v0;
	v0 =	vld.idx.msk [tilespmem:v13+s23+$0x0], $0xffff  }
0x145: {  	v9 =	vadd.s32 $0x2000, v9;
	[tilespmem:s28+$0xA090] =	vst v55;
	v2 =	vld.idx.msk [tilespmem:v2+s23+$0x0], $0xffff  }
0x146: {  	v60 =	vadd.s32 $0x2000, v11;
	[tilespmem:s28+$0xA0A0] =	vst v56;
	v3 =	vld.idx.msk [tilespmem:v3+s23+$0x0], $0xffff  }
0x147: {  	[tilespmem:s28+$0xA0C0] =	vst v57;
	v4 =	vld.idx.msk [tilespmem:v4+s23+$0x0], $0xffff  }
0x148: {  	[tilespmem:s28+$0xA0E0] =	vst v59;
	v5 =	vld.idx.msk [tilespmem:v5+s23+$0x0], $0xffff;
	v6 =	vadd.s32 $0x2000, v6  }
0x149: {  	v7 =	vld.idx.msk [tilespmem:v7+s23+$0x0], $0xffff;
	[tilespmem:s28+$0xA0B0] =	vst v0;
	v0 =	vadd.s32 $0x2000, v10  }
0x14a: {  	v61 =	vadd.s32 $0x2000, v12;
	v9 =	vld.idx.msk [tilespmem:v9+s23+$0x0], $0xffff;
	[tilespmem:s28+$0xE000] =	vst v1  }
0x14b: {  	v63 =	vadd.s32 $0x2000, v14;
	[tilespmem:s28+$0xE010] =	vst v2;
	v1 =	vld.idx.msk [tilespmem:v60+s23+$0x0], $0xffff  }
0x14c: {  	v62 =	vadd.s32 $0x2000, v13;
	[tilespmem:s28+$0xE020] =	vst v3;
	v58 =	vld.idx.msk [tilespmem:v8+s23+$0x0], $0xffff  }
0x14d: {  	[tilespmem:s28+$0xE030] =	vst v4;
	v8 =	vadd.s32 $0x2000, v8;
	v6 =	vld.idx.msk [tilespmem:v6+s23+$0x0], $0xffff  }
0x14e: {  	[tilespmem:s28+$0xE040] =	vst v5;
	v3 =	vld.idx.msk [tilespmem:v0+s23+$0x0], $0xffff;
	v0 =	vadd.s32 $0x2000, v15  }
0x14f: {  	v2 =	vld.idx.msk [tilespmem:v61+s23+$0x0], $0xffff;
	[tilespmem:s28+$0xE060] =	vst v7  }
0x150: {  	v5 =	vld.idx.msk [tilespmem:v63+s23+$0x0], $0xffff;
	[tilespmem:s28+$0xE070] =	vst v9  }
0x151: {  	[tilespmem:s28+$0xA0D0] =	vst v58;
	v4 =	vld.idx.msk [tilespmem:v62+s23+$0x0], $0xffff  }
0x152: {  	s30 =	simm.s32 $0x400;
	s29 =	simm.s32 $0x2000;
	[tilespmem:s28+$0xE050] =	vst v6;
	v6 =	vld.idx.msk [tilespmem:v8+s23+$0x0], $0xffff  }
.LBB2_4:
0x153: {  	s31 =	sshra.s32 s30, $0x2;
	s29 =	sadd.s32 $0x100, s29;
	[tilespmem:s28+$0xE080] =	vst v3;
	v0 =	vld.idx.msk [tilespmem:v0+s23+$0x0], $0xffff  }
0x154: {  	v3 =	vld [tilespmem:s31+$0x20F0];
	p0 =	slt.u32 s29, $0x3F00;
	[tilespmem:s28+$0xE090] =	vst v1  }
0x155: {  	v1 =	vld [tilespmem:s31+$0x2000];
	[tilespmem:s28+$0xE0A0] =	vst v2  }
0x156: {  	v2 =	vld [tilespmem:s31+$0x2010];
	[tilespmem:s28+$0xE0B0] =	vst v4  }
0x157: {  	v4 =	vld [tilespmem:s31+$0x2020];
	[tilespmem:s28+$0xE0C0] =	vst v5  }
0x158: {  	v5 =	vld [tilespmem:s31+$0x2030];
	[tilespmem:s28+$0xE0D0] =	vst v6  }
0x159: {  	v6 =	vld [tilespmem:s31+$0x2040];
	[tilespmem:s28+$0xE0E0] =	vst v0;
	s28 =	smov.u32 s31  }
0x15a: {  	v7 =	vadd.s32 $0x2000, v1;
	v8 =	vld [tilespmem:s28+$0x2050]  }
0x15b: {  	v9 =	vadd.s32 $0x2000, v2;
	v10 =	vld [tilespmem:s28+$0x2060]  }
0x15c: {  	v11 =	vadd.s32 $0x2000, v4;
	v0 =	vld.idx.msk [tilespmem:v3+s23+$0x0], $0xffff  }
0x15d: {  	v12 =	vadd.s32 $0x2000, v5;
	v13 =	vld [tilespmem:s28+$0x2070]  }
0x15e: {  	v3 =	vadd.s32 $0x2000, v3;
	v14 =	vadd.s32 $0x2000, v6;
	v15 =	vld [tilespmem:s28+$0x2080]  }
0x15f: {  	v16 =	vadd.s32 $0x2000, v8;
	v17 =	vld [tilespmem:s28+$0x2090]  }
0x160: {  	v18 =	vadd.s32 $0x2000, v10;
	v19 =	vld [tilespmem:s28+$0x20A0]  }
0x161: {  	v20 =	vld [tilespmem:s28+$0x20B0]  }
0x162: {  	v21 =	vadd.s32 $0x2000, v13;
	v22 =	vld [tilespmem:s28+$0x20C0];
	[tilespmem:s28+$0xA0F0] =	vst v0  }
0x163: {  	v23 =	vadd.s32 $0x2000, v15;
	v0 =	vld.idx.msk [tilespmem:v3+s23+$0x0], $0xffff  }
0x164: {  	v24 =	vadd.s32 $0x2000, v17;
	v3 =	vld [tilespmem:s28+$0x20D0]  }
0x165: {  	v25 =	vadd.s32 $0x2000, v19;
	v26 =	vld [tilespmem:s28+$0x20E0]  }
0x166: {  	v1 =	vld.idx.msk [tilespmem:v1+s23+$0x0], $0xffff;
	v27 =	vadd.s32 $0x2000, v20  }
0x167: {  	v2 =	vld.idx.msk [tilespmem:v2+s23+$0x0], $0xffff;
	v28 =	vadd.s32 $0x2000, v22  }
0x168: {  	v4 =	vld.idx.msk [tilespmem:v4+s23+$0x0], $0xffff  }
0x169: {  	v5 =	vld.idx.msk [tilespmem:v5+s23+$0x0], $0xffff;
	v29 =	vadd.s32 $0x2000, v3;
	[tilespmem:s28+$0xE0F0] =	vst v0  }
0x16a: {  	v6 =	vld.idx.msk [tilespmem:v6+s23+$0x0], $0xffff;
	v0 =	vadd.s32 $0x2000, v26  }
0x16b: {  	v8 =	vld.idx.msk [tilespmem:v8+s23+$0x0], $0xffff  }
0x16c: {  	[tilespmem:s28+$0xA000] =	vst v1;
	v1 =	vld.idx.msk [tilespmem:v10+s23+$0x0], $0xffff  }
0x16d: {  	[tilespmem:s28+$0xA010] =	vst v2;
	v2 =	vld.idx.msk [tilespmem:v13+s23+$0x0], $0xffff  }
0x16e: {  	[tilespmem:s28+$0xA020] =	vst v4;
	v4 =	vld.idx.msk [tilespmem:v15+s23+$0x0], $0xffff  }
0x16f: {  	[tilespmem:s28+$0xA030] =	vst v5;
	v5 =	vld.idx.msk [tilespmem:v17+s23+$0x0], $0xffff  }
0x170: {  	[tilespmem:s28+$0xA040] =	vst v6;
	v6 =	vld.idx.msk [tilespmem:v19+s23+$0x0], $0xffff  }
0x171: {  	[tilespmem:s28+$0xA050] =	vst v8;
	v8 =	vld.idx.msk [tilespmem:v20+s23+$0x0], $0xffff  }
0x172: {  	[tilespmem:s28+$0xA060] =	vst v1;
	v1 =	vld.idx.msk [tilespmem:v22+s23+$0x0], $0xffff  }
0x173: {  	[tilespmem:s28+$0xA070] =	vst v2;
	v2 =	vld.idx.msk [tilespmem:v3+s23+$0x0], $0xffff  }
0x174: {  	[tilespmem:s28+$0xA080] =	vst v4;
	v3 =	vld.idx.msk [tilespmem:v26+s23+$0x0], $0xffff  }
0x175: {  	v4 =	vld.idx.msk [tilespmem:v7+s23+$0x0], $0xffff;
	[tilespmem:s28+$0xA090] =	vst v5  }
0x176: {  	v5 =	vld.idx.msk [tilespmem:v9+s23+$0x0], $0xffff;
	[tilespmem:s28+$0xA0A0] =	vst v6  }
0x177: {  	v6 =	vld.idx.msk [tilespmem:v11+s23+$0x0], $0xffff;
	[tilespmem:s28+$0xA0B0] =	vst v8  }
0x178: {  	v7 =	vld.idx.msk [tilespmem:v12+s23+$0x0], $0xffff;
	[tilespmem:s28+$0xA0C0] =	vst v1  }
0x179: {  	v8 =	vld.idx.msk [tilespmem:v14+s23+$0x0], $0xffff;
	[tilespmem:s28+$0xA0D0] =	vst v2  }
0x17a: {  	v9 =	vld.idx.msk [tilespmem:v16+s23+$0x0], $0xffff;
	[tilespmem:s28+$0xA0E0] =	vst v3  }
0x17b: {  	[tilespmem:s28+$0xE000] =	vst v4;
	v10 =	vld.idx.msk [tilespmem:v18+s23+$0x0], $0xffff  }
0x17c: {  	[tilespmem:s28+$0xE010] =	vst v5;
	v11 =	vld.idx.msk [tilespmem:v21+s23+$0x0], $0xffff  }
0x17d: {  	[tilespmem:s28+$0xE020] =	vst v6;
	v3 =	vld.idx.msk [tilespmem:v23+s23+$0x0], $0xffff  }
.Ltmp1:
0x17e: {  	[tilespmem:s28+$0xE030] =	vst v7;
	v1 =	vld.idx.msk [tilespmem:v24+s23+$0x0], $0xffff;
	(pc) =	sbr.rel @p0 .LBB2_4-.Ltmp1, $4  }
0x17f: {  	[tilespmem:s28+$0xE040] =	vst v8;
	v2 =	vld.idx.msk [tilespmem:v25+s23+$0x0], $0xffff  }
0x180: {  	[tilespmem:s28+$0xE050] =	vst v9;
	v4 =	vld.idx.msk [tilespmem:v27+s23+$0x0], $0xffff  }
0x181: {  	[tilespmem:s28+$0xE060] =	vst v10;
	v5 =	vld.idx.msk [tilespmem:v28+s23+$0x0], $0xffff  }
0x182: {  	s30 =	sadd.s32 $0x400, s30;
	[tilespmem:s28+$0xE070] =	vst v11;
	v6 =	vld.idx.msk [tilespmem:v29+s23+$0x0], $0xffff  }
0x183: {  	_ =	sdelay $0x2  }
0x184: {  	[tilespmem:s28+$0xE080] =	vst v3  }
0x185: {  	v0 =	vld.idx.msk [tilespmem:v0+s23+$0x0], $0xffff;
	[tilespmem:s28+$0xE090] =	vst v1  }
0x186: {  	[tilespmem:s28+$0xE0A0] =	vst v2  }
0x187: {  	[tilespmem:s28+$0xE0B0] =	vst v4  }
0x188: {  	[tilespmem:s28+$0xE0C0] =	vst v5  }
0x189: {  	[tilespmem:s28+$0xE0D0] =	vst v6  }
0x18a: {  	[tilespmem:s28+$0xE0E0] =	vst v0  }
0x18b: {  	s29 =	simm.s32 $0xA000;
	s28 =	rddreg [dreg:$0x16]  }
0x18c: {  	[hbm4b:s28+s21] =	stream.strided.scatter [tilespmem:s29], [sflag:$0x2], $0x400, s22, s21, $0x38;
	[tilespmem:$0x10000] =	vst v63  }
0x18d: {  	s31 =	simm.s32 $0xA400;
	s30 =	rddreg [dreg:$0x17]  }
0x18e: {  	[hbm4b:s30+s21] =	stream.strided.scatter [tilespmem:s31], [sflag:$0x2], $0x400, s22, s21, $0x38;
	[tilespmem:$0x10000] =	vst v63  }
0x18f: {  	s30 =	rddreg [dreg:$0x18];
	s31 =	simm.s32 $0xA800  }
0x190: {  	[hbm4b:s30+s21] =	stream.strided.scatter [tilespmem:s31], [sflag:$0x2], $0x400, s22, s21, $0x38;
	[tilespmem:$0x10000] =	vst v63  }
0x191: {  	s30 =	rddreg [dreg:$0x19];
	s31 =	simm.s32 $0xAC00  }
0x192: {  	[hbm4b:s30+s21] =	stream.strided.scatter [tilespmem:s31], [sflag:$0x2], $0x400, s22, s21, $0x38;
	[tilespmem:$0x10000] =	vst v63  }
0x193: {  	s30 =	rddreg [dreg:$0x1a];
	s31 =	simm.s32 $0xB000  }
0x194: {  	[hbm4b:s30+s21] =	stream.strided.scatter [tilespmem:s31], [sflag:$0x2], $0x400, s22, s21, $0x38;
	[tilespmem:$0x10000] =	vst v63  }
0x195: {  	s30 =	rddreg [dreg:$0x1b];
	s31 =	simm.s32 $0xB400  }
0x196: {  	[hbm4b:s30+s21] =	stream.strided.scatter [tilespmem:s31], [sflag:$0x2], $0x400, s22, s21, $0x38;
	[tilespmem:$0x10000] =	vst v63  }
0x197: {  	s30 =	rddreg [dreg:$0x1c];
	s31 =	simm.s32 $0xB800  }
0x198: {  	[hbm4b:s30+s21] =	stream.strided.scatter [tilespmem:s31], [sflag:$0x2], $0x400, s22, s21, $0x38;
	[tilespmem:$0x10000] =	vst v63  }
0x199: {  	s30 =	rddreg [dreg:$0x1d];
	s31 =	simm.s32 $0xBC00  }
0x19a: {  	[hbm4b:s30+s21] =	stream.strided.scatter [tilespmem:s31], [sflag:$0x2], $0x400, s22, s21, $0x38;
	[tilespmem:$0x10000] =	vst v63  }
0x19b: {  	s30 =	rddreg [dreg:$0x1e];
	s31 =	simm.s32 $0xE000  }
0x19c: {  	[hbm4b:s30+s21] =	stream.strided.scatter [tilespmem:s31], [sflag:$0x2], $0x400, s22, s21, $0x38;
	[tilespmem:$0x10000] =	vst v63  }
0x19d: {  	s30 =	rddreg [dreg:$0x1f];
	s31 =	simm.s32 $0xE400  }
0x19e: {  	[hbm4b:s30+s21] =	stream.strided.scatter [tilespmem:s31], [sflag:$0x2], $0x400, s22, s21, $0x38;
	[tilespmem:$0x10000] =	vst v63  }
0x19f: {  	s30 =	sld [smem:$0x7FC];
	_ =	sdelay $0x1  }
0x1a0: {  	s31 =	simm.s32 $0xE800  }
0x1a1: {  	[hbm4b:s30+s21] =	stream.strided.scatter [tilespmem:s31], [sflag:$0x2], $0x400, s22, s21, $0x38;
	[tilespmem:$0x10000] =	vst v63  }
0x1a2: {  	s30 =	simm.s32 $0xEC00  }
0x1a3: {  	[hbm4b:s0+s21] =	stream.strided.scatter [tilespmem:s30], [sflag:$0x2], $0x400, s22, s21, $0x38;
	[tilespmem:$0x10000] =	vst v63  }
0x1a4: {  	s31 =	simm.s32 $0xF000  }
0x1a5: {  	[hbm4b:s1+s21] =	stream.strided.scatter [tilespmem:s31], [sflag:$0x2], $0x400, s22, s21, $0x38;
	[tilespmem:$0x10000] =	vst v63  }
0x1a6: {  	s29 =	simm.s32 $0xF400  }
0x1a7: {  	[hbm4b:s2+s21] =	stream.strided.scatter [tilespmem:s29], [sflag:$0x2], $0x400, s22, s21, $0x38;
	[tilespmem:$0x10000] =	vst v63  }
0x1a8: {  	s30 =	simm.s32 $0xF800  }
0x1a9: {  	[hbm4b:s3+s21] =	stream.strided.scatter [tilespmem:s30], [sflag:$0x2], $0x400, s22, s21, $0x38;
	[tilespmem:$0x10000] =	vst v63  }
0x1aa: {  	s31 =	simm.s32 $0xFC00  }
0x1ab: {  	[hbm4b:s4+s21] =	stream.strided.scatter [tilespmem:s31], [sflag:$0x2], $0x400, s22, s21, $0x38;
	[tilespmem:$0x10000] =	vst v63  }
0x1ac: {  	_ =	swait.ge [sflag:s25], $0x400  }
0x1ad: {  	[sflag:s25] =	ssyncset.done $0x0  }
0x1ae: {  	[sflag:s25] =	ssyncadd.s32 $0xFFFFFC00  }
0x1af: {  	_ =	swait.ge [sflag:s25], $0x400  }
0x1b0: {  	[sflag:s25] =	ssyncset.done $0x0  }
0x1b1: {  	[sflag:s25] =	ssyncadd.s32 $0xFFFFFC00  }
0x1b2: {  	_ =	swait.ge [sflag:s25], $0x400  }
0x1b3: {  	[sflag:s25] =	ssyncset.done $0x0  }
0x1b4: {  	[sflag:s25] =	ssyncadd.s32 $0xFFFFFC00  }
0x1b5: {  	_ =	swait.ge [sflag:s25], $0x400  }
0x1b6: {  	[sflag:s25] =	ssyncset.done $0x0  }
0x1b7: {  	[sflag:s25] =	ssyncadd.s32 $0xFFFFFC00  }
0x1b8: {  	_ =	swait.ge [sflag:s25], $0x400  }
0x1b9: {  	[sflag:s25] =	ssyncset.done $0x0  }
0x1ba: {  	[sflag:s25] =	ssyncadd.s32 $0xFFFFFC00  }
0x1bb: {  	_ =	swait.ge [sflag:s25], $0x400  }
0x1bc: {  	[sflag:s25] =	ssyncset.done $0x0  }
0x1bd: {  	[sflag:s25] =	ssyncadd.s32 $0xFFFFFC00  }
0x1be: {  	_ =	swait.ge [sflag:s25], $0x400  }
0x1bf: {  	[sflag:s25] =	ssyncset.done $0x0  }
0x1c0: {  	[sflag:s25] =	ssyncadd.s32 $0xFFFFFC00  }
0x1c1: {  	_ =	swait.ge [sflag:s25], $0x400  }
0x1c2: {  	[sflag:s25] =	ssyncset.done $0x0  }
0x1c3: {  	[sflag:s25] =	ssyncadd.s32 $0xFFFFFC00  }
0x1c4: {  	_ =	swait.ge [sflag:s25], $0x400  }
0x1c5: {  	[sflag:s25] =	ssyncset.done $0x0  }
0x1c6: {  	[sflag:s25] =	ssyncadd.s32 $0xFFFFFC00  }
0x1c7: {  	_ =	swait.ge [sflag:s25], $0x400  }
0x1c8: {  	[sflag:s25] =	ssyncset.done $0x0  }
0x1c9: {  	[sflag:s25] =	ssyncadd.s32 $0xFFFFFC00  }
0x1ca: {  	_ =	swait.ge [sflag:s25], $0x400  }
0x1cb: {  	[sflag:s25] =	ssyncset.done $0x0  }
0x1cc: {  	[sflag:s25] =	ssyncadd.s32 $0xFFFFFC00  }
0x1cd: {  	_ =	swait.ge [sflag:s25], $0x400  }
0x1ce: {  	[sflag:s25] =	ssyncset.done $0x0  }
0x1cf: {  	[sflag:s25] =	ssyncadd.s32 $0xFFFFFC00  }
0x1d0: {  	_ =	swait.ge [sflag:s25], $0x400  }
0x1d1: {  	[sflag:s25] =	ssyncset.done $0x0  }
0x1d2: {  	[sflag:s25] =	ssyncadd.s32 $0xFFFFFC00  }
0x1d3: {  	_ =	swait.ge [sflag:s25], $0x400  }
0x1d4: {  	[sflag:s25] =	ssyncset.done $0x0  }
0x1d5: {  	[sflag:s25] =	ssyncadd.s32 $0xFFFFFC00  }
0x1d6: {  	_ =	swait.ge [sflag:s25], $0x400  }
0x1d7: {  	[sflag:s25] =	ssyncset.done $0x0  }
0x1d8: {  	[sflag:s25] =	ssyncadd.s32 $0xFFFFFC00  }
0x1d9: {  	_ =	swait.ge [sflag:s25], $0x400  }
0x1da: {  	[sflag:s25] =	ssyncset.done $0x0  }
0x1db: {  	[sflag:s25] =	ssyncadd.s32 $0xFFFFFC00  }
0x1dc: {  	_ =	swait.ge [sflag:s25], $0x400  }
0x1dd: {  	[sflag:s25] =	ssyncset.done $0x0  }
0x1de: {  	[sflag:s25] =	ssyncadd.s32 $0xFFFFFC00  }
0x1df: {  	_ =	swait.ge [sflag:s25], $0x400  }
0x1e0: {  	[sflag:s25] =	ssyncset.done $0x0  }
0x1e1: {  	[sflag:s25] =	ssyncadd.s32 $0xFFFFFC00  }
0x1e2: {  	_ =	swait.ge [sflag:s25], $0x400  }
0x1e3: {  	[sflag:s25] =	ssyncset.done $0x0  }
0x1e4: {  	[sflag:s25] =	ssyncadd.s32 $0xFFFFFC00  }
0x1e5: {  	_ =	swait.ge [sflag:s25], $0x400  }
0x1e6: {  	[sflag:s25] =	ssyncset.done $0x0  }
0x1e7: {  	[sflag:s25] =	ssyncadd.s32 $0xFFFFFC00  }
0x1e8: {  	_ =	swait.ge [sflag:s25], $0x400  }
0x1e9: {  	[sflag:s25] =	ssyncset.done $0x0  }
0x1ea: {  	[sflag:s25] =	ssyncadd.s32 $0xFFFFFC00  }
0x1eb: {  	_ =	swait.ge [sflag:s25], $0x400  }
0x1ec: {  	[sflag:s25] =	ssyncset.done $0x0  }
0x1ed: {  	[sflag:s25] =	ssyncadd.s32 $0xFFFFFC00  }
0x1ee: {  	_ =	swait.ge [sflag:s25], $0x400  }
0x1ef: {  	[sflag:s25] =	ssyncset.done $0x0  }
0x1f0: {  	[sflag:s25] =	ssyncadd.s32 $0xFFFFFC00  }
0x1f1: {  	_ =	swait.ge [sflag:s25], $0x400  }
0x1f2: {  	[sflag:s25] =	ssyncset.done $0x0  }
0x1f3: {  	[sflag:s25] =	ssyncadd.s32 $0xFFFFFC00  }
0x1f4: {  	_ =	swait.ge [sflag:s25], $0x400  }
0x1f5: {  	[sflag:s25] =	ssyncset.done $0x0  }
0x1f6: {  	[sflag:s25] =	ssyncadd.s32 $0xFFFFFC00  }
0x1f7: {  	_ =	swait.ge [sflag:s25], $0x400  }
0x1f8: {  	[sflag:s25] =	ssyncset.done $0x0  }
0x1f9: {  	[sflag:s25] =	ssyncadd.s32 $0xFFFFFC00  }
0x1fa: {  	_ =	swait.ge [sflag:s25], $0x400  }
0x1fb: {  	[sflag:s25] =	ssyncset.done $0x0  }
0x1fc: {  	[sflag:s25] =	ssyncadd.s32 $0xFFFFFC00  }
0x1fd: {  	_ =	swait.ge [sflag:s25], $0x400  }
0x1fe: {  	[sflag:s25] =	ssyncset.done $0x0  }
0x1ff: {  	[sflag:s25] =	ssyncadd.s32 $0xFFFFFC00  }
0x200: {  	_ =	swait.ge [sflag:s25], $0x400  }
0x201: {  	[sflag:s25] =	ssyncset.done $0x0  }
0x202: {  	[sflag:s25] =	ssyncadd.s32 $0xFFFFFC00  }
0x203: {  	_ =	swait.ge [sflag:s25], $0x400  }
0x204: {  	[sflag:s25] =	ssyncset.done $0x0  }
0x205: {  	s26 =	sadd.s32 $0x1, s26;
	[sflag:s25] =	ssyncadd.s32 $0xFFFFFC00  }
0x206: {  	p0 =	sne.s32 s26, s5;
	_ =	swait.ge [sflag:s25], $0x400  }
.Ltmp2:
0x207: {  	[sflag:s25] =	ssyncset.done $0x0;
	(pc) =	sbr.rel @p0 .LBB2_1-.Ltmp2, $4  }
0x208: {  	[sflag:s25] =	ssyncadd.s32 $0xFFFFFC00  }
0x209: {  	_ =	swait.ge [sflag:s25], $0x400  }
0x20a: {  	[sflag:s25] =	ssyncset.done $0x0  }
0x20b: {  	[sflag:s25] =	ssyncadd.s32 $0xFFFFFC00  }
0x20c: {  	_ =	sfence.sel $0x180000  }
0x20d: {  	[bflag:$0x0] =	sbarrier.arrive $0xFFFF  }
0x20e: {  	_ =	strace $0x90000047  }
0x20f: {  	s0 =	stileid.u32;
	[bflag:$0x2] =	sbarrier.arrive $0xFFFF  }
0x210: {  	p0 =	sne.s32 s0, $0x0;
	s0 =	rddreg [dreg:$0x3]  }
0x211: {  	s0 =	sadd.s32 @!p0 $0x100000, s0  }
0x212: {  	[sflag:s0] =	ssyncadd.tile.s32 @!p0 $0x1;
	_ =	shalt  }
.Lfunc_end2:
_tile_overlayer_lowered:
.L_overlay_start_2:
0x213: {  	(tag) =	ssettag $0x2  }
0x214: {  	s0 =	rddreg [dreg:$0x0];
	s2 =	stileid.u32  }
0x215: {  	s1 =	rddreg [dreg:$0x1];
	p0 =	sne.s32 s2, $0x0  }
0x216: {  	s3 =	rddreg [dreg:$0x2];
	[bflag:$0x3] =	sbarrier.arrive $0xFFFF;
	s2 =	simm.s32 @!p0 $0x1C03  }
0x217: {  	[timem:s3], [sflag:s2] =	dma.local @!p0 [hbm:s0], s1  }
0x218: {  	s0 =	simm.s32 @!p0 $0x3  }
0x219: {  	_ =	swait.ge @!p0 [sflag:s0], s1  }
0x21a: {  	s1 =	ssub.s32 @!p0 $0x0, s1;
	[sflag:s0] =	ssyncset.done @!p0 $0x0  }
0x21b: {  	[sflag:s0] =	ssyncadd.s32 @!p0 s1  }
0x21c: {  	[bflag:$0x3] =	sbarrier.arrive $0xFFFF  }
0x21d: {  	_ =	shalt  }

</sc_bundles>
